<compile_context>
chip_gen: v7x
topology: tpu7x:2x2x1
jax: 0.10.2.dev20260603
libtpu: 0.0.44.dev20260713+nightly
codegen_flags: <defaults>
</compile_context>

<pallas_src>
import functools

import jax
import jax.numpy as jnp
from jax import lax
from jax.experimental import pallas as pl
from jax.experimental.pallas import tpu as pltpu
from jax.experimental.pallas import tpu_sc as plsc

NC = 2
NS = 16
K = 80
NZ = 125


def _fill(ref, nrows, ncols, value):
    npc = ncols // 16
    vec = jnp.full((16,), value, jnp.float32)

    def body(t, carry):
        r = t // npc
        j = t % npc
        ref[r, pl.ds(j * 16, 16)] = vec
        return carry

    lax.fori_loop(0, nrows * npc, body, 0)


def _make_deg(n, e):
    ept = e // (NC * NS)
    ni = ept // K
    npt = n // NS
    mesh = plsc.VectorSubcoreMesh(core_axis_name="c", subcore_axis_name="s", num_cores=NC, num_subcores=NS)

    @functools.partial(
        pl.kernel,
        out_type=jax.ShapeDtypeStruct((NC, NS, npt, 16), jnp.float32),
        mesh=mesh,
        scratch_types=[
            pltpu.VMEM((ni, K), jnp.int32),
            pltpu.VMEM((K, 16), jnp.float32),
            pltpu.VMEM((NZ, 16), jnp.float32),
            pltpu.SemaphoreType.DMA,
            pltpu.VMEM_SHARED((n, 16), jnp.float32),
        ],
        compiler_params=pltpu.CompilerParams(use_tc_tiling_on_sc=False),
    )
    def deg_kernel(dst_hbm, out_hbm, idx_v, ones_v, z_v, sem, acc):
        cid = lax.axis_index("c")
        sid = lax.axis_index("s")
        _fill(z_v, NZ, 16, 0.0)
        _fill(ones_v, K, 16, 1.0)
        for j in range(npt // NZ):
            pltpu.sync_copy(z_v, acc.at[pl.ds(sid * npt + j * NZ, NZ)])
        pltpu.sync_copy(dst_hbm.at[cid * NS + sid], idx_v)
        plsc.subcore_barrier()

        kf = 25
        assert ni % kf == 0

        def gbody(g, carry):
            def fire(i, c):
                pltpu.async_copy(ones_v, acc.at[idx_v.at[g * kf + i]],
                                 sem, add=True)
                return c
            lax.fori_loop(0, kf, fire, 0)

            def drain(i, c):
                pltpu.make_async_copy(ones_v, acc.at[idx_v.at[g * kf + i]],
                                      sem).wait()
                return c
            lax.fori_loop(0, kf, drain, 0)
            return carry

        lax.fori_loop(0, ni // kf, gbody, 0)
        plsc.subcore_barrier()
        pltpu.sync_copy(acc.at[pl.ds(sid * npt, npt)], out_hbm.at[cid, sid])

    return deg_kernel


def _make_scatter(n, e, dh):
    kc = 128
    nr = e // kc
    npt = n // NS
    q = nr // NS
    assert q * NS + 4 == nr and (q + 1) % 4 == 1
    mesh = plsc.VectorSubcoreMesh(core_axis_name="c", subcore_axis_name="s", num_cores=NC, num_subcores=NS)

    nb = 4
    nloops = q // nb
    assert q % nb == 0

    @functools.partial(
        pl.kernel,
        out_type=jax.ShapeDtypeStruct((NC, NS, npt, dh), jnp.float32),
        mesh=mesh,
        scratch_types=[
            pltpu.VMEM((q + 1, kc), jnp.int32),
            pltpu.VMEM((q + 1, kc), jnp.int32),
            [pltpu.VMEM((kc, dh), jnp.float32) for _ in range(nb)],
            pltpu.VMEM((NZ, dh), jnp.float32),
            [pltpu.SemaphoreType.DMA for _ in range(nb)],
            pltpu.VMEM_SHARED((n, dh), jnp.float32),
        ],
        compiler_params=pltpu.CompilerParams(use_tc_tiling_on_sc=False),
    )
    def scat_kernel(g_hbm, src_hbm, dst_hbm, out_hbm,
                    si_v, di_v, rows, z_v, sems, acc):
        cid = lax.axis_index("c")
        sid = lax.axis_index("s")
        _fill(z_v, NZ, dh, 0.0)
        for j in range(npt // NZ):
            pltpu.sync_copy(z_v, acc.at[pl.ds(sid * npt + j * NZ, NZ)])
        r0 = sid * q + jnp.maximum(sid - (NS - 4), 0)
        nt = jnp.where(sid >= NS - 4, q + 1, q)
        pltpu.sync_copy(src_hbm.at[pl.ds(r0, q + 1)], si_v)
        pltpu.sync_copy(dst_hbm.at[pl.ds(r0, q + 1)], di_v)
        plsc.subcore_barrier()

        for b in range(nb):
            pltpu.async_copy(g_hbm.at[cid].at[si_v.at[b]], rows[b], sems[b])

        def ebody(jj, carry):
            for b in range(nb):
                i = jj * nb + b
                pltpu.make_async_copy(g_hbm.at[cid].at[si_v.at[i]],
                                      rows[b], sems[b]).wait()
                pltpu.sync_copy(rows[b], acc.at[di_v.at[i]], add=True)

                @pl.when(i + nb < nt)
                def _():
                    pltpu.async_copy(g_hbm.at[cid].at[si_v.at[i + nb]],
                                     rows[b], sems[b])
            return carry

        lax.fori_loop(0, nloops, ebody, 0)

        @pl.when(nt > q)
        def _():
            pltpu.make_async_copy(g_hbm.at[cid].at[si_v.at[q]],
                                  rows[0], sems[0]).wait()
            pltpu.sync_copy(rows[0], acc.at[di_v.at[q]], add=True)

        plsc.subcore_barrier()
        pltpu.sync_copy(acc.at[pl.ds(sid * npt, npt)], out_hbm.at[cid, sid])

    return scat_kernel


def _make_tc_layer1(dh):
    def _tc_layer1(x_ref, w_ref, deg_ref, o_ref):
        dinv = lax.rsqrt(deg_ref[...] + 1.0)
        xw = jnp.dot(x_ref[...], w_ref[...],
                     preferred_element_type=jnp.float32) * dinv
        o_ref[0] = xw[:, :dh]
        o_ref[1] = xw[:, dh:]

    return _tc_layer1


def _make_tc_layer2(d2h):
    def _tc_layer2(p_ref, g_ref, deg_ref, w_ref, o_ref):
        dinv = lax.rsqrt(deg_ref[...] + 1.0)
        s = p_ref[...] + g_ref[...]
        h = jnp.concatenate([s[0], s[1]], axis=1) * dinv
        h = jnp.maximum(h, 0.0)
        g2 = jnp.dot(h, w_ref[...], preferred_element_type=jnp.float32) * dinv
        o_ref[0] = g2[:, :d2h]
        o_ref[1] = g2[:, d2h:]

    return _tc_layer2


def _make_tc_final(d_out):
    def _tc_final(p_ref, g_ref, deg_ref, o_ref):
        dinv = lax.rsqrt(deg_ref[...] + 1.0)
        s = p_ref[...] + g_ref[...]
        out = jnp.concatenate([s[0], s[1]], axis=1) * dinv
        o_ref[...] = out[:, :d_out]

    return _tc_final


def kernel(x, edge_index, y, W1, W2):
    n, _ = x.shape
    e = edge_index.shape[1]
    d_hid = W1.shape[1]
    d_out = W2.shape[1]
    d2p = 64
    dh = d_hid // 2
    d2h = d2p // 2

    ept = e // (NC * NS)
    srcd = edge_index[0].reshape(e // 128, 128)
    dstd = edge_index[1].reshape(e // 128, 128)
    dst_deg = edge_index[1].reshape(NC * NS, ept // K, K)

    degp = _make_deg(n, e)(dst_deg).reshape(NC, n, 16)
    deg = (degp[0] + degp[1])[:, :1]

    g1 = pl.pallas_call(
        _make_tc_layer1(dh),
        out_shape=jax.ShapeDtypeStruct((NC, n, dh), jnp.float32),
    )(x, W1, deg)

    p1 = _make_scatter(n, e, dh)(g1, srcd, dstd).reshape(NC, n, dh)

    w2p = jnp.pad(W2, ((0, 0), (0, d2p - d_out)))
    g2 = pl.pallas_call(
        _make_tc_layer2(d2h),
        out_shape=jax.ShapeDtypeStruct((NC, n, d2h), jnp.float32),
    )(p1, g1, deg, w2p)

    p2 = _make_scatter(n, e, d2h)(g2, srcd, dstd).reshape(NC, n, d2h)

    out = pl.pallas_call(
        _make_tc_final(d_out),
        out_shape=jax.ShapeDtypeStruct((n, d_out), jnp.float32),
    )(p2, g2, deg)
    return out

# --- scband reference (transcript-rebuilt; emitter-appended) ---
"""Pipeline reference for scband-gcn-40853728920038 (READ-ONLY COPY).

The authoritative reference and input builder live on the scoring server;
editing this copy changes nothing except your own understanding.
"""

import jax, jax.numpy as jnp
import numpy as np

N = 10000
E = 320000
D_IN = 128
D_HID = 128
D_OUT = 40


def setup_inputs(seed: int = 0) -> dict:
    key = jax.random.key(seed)
    k1, k2, k3, k4, k5 = jax.random.split(key, 5)
    x = jax.random.normal(k1, (N, D_IN), dtype=jnp.float32)
    edge_index = jax.random.randint(k2, (2, E), 0, N)
    y = jax.random.normal(k3, (N,), dtype=jnp.float32)
    W1 = jax.random.normal(k4, (D_IN, D_HID), dtype=jnp.float32) * (1.0 / np.sqrt(D_IN))
    W2 = jax.random.normal(k5, (D_HID, D_OUT), dtype=jnp.float32) * (1.0 / np.sqrt(D_HID))
    return {"x": x, "edge_index": edge_index, "y": y, "W1": W1, "W2": W2}


def _gcn_conv(x, edge_index, W):
    # GCNConv (PyG semantics, bias=False): add self-loops, symmetric normalization,
    # out = D^{-1/2} (A + I) D^{-1/2} X W
    n = x.shape[0]
    h = x @ W
    loop = jnp.arange(n, dtype=edge_index.dtype)
    src = jnp.concatenate([edge_index[0], loop])
    dst = jnp.concatenate([edge_index[1], loop])
    deg = jnp.zeros((n,), dtype=h.dtype).at[dst].add(1.0)
    dinv = jnp.where(deg > 0, jax.lax.rsqrt(deg), 0.0)
    norm = dinv[src] * dinv[dst]
    msg = h[src] * norm[:, None]
    out = jnp.zeros((n, h.shape[1]), dtype=h.dtype).at[dst].add(msg)
    return out


def reference(x, edge_index, y, W1, W2):
    # num_layers=2, type_norm='None' (bn is identity), dropout=0.0 / eval mode,
    # beta=0 so no auxiliary losses; corr metrics are side statistics that do not
    # affect the returned tensor.
    h = _gcn_conv(x, edge_index, W1)
    h = jax.nn.relu(h)
    out = _gcn_conv(h, edge_index, W2)
    return out

if __name__ == "__main__":
    import jax
    _d = setup_inputs()
    print(jax.jit(kernel)(*tuple(_d.values())))

</pallas_src>

<mosaic_0001>
#map = affine_map<(d0, d1) -> (0, 0, 0)>
#map1 = affine_map<(d0, d1) -> (0, 0)>
#map2 = affine_map<(d0, d1) -> (0, 0, 0, 0)>
module attributes {stable_mosaic.version = 14 : i64} {
  func.func @scat_kernel(%arg0: i32, %arg1: i32, %arg2: memref<2x10000x64xf32, #tpu.memory_space<hbm>>, %arg3: memref<2500x128xi32, #tpu.memory_space<hbm>>, %arg4: memref<2500x128xi32, #tpu.memory_space<hbm>>, %arg5: memref<2x16x625x64xf32, #tpu.memory_space<hbm>>, %arg6: memref<157x128xi32, #tpu.memory_space<vmem>>, %arg7: memref<157x128xi32, #tpu.memory_space<vmem>>, %arg8: memref<128x64xf32, #tpu.memory_space<vmem>>, %arg9: memref<128x64xf32, #tpu.memory_space<vmem>>, %arg10: memref<128x64xf32, #tpu.memory_space<vmem>>, %arg11: memref<128x64xf32, #tpu.memory_space<vmem>>, %arg12: memref<125x64xf32, #tpu.memory_space<vmem>>, %arg13: memref<!tpu.dma_semaphore, #tpu.memory_space<semaphore_mem>>, %arg14: memref<!tpu.dma_semaphore, #tpu.memory_space<semaphore_mem>>, %arg15: memref<!tpu.dma_semaphore, #tpu.memory_space<semaphore_mem>>, %arg16: memref<!tpu.dma_semaphore, #tpu.memory_space<semaphore_mem>>, %arg17: memref<10000x64xf32, #tpu.memory_space<vmem_shared>>) attributes {dimension_semantics = [#tpu.dimension_semantics<core_parallel>, #tpu.dimension_semantics<subcore_parallel>], iteration_bounds = array<i64: 2, 16>, scalar_prefetch = 0 : i64, scratch_operands = 12 : i64, tpu.core_type = #tpu.core_type<sc_vector_subcore>, window_params = [{transform_indices = #map}, {transform_indices = #map1}, {transform_indices = #map1}, {transform_indices = #map2}]} {
    %broadcast_in_dim3A = arith.constant 0.000000e+00 : f32
    %broadcast_in_dim3A_0 = vector.broadcast %broadcast_in_dim3A : f32 to vector<16xf32>
    %scan3A = arith.constant 0 : i32
    %scan3A_1 = arith.constant 0 : i32
    %scan3A_2 = arith.constant 500 : i32
    %scan3A_3 = arith.addi %scan3A_1, %scan3A_2 : i32
    %scan3A_4 = arith.constant 1 : i32
    scf.for %scan3A_85 = %scan3A_1 to %scan3A_3 step %scan3A_4  : i32 {
      %jit3A_86 = arith.constant 4 : i32
      %div3A = arith.divsi %scan3A_85, %jit3A_86 : i32
      %sign3A = arith.constant 0 : i32
      %sign3A_87 = arith.cmpi sgt, %scan3A_85, %sign3A : i32
      %sign3A_88 = arith.extui %sign3A_87 : i1 to i32
      %sign3A_89 = arith.constant 0 : i32
      %sign3A_90 = arith.cmpi slt, %scan3A_85, %sign3A_89 : i32
      %sign3A_91 = arith.extui %sign3A_90 : i1 to i32
      %sign3A_92 = arith.subi %sign3A_88, %sign3A_91 : i32
      %sign3A_93 = arith.constant 0 : i32
      %sign3A_94 = arith.cmpi sgt, %jit3A_86, %sign3A_93 : i32
      %sign3A_95 = arith.extui %sign3A_94 : i1 to i32
      %sign3A_96 = arith.constant 0 : i32
      %sign3A_97 = arith.cmpi slt, %jit3A_86, %sign3A_96 : i32
      %sign3A_98 = arith.extui %sign3A_97 : i1 to i32
      %sign3A_99 = arith.subi %sign3A_95, %sign3A_98 : i32
      %ne3A = arith.cmpi ne, %sign3A_92, %sign3A_99 : i32
      %rem3A = arith.remsi %scan3A_85, %jit3A_86 : i32
      %ne3A_100 = arith.constant 0 : i32
      %ne3A_101 = arith.cmpi ne, %rem3A, %ne3A_100 : i32
      %and3A = arith.andi %ne3A, %ne3A_101 : i1
      %sub3A_102 = arith.constant 1 : i32
      %sub3A_103 = arith.subi %div3A, %sub3A_102 : i32
      %select_n3A_104 = arith.select %and3A, %sub3A_103, %div3A : i32
      %jit3A_105 = arith.constant 4 : i32
      %eq3A = arith.constant 0 : i32
      %eq3A_106 = arith.cmpi eq, %jit3A_105, %eq3A : i32
      %jit3A_107 = arith.constant 1 : i32
      %select_n3A_108 = arith.select %eq3A_106, %jit3A_107, %jit3A_105 : i32
      %rem3A_109 = arith.remsi %scan3A_85, %select_n3A_108 : i32
      %ne3A_110 = arith.constant 0 : i32
      %ne3A_111 = arith.cmpi ne, %rem3A_109, %ne3A_110 : i32
      %lt3A = arith.constant 0 : i32
      %lt3A_112 = arith.cmpi slt, %rem3A_109, %lt3A : i32
      %lt3A_113 = arith.constant 0 : i32
      %lt3A_114 = arith.cmpi slt, %select_n3A_108, %lt3A_113 : i32
      %ne3A_115 = arith.xori %lt3A_112, %lt3A_114 : i1
      %and3A_116 = arith.andi %ne3A_115, %ne3A_111 : i1
      %add3A_117 = arith.addi %rem3A_109, %select_n3A_108 : i32
      %select_n3A_118 = arith.select %and3A_116, %add3A_117, %rem3A_109 : i32
      %mul3A_119 = arith.constant 16 : i32
      %mul3A_120 = arith.muli %select_n3A_118, %mul3A_119 : i32
      %swap3A = arith.index_cast %select_n3A_104 : i32 to index
      %swap3A_121 = arith.index_cast %mul3A_120 : i32 to index
      %swap3A_122 = tpu.vector_load %arg12[%swap3A, %swap3A_121] {strides = array<i32>} : memref<125x64xf32, #tpu.memory_space<vmem>>, vector<1x16xf32>,
      %swap3A_123 = vector.shape_cast %swap3A_122 : vector<1x16xf32> to vector<16xf32>
      %swap3A_124 = vector.shape_cast %broadcast_in_dim3A_0 : vector<16xf32> to vector<1x16xf32>
      tpu.vector_store %arg12[%swap3A, %swap3A_121], %swap3A_124 {strides = array<i32>} : memref<125x64xf32, #tpu.memory_space<vmem>>, vector<1x16xf32>,
    }
    %scan3A_5 = arith.constant 500 : i32
    %mul3A = arith.constant 625 : i32
    %mul3A_6 = arith.muli %arg1, %mul3A : i32
    %add3A = arith.constant 0 : i32
    %add3A_7 = arith.addi %mul3A_6, %add3A : i32
    "tpu.region"() ({
      %run_scoped3A = tpu.sem_alloc : memref<!tpu.dma_semaphore, #tpu.memory_space<semaphore_mem>>
      %dma_start3A_85 = arith.constant 0 : i32
      %dma_start3A_86 = tpu.memref_slice %arg17[%add3A_7, %dma_start3A_85] : memref<10000x64xf32, #tpu.memory_space<vmem_shared>> -> memref<125x64xf32, #tpu.memory_space<vmem_shared>>
      %dma_start3A_87 = arith.constant 0 : i32
      %dma_start3A_88 = tpu.memref_slice %arg17[%add3A_7, %dma_start3A_87] : memref<10000x64xf32, #tpu.memory_space<vmem_shared>> -> memref<125x64xf32, #tpu.memory_space<vmem_shared>>
      tpu.enqueue_dma source(%arg12 : memref<125x64xf32, #tpu.memory_space<vmem>>) target(%dma_start3A_88 : memref<125x64xf32, #tpu.memory_space<vmem_shared>>) target_semaphore(%run_scoped3A : memref<!tpu.dma_semaphore, #tpu.memory_space<semaphore_mem>>)
      %dma_wait3A = arith.constant 0 : i32
      %dma_wait3A_89 = tpu.memref_slice %arg17[%add3A_7, %dma_wait3A] : memref<10000x64xf32, #tpu.memory_space<vmem_shared>> -> memref<125x64xf32, #tpu.memory_space<vmem_shared>>
      %dma_wait3A_90 = arith.constant 0 : i32
      %dma_wait3A_91 = tpu.memref_slice %arg17[%add3A_7, %dma_wait3A_90] : memref<10000x64xf32, #tpu.memory_space<vmem_shared>> -> memref<125x64xf32, #tpu.memory_space<vmem_shared>>
      tpu.wait_dma2 semaphore(%run_scoped3A : memref<!tpu.dma_semaphore, #tpu.memory_space<semaphore_mem>>) src(%arg12 : memref<125x64xf32, #tpu.memory_space<vmem>>) dst(%dma_wait3A_91 : memref<125x64xf32, #tpu.memory_space<vmem_shared>>)
      tpu.yield
    }) : () -> ()
    %mul3A_8 = arith.constant 625 : i32
    %mul3A_9 = arith.muli %arg1, %mul3A_8 : i32
    %add3A_10 = arith.constant 125 : i32
    %add3A_11 = arith.addi %mul3A_9, %add3A_10 : i32
    "tpu.region"() ({
      %run_scoped3A = tpu.sem_alloc : memref<!tpu.dma_semaphore, #tpu.memory_space<semaphore_mem>>
      %dma_start3A_85 = arith.constant 0 : i32
      %dma_start3A_86 = tpu.memref_slice %arg17[%add3A_11, %dma_start3A_85] : memref<10000x64xf32, #tpu.memory_space<vmem_shared>> -> memref<125x64xf32, #tpu.memory_space<vmem_shared>>
      %dma_start3A_87 = arith.constant 0 : i32
      %dma_start3A_88 = tpu.memref_slice %arg17[%add3A_11, %dma_start3A_87] : memref<10000x64xf32, #tpu.memory_space<vmem_shared>> -> memref<125x64xf32, #tpu.memory_space<vmem_shared>>
      tpu.enqueue_dma source(%arg12 : memref<125x64xf32, #tpu.memory_space<vmem>>) target(%dma_start3A_88 : memref<125x64xf32, #tpu.memory_space<vmem_shared>>) target_semaphore(%run_scoped3A : memref<!tpu.dma_semaphore, #tpu.memory_space<semaphore_mem>>)
      %dma_wait3A = arith.constant 0 : i32
      %dma_wait3A_89 = tpu.memref_slice %arg17[%add3A_11, %dma_wait3A] : memref<10000x64xf32, #tpu.memory_space<vmem_shared>> -> memref<125x64xf32, #tpu.memory_space<vmem_shared>>
      %dma_wait3A_90 = arith.constant 0 : i32
      %dma_wait3A_91 = tpu.memref_slice %arg17[%add3A_11, %dma_wait3A_90] : memref<10000x64xf32, #tpu.memory_space<vmem_shared>> -> memref<125x64xf32, #tpu.memory_space<vmem_shared>>
      tpu.wait_dma2 semaphore(%run_scoped3A : memref<!tpu.dma_semaphore, #tpu.memory_space<semaphore_mem>>) src(%arg12 : memref<125x64xf32, #tpu.memory_space<vmem>>) dst(%dma_wait3A_91 : memref<125x64xf32, #tpu.memory_space<vmem_shared>>)
      tpu.yield
    }) : () -> ()
    %mul3A_12 = arith.constant 625 : i32
    %mul3A_13 = arith.muli %arg1, %mul3A_12 : i32
    %add3A_14 = arith.constant 250 : i32
    %add3A_15 = arith.addi %mul3A_13, %add3A_14 : i32
    "tpu.region"() ({
      %run_scoped3A = tpu.sem_alloc : memref<!tpu.dma_semaphore, #tpu.memory_space<semaphore_mem>>
      %dma_start3A_85 = arith.constant 0 : i32
      %dma_start3A_86 = tpu.memref_slice %arg17[%add3A_15, %dma_start3A_85] : memref<10000x64xf32, #tpu.memory_space<vmem_shared>> -> memref<125x64xf32, #tpu.memory_space<vmem_shared>>
      %dma_start3A_87 = arith.constant 0 : i32
      %dma_start3A_88 = tpu.memref_slice %arg17[%add3A_15, %dma_start3A_87] : memref<10000x64xf32, #tpu.memory_space<vmem_shared>> -> memref<125x64xf32, #tpu.memory_space<vmem_shared>>
      tpu.enqueue_dma source(%arg12 : memref<125x64xf32, #tpu.memory_space<vmem>>) target(%dma_start3A_88 : memref<125x64xf32, #tpu.memory_space<vmem_shared>>) target_semaphore(%run_scoped3A : memref<!tpu.dma_semaphore, #tpu.memory_space<semaphore_mem>>)
      %dma_wait3A = arith.constant 0 : i32
      %dma_wait3A_89 = tpu.memref_slice %arg17[%add3A_15, %dma_wait3A] : memref<10000x64xf32, #tpu.memory_space<vmem_shared>> -> memref<125x64xf32, #tpu.memory_space<vmem_shared>>
      %dma_wait3A_90 = arith.constant 0 : i32
      %dma_wait3A_91 = tpu.memref_slice %arg17[%add3A_15, %dma_wait3A_90] : memref<10000x64xf32, #tpu.memory_space<vmem_shared>> -> memref<125x64xf32, #tpu.memory_space<vmem_shared>>
      tpu.wait_dma2 semaphore(%run_scoped3A : memref<!tpu.dma_semaphore, #tpu.memory_space<semaphore_mem>>) src(%arg12 : memref<125x64xf32, #tpu.memory_space<vmem>>) dst(%dma_wait3A_91 : memref<125x64xf32, #tpu.memory_space<vmem_shared>>)
      tpu.yield
    }) : () -> ()
    %mul3A_16 = arith.constant 625 : i32
    %mul3A_17 = arith.muli %arg1, %mul3A_16 : i32
    %add3A_18 = arith.constant 375 : i32
    %add3A_19 = arith.addi %mul3A_17, %add3A_18 : i32
    "tpu.region"() ({
      %run_scoped3A = tpu.sem_alloc : memref<!tpu.dma_semaphore, #tpu.memory_space<semaphore_mem>>
      %dma_start3A_85 = arith.constant 0 : i32
      %dma_start3A_86 = tpu.memref_slice %arg17[%add3A_19, %dma_start3A_85] : memref<10000x64xf32, #tpu.memory_space<vmem_shared>> -> memref<125x64xf32, #tpu.memory_space<vmem_shared>>
      %dma_start3A_87 = arith.constant 0 : i32
      %dma_start3A_88 = tpu.memref_slice %arg17[%add3A_19, %dma_start3A_87] : memref<10000x64xf32, #tpu.memory_space<vmem_shared>> -> memref<125x64xf32, #tpu.memory_space<vmem_shared>>
      tpu.enqueue_dma source(%arg12 : memref<125x64xf32, #tpu.memory_space<vmem>>) target(%dma_start3A_88 : memref<125x64xf32, #tpu.memory_space<vmem_shared>>) target_semaphore(%run_scoped3A : memref<!tpu.dma_semaphore, #tpu.memory_space<semaphore_mem>>)
      %dma_wait3A = arith.constant 0 : i32
      %dma_wait3A_89 = tpu.memref_slice %arg17[%add3A_19, %dma_wait3A] : memref<10000x64xf32, #tpu.memory_space<vmem_shared>> -> memref<125x64xf32, #tpu.memory_space<vmem_shared>>
      %dma_wait3A_90 = arith.constant 0 : i32
      %dma_wait3A_91 = tpu.memref_slice %arg17[%add3A_19, %dma_wait3A_90] : memref<10000x64xf32, #tpu.memory_space<vmem_shared>> -> memref<125x64xf32, #tpu.memory_space<vmem_shared>>
      tpu.wait_dma2 semaphore(%run_scoped3A : memref<!tpu.dma_semaphore, #tpu.memory_space<semaphore_mem>>) src(%arg12 : memref<125x64xf32, #tpu.memory_space<vmem>>) dst(%dma_wait3A_91 : memref<125x64xf32, #tpu.memory_space<vmem_shared>>)
      tpu.yield
    }) : () -> ()
    %mul3A_20 = arith.constant 625 : i32
    %mul3A_21 = arith.muli %arg1, %mul3A_20 : i32
    %add3A_22 = arith.constant 500 : i32
    %add3A_23 = arith.addi %mul3A_21, %add3A_22 : i32
    "tpu.region"() ({
      %run_scoped3A = tpu.sem_alloc : memref<!tpu.dma_semaphore, #tpu.memory_space<semaphore_mem>>
      %dma_start3A_85 = arith.constant 0 : i32
      %dma_start3A_86 = tpu.memref_slice %arg17[%add3A_23, %dma_start3A_85] : memref<10000x64xf32, #tpu.memory_space<vmem_shared>> -> memref<125x64xf32, #tpu.memory_space<vmem_shared>>
      %dma_start3A_87 = arith.constant 0 : i32
      %dma_start3A_88 = tpu.memref_slice %arg17[%add3A_23, %dma_start3A_87] : memref<10000x64xf32, #tpu.memory_space<vmem_shared>> -> memref<125x64xf32, #tpu.memory_space<vmem_shared>>
      tpu.enqueue_dma source(%arg12 : memref<125x64xf32, #tpu.memory_space<vmem>>) target(%dma_start3A_88 : memref<125x64xf32, #tpu.memory_space<vmem_shared>>) target_semaphore(%run_scoped3A : memref<!tpu.dma_semaphore, #tpu.memory_space<semaphore_mem>>)
      %dma_wait3A = arith.constant 0 : i32
      %dma_wait3A_89 = tpu.memref_slice %arg17[%add3A_23, %dma_wait3A] : memref<10000x64xf32, #tpu.memory_space<vmem_shared>> -> memref<125x64xf32, #tpu.memory_space<vmem_shared>>
      %dma_wait3A_90 = arith.constant 0 : i32
      %dma_wait3A_91 = tpu.memref_slice %arg17[%add3A_23, %dma_wait3A_90] : memref<10000x64xf32, #tpu.memory_space<vmem_shared>> -> memref<125x64xf32, #tpu.memory_space<vmem_shared>>
      tpu.wait_dma2 semaphore(%run_scoped3A : memref<!tpu.dma_semaphore, #tpu.memory_space<semaphore_mem>>) src(%arg12 : memref<125x64xf32, #tpu.memory_space<vmem>>) dst(%dma_wait3A_91 : memref<125x64xf32, #tpu.memory_space<vmem_shared>>)
      tpu.yield
    }) : () -> ()
    %mul3A_24 = arith.constant 156 : i32
    %mul3A_25 = arith.muli %arg1, %mul3A_24 : i32
    %sub3A = arith.constant 12 : i32
    %sub3A_26 = arith.subi %arg1, %sub3A : i32
    %max3A = arith.constant 0 : i32
    %max3A_27 = arith.maxsi %sub3A_26, %max3A : i32
    %add3A_28 = arith.addi %mul3A_25, %max3A_27 : i32
    %ge3A = arith.constant 12 : i32
    %ge3A_29 = arith.cmpi sge, %arg1, %ge3A : i32
    %jit3A = arith.constant 157 : i32
    %jit3A_30 = arith.constant 156 : i32
    %select_n3A = arith.select %ge3A_29, %jit3A, %jit3A_30 : i32
    "tpu.region"() ({
      %run_scoped3A = tpu.sem_alloc : memref<!tpu.dma_semaphore, #tpu.memory_space<semaphore_mem>>
      %dma_start3A_85 = arith.constant 0 : i32
      %dma_start3A_86 = tpu.memref_slice %arg3[%add3A_28, %dma_start3A_85] : memref<2500x128xi32, #tpu.memory_space<hbm>> -> memref<157x128xi32, #tpu.memory_space<hbm>>
      %dma_start3A_87 = arith.constant 0 : i32
      %dma_start3A_88 = tpu.memref_slice %arg3[%add3A_28, %dma_start3A_87] : memref<2500x128xi32, #tpu.memory_space<hbm>> -> memref<157x128xi32, #tpu.memory_space<hbm>>
      tpu.enqueue_dma source(%dma_start3A_88 : memref<157x128xi32, #tpu.memory_space<hbm>>) target(%arg6 : memref<157x128xi32, #tpu.memory_space<vmem>>) target_semaphore(%run_scoped3A : memref<!tpu.dma_semaphore, #tpu.memory_space<semaphore_mem>>)
      %dma_wait3A = arith.constant 0 : i32
      %dma_wait3A_89 = tpu.memref_slice %arg3[%add3A_28, %dma_wait3A] : memref<2500x128xi32, #tpu.memory_space<hbm>> -> memref<157x128xi32, #tpu.memory_space<hbm>>
      %dma_wait3A_90 = arith.constant 0 : i32
      %dma_wait3A_91 = tpu.memref_slice %arg3[%add3A_28, %dma_wait3A_90] : memref<2500x128xi32, #tpu.memory_space<hbm>> -> memref<157x128xi32, #tpu.memory_space<hbm>>
      tpu.wait_dma2 semaphore(%run_scoped3A : memref<!tpu.dma_semaphore, #tpu.memory_space<semaphore_mem>>) src(%dma_wait3A_91 : memref<157x128xi32, #tpu.memory_space<hbm>>) dst(%arg6 : memref<157x128xi32, #tpu.memory_space<vmem>>)
      tpu.yield
    }) : () -> ()
    "tpu.region"() ({
      %run_scoped3A = tpu.sem_alloc : memref<!tpu.dma_semaphore, #tpu.memory_space<semaphore_mem>>
      %dma_start3A_85 = arith.constant 0 : i32
      %dma_start3A_86 = tpu.memref_slice %arg4[%add3A_28, %dma_start3A_85] : memref<2500x128xi32, #tpu.memory_space<hbm>> -> memref<157x128xi32, #tpu.memory_space<hbm>>
      %dma_start3A_87 = arith.constant 0 : i32
      %dma_start3A_88 = tpu.memref_slice %arg4[%add3A_28, %dma_start3A_87] : memref<2500x128xi32, #tpu.memory_space<hbm>> -> memref<157x128xi32, #tpu.memory_space<hbm>>
      tpu.enqueue_dma source(%dma_start3A_88 : memref<157x128xi32, #tpu.memory_space<hbm>>) target(%arg7 : memref<157x128xi32, #tpu.memory_space<vmem>>) target_semaphore(%run_scoped3A : memref<!tpu.dma_semaphore, #tpu.memory_space<semaphore_mem>>)
      %dma_wait3A = arith.constant 0 : i32
      %dma_wait3A_89 = tpu.memref_slice %arg4[%add3A_28, %dma_wait3A] : memref<2500x128xi32, #tpu.memory_space<hbm>> -> memref<157x128xi32, #tpu.memory_space<hbm>>
      %dma_wait3A_90 = arith.constant 0 : i32
      %dma_wait3A_91 = tpu.memref_slice %arg4[%add3A_28, %dma_wait3A_90] : memref<2500x128xi32, #tpu.memory_space<hbm>> -> memref<157x128xi32, #tpu.memory_space<hbm>>
      tpu.wait_dma2 semaphore(%run_scoped3A : memref<!tpu.dma_semaphore, #tpu.memory_space<semaphore_mem>>) src(%dma_wait3A_91 : memref<157x128xi32, #tpu.memory_space<hbm>>) dst(%arg7 : memref<157x128xi32, #tpu.memory_space<vmem>>)
      tpu.yield
    }) : () -> ()
    %barrier3A = arith.constant 0 : index
    tpu.barrier barrier_id(%barrier3A)
    %dma_start3A = arith.constant 0 : i32
    %dma_start3A_31 = arith.constant 0 : i32
    %dma_start3A_32 = tpu.memref_slice %arg6[%dma_start3A, %dma_start3A_31] : memref<157x128xi32, #tpu.memory_space<vmem>> -> memref<1x128xi32, #tpu.memory_space<vmem>>
    %dma_start3A_33 = tpu.memref_squeeze %dma_start3A_32 : memref<1x128xi32, #tpu.memory_space<vmem>> -> memref<128xi32, #tpu.memory_space<vmem>>
    %dma_start3A_34 = arith.constant 0 : i32
    %dma_start3A_35 = arith.constant 0 : i32
    %dma_start3A_36 = tpu.memref_slice %arg2[%arg0, %dma_start3A_34, %dma_start3A_35] : memref<2x10000x64xf32, #tpu.memory_space<hbm>> -> memref<1x10000x64xf32, #tpu.memory_space<hbm>>
    %dma_start3A_37 = tpu.memref_squeeze %dma_start3A_36 : memref<1x10000x64xf32, #tpu.memory_space<hbm>> -> memref<10000x64xf32, #tpu.memory_space<hbm>>
    %dma_start3A_38 = arith.constant 0 : i32
    %dma_start3A_39 = arith.constant 0 : i32
    %dma_start3A_40 = tpu.memref_slice %dma_start3A_37[%dma_start3A_38, %dma_start3A_39] : memref<10000x64xf32, #tpu.memory_space<hbm>> -> memref<10000x64xf32, #tpu.memory_space<hbm>>
    tpu.enqueue_indirect_dma source(%dma_start3A_40 : memref<10000x64xf32, #tpu.memory_space<hbm>>) target(%arg8 : memref<128x64xf32, #tpu.memory_space<vmem>>) offsets(%dma_start3A_33 : memref<128xi32, #tpu.memory_space<vmem>>) semaphore(%arg13 : memref<!tpu.dma_semaphore, #tpu.memory_space<semaphore_mem>>)
    %dma_start3A_41 = arith.constant 1 : i32
    %dma_start3A_42 = arith.constant 0 : i32
    %dma_start3A_43 = tpu.memref_slice %arg6[%dma_start3A_41, %dma_start3A_42] : memref<157x128xi32, #tpu.memory_space<vmem>> -> memref<1x128xi32, #tpu.memory_space<vmem>>
    %dma_start3A_44 = tpu.memref_squeeze %dma_start3A_43 : memref<1x128xi32, #tpu.memory_space<vmem>> -> memref<128xi32, #tpu.memory_space<vmem>>
    %dma_start3A_45 = arith.constant 0 : i32
    %dma_start3A_46 = arith.constant 0 : i32
    %dma_start3A_47 = tpu.memref_slice %arg2[%arg0, %dma_start3A_45, %dma_start3A_46] : memref<2x10000x64xf32, #tpu.memory_space<hbm>> -> memref<1x10000x64xf32, #tpu.memory_space<hbm>>
    %dma_start3A_48 = tpu.memref_squeeze %dma_start3A_47 : memref<1x10000x64xf32, #tpu.memory_space<hbm>> -> memref<10000x64xf32, #tpu.memory_space<hbm>>
    %dma_start3A_49 = arith.constant 0 : i32
    %dma_start3A_50 = arith.constant 0 : i32
    %dma_start3A_51 = tpu.memref_slice %dma_start3A_48[%dma_start3A_49, %dma_start3A_50] : memref<10000x64xf32, #tpu.memory_space<hbm>> -> memref<10000x64xf32, #tpu.memory_space<hbm>>
    tpu.enqueue_indirect_dma source(%dma_start3A_51 : memref<10000x64xf32, #tpu.memory_space<hbm>>) target(%arg9 : memref<128x64xf32, #tpu.memory_space<vmem>>) offsets(%dma_start3A_44 : memref<128xi32, #tpu.memory_space<vmem>>) semaphore(%arg14 : memref<!tpu.dma_semaphore, #tpu.memory_space<semaphore_mem>>)
    %dma_start3A_52 = arith.constant 2 : i32
    %dma_start3A_53 = arith.constant 0 : i32
    %dma_start3A_54 = tpu.memref_slice %arg6[%dma_start3A_52, %dma_start3A_53] : memref<157x128xi32, #tpu.memory_space<vmem>> -> memref<1x128xi32, #tpu.memory_space<vmem>>
    %dma_start3A_55 = tpu.memref_squeeze %dma_start3A_54 : memref<1x128xi32, #tpu.memory_space<vmem>> -> memref<128xi32, #tpu.memory_space<vmem>>
    %dma_start3A_56 = arith.constant 0 : i32
    %dma_start3A_57 = arith.constant 0 : i32
    %dma_start3A_58 = tpu.memref_slice %arg2[%arg0, %dma_start3A_56, %dma_start3A_57] : memref<2x10000x64xf32, #tpu.memory_space<hbm>> -> memref<1x10000x64xf32, #tpu.memory_space<hbm>>
    %dma_start3A_59 = tpu.memref_squeeze %dma_start3A_58 : memref<1x10000x64xf32, #tpu.memory_space<hbm>> -> memref<10000x64xf32, #tpu.memory_space<hbm>>
    %dma_start3A_60 = arith.constant 0 : i32
    %dma_start3A_61 = arith.constant 0 : i32
    %dma_start3A_62 = tpu.memref_slice %dma_start3A_59[%dma_start3A_60, %dma_start3A_61] : memref<10000x64xf32, #tpu.memory_space<hbm>> -> memref<10000x64xf32, #tpu.memory_space<hbm>>
    tpu.enqueue_indirect_dma source(%dma_start3A_62 : memref<10000x64xf32, #tpu.memory_space<hbm>>) target(%arg10 : memref<128x64xf32, #tpu.memory_space<vmem>>) offsets(%dma_start3A_55 : memref<128xi32, #tpu.memory_space<vmem>>) semaphore(%arg15 : memref<!tpu.dma_semaphore, #tpu.memory_space<semaphore_mem>>)
    %dma_start3A_63 = arith.constant 3 : i32
    %dma_start3A_64 = arith.constant 0 : i32
    %dma_start3A_65 = tpu.memref_slice %arg6[%dma_start3A_63, %dma_start3A_64] : memref<157x128xi32, #tpu.memory_space<vmem>> -> memref<1x128xi32, #tpu.memory_space<vmem>>
    %dma_start3A_66 = tpu.memref_squeeze %dma_start3A_65 : memref<1x128xi32, #tpu.memory_space<vmem>> -> memref<128xi32, #tpu.memory_space<vmem>>
    %dma_start3A_67 = arith.constant 0 : i32
    %dma_start3A_68 = arith.constant 0 : i32
    %dma_start3A_69 = tpu.memref_slice %arg2[%arg0, %dma_start3A_67, %dma_start3A_68] : memref<2x10000x64xf32, #tpu.memory_space<hbm>> -> memref<1x10000x64xf32, #tpu.memory_space<hbm>>
    %dma_start3A_70 = tpu.memref_squeeze %dma_start3A_69 : memref<1x10000x64xf32, #tpu.memory_space<hbm>> -> memref<10000x64xf32, #tpu.memory_space<hbm>>
    %dma_start3A_71 = arith.constant 0 : i32
    %dma_start3A_72 = arith.constant 0 : i32
    %dma_start3A_73 = tpu.memref_slice %dma_start3A_70[%dma_start3A_71, %dma_start3A_72] : memref<10000x64xf32, #tpu.memory_space<hbm>> -> memref<10000x64xf32, #tpu.memory_space<hbm>>
    tpu.enqueue_indirect_dma source(%dma_start3A_73 : memref<10000x64xf32, #tpu.memory_space<hbm>>) target(%arg11 : memref<128x64xf32, #tpu.memory_space<vmem>>) offsets(%dma_start3A_66 : memref<128xi32, #tpu.memory_space<vmem>>) semaphore(%arg16 : memref<!tpu.dma_semaphore, #tpu.memory_space<semaphore_mem>>)
    %scan3A_74 = arith.constant 0 : i32
    %scan3A_75 = arith.constant 0 : i32
    %scan3A_76 = arith.constant 39 : i32
    %scan3A_77 = arith.addi %scan3A_75, %scan3A_76 : i32
    %scan3A_78 = arith.constant 1 : i32
    scf.for %scan3A_85 = %scan3A_75 to %scan3A_77 step %scan3A_78  : i32 {
      %mul3A_86 = arith.constant 4 : i32
      %mul3A_87 = arith.muli %scan3A_85, %mul3A_86 : i32
      %add3A_88 = arith.constant 0 : i32
      %add3A_89 = arith.addi %mul3A_87, %add3A_88 : i32
      %dma_wait3A = arith.constant 0 : i32
      %dma_wait3A_90 = tpu.memref_slice %arg6[%add3A_89, %dma_wait3A] : memref<157x128xi32, #tpu.memory_space<vmem>> -> memref<1x128xi32, #tpu.memory_space<vmem>>
      %dma_wait3A_91 = tpu.memref_squeeze %dma_wait3A_90 : memref<1x128xi32, #tpu.memory_space<vmem>> -> memref<128xi32, #tpu.memory_space<vmem>>
      %dma_wait3A_92 = arith.constant 0 : i32
      %dma_wait3A_93 = arith.constant 0 : i32
      %dma_wait3A_94 = tpu.memref_slice %arg2[%arg0, %dma_wait3A_92, %dma_wait3A_93] : memref<2x10000x64xf32, #tpu.memory_space<hbm>> -> memref<1x10000x64xf32, #tpu.memory_space<hbm>>
      %dma_wait3A_95 = tpu.memref_squeeze %dma_wait3A_94 : memref<1x10000x64xf32, #tpu.memory_space<hbm>> -> memref<10000x64xf32, #tpu.memory_space<hbm>>
      %dma_wait3A_96 = arith.constant 0 : i32
      %dma_wait3A_97 = arith.constant 0 : i32
      %dma_wait3A_98 = tpu.memref_slice %dma_wait3A_95[%dma_wait3A_96, %dma_wait3A_97] : memref<10000x64xf32, #tpu.memory_space<hbm>> -> memref<10000x64xf32, #tpu.memory_space<hbm>>
      tpu.wait_indirect_dma semaphore(%arg13 : memref<!tpu.dma_semaphore, #tpu.memory_space<semaphore_mem>>) src(%dma_wait3A_98 : memref<10000x64xf32, #tpu.memory_space<hbm>>) dst(%arg8 : memref<128x64xf32, #tpu.memory_space<vmem>>)
      "tpu.region"() ({
        %run_scoped3A = tpu.sem_alloc : memref<!tpu.dma_semaphore, #tpu.memory_space<semaphore_mem>>
        %dma_start3A_164 = arith.constant 0 : i32
        %dma_start3A_165 = tpu.memref_slice %arg7[%add3A_89, %dma_start3A_164] : memref<157x128xi32, #tpu.memory_space<vmem>> -> memref<1x128xi32, #tpu.memory_space<vmem>>
        %dma_start3A_166 = tpu.memref_squeeze %dma_start3A_165 : memref<1x128xi32, #tpu.memory_space<vmem>> -> memref<128xi32, #tpu.memory_space<vmem>>
        %dma_start3A_167 = arith.constant 0 : i32
        %dma_start3A_168 = arith.constant 0 : i32
        %dma_start3A_169 = tpu.memref_slice %arg17[%dma_start3A_167, %dma_start3A_168] : memref<10000x64xf32, #tpu.memory_space<vmem_shared>> -> memref<10000x64xf32, #tpu.memory_space<vmem_shared>>
        tpu.enqueue_indirect_dma source(%arg8 : memref<128x64xf32, #tpu.memory_space<vmem>>) target(%dma_start3A_169 : memref<10000x64xf32, #tpu.memory_space<vmem_shared>>) offsets(%dma_start3A_166 : memref<128xi32, #tpu.memory_space<vmem>>) semaphore(%run_scoped3A : memref<!tpu.dma_semaphore, #tpu.memory_space<semaphore_mem>>) {add = true}
        %dma_wait3A_170 = arith.constant 0 : i32
        %dma_wait3A_171 = tpu.memref_slice %arg7[%add3A_89, %dma_wait3A_170] : memref<157x128xi32, #tpu.memory_space<vmem>> -> memref<1x128xi32, #tpu.memory_space<vmem>>
        %dma_wait3A_172 = tpu.memref_squeeze %dma_wait3A_171 : memref<1x128xi32, #tpu.memory_space<vmem>> -> memref<128xi32, #tpu.memory_space<vmem>>
        %dma_wait3A_173 = arith.constant 0 : i32
        %dma_wait3A_174 = arith.constant 0 : i32
        %dma_wait3A_175 = tpu.memref_slice %arg17[%dma_wait3A_173, %dma_wait3A_174] : memref<10000x64xf32, #tpu.memory_space<vmem_shared>> -> memref<10000x64xf32, #tpu.memory_space<vmem_shared>>
        tpu.wait_indirect_dma semaphore(%run_scoped3A : memref<!tpu.dma_semaphore, #tpu.memory_space<semaphore_mem>>) src(%arg8 : memref<128x64xf32, #tpu.memory_space<vmem>>) dst(%dma_wait3A_175 : memref<10000x64xf32, #tpu.memory_space<vmem_shared>>)
        tpu.yield
      }) : () -> ()
      %add3A_99 = arith.constant 4 : i32
      %add3A_100 = arith.addi %add3A_89, %add3A_99 : i32
      %lt3A = arith.cmpi slt, %add3A_100, %select_n3A : i32
      %convert_element_type3A_101 = arith.extui %lt3A : i1 to i32
      %cond3A_102 = arith.constant 0 : i32
      %cond3A_103 = arith.cmpi ne, %convert_element_type3A_101, %cond3A_102 : i32
      scf.if %cond3A_103 {
        %add3A_164 = arith.constant 4 : i32
        %add3A_165 = arith.addi %add3A_89, %add3A_164 : i32
        %dma_start3A_166 = arith.constant 0 : i32
        %dma_start3A_167 = tpu.memref_slice %arg6[%add3A_165, %dma_start3A_166] : memref<157x128xi32, #tpu.memory_space<vmem>> -> memref<1x128xi32, #tpu.memory_space<vmem>>
        %dma_start3A_168 = tpu.memref_squeeze %dma_start3A_167 : memref<1x128xi32, #tpu.memory_space<vmem>> -> memref<128xi32, #tpu.memory_space<vmem>>
        %dma_start3A_169 = arith.constant 0 : i32
        %dma_start3A_170 = arith.constant 0 : i32
        %dma_start3A_171 = tpu.memref_slice %arg2[%arg0, %dma_start3A_169, %dma_start3A_170] : memref<2x10000x64xf32, #tpu.memory_space<hbm>> -> memref<1x10000x64xf32, #tpu.memory_space<hbm>>
        %dma_start3A_172 = tpu.memref_squeeze %dma_start3A_171 : memref<1x10000x64xf32, #tpu.memory_space<hbm>> -> memref<10000x64xf32, #tpu.memory_space<hbm>>
        %dma_start3A_173 = arith.constant 0 : i32
        %dma_start3A_174 = arith.constant 0 : i32
        %dma_start3A_175 = tpu.memref_slice %dma_start3A_172[%dma_start3A_173, %dma_start3A_174] : memref<10000x64xf32, #tpu.memory_space<hbm>> -> memref<10000x64xf32, #tpu.memory_space<hbm>>
        tpu.enqueue_indirect_dma source(%dma_start3A_175 : memref<10000x64xf32, #tpu.memory_space<hbm>>) target(%arg8 : memref<128x64xf32, #tpu.memory_space<vmem>>) offsets(%dma_start3A_168 : memref<128xi32, #tpu.memory_space<vmem>>) semaphore(%arg13 : memref<!tpu.dma_semaphore, #tpu.memory_space<semaphore_mem>>)
      } else {
      }
      %mul3A_104 = arith.constant 4 : i32
      %mul3A_105 = arith.muli %scan3A_85, %mul3A_104 : i32
      %add3A_106 = arith.constant 1 : i32
      %add3A_107 = arith.addi %mul3A_105, %add3A_106 : i32
      %dma_wait3A_108 = arith.constant 0 : i32
      %dma_wait3A_109 = tpu.memref_slice %arg6[%add3A_107, %dma_wait3A_108] : memref<157x128xi32, #tpu.memory_space<vmem>> -> memref<1x128xi32, #tpu.memory_space<vmem>>
      %dma_wait3A_110 = tpu.memref_squeeze %dma_wait3A_109 : memref<1x128xi32, #tpu.memory_space<vmem>> -> memref<128xi32, #tpu.memory_space<vmem>>
      %dma_wait3A_111 = arith.constant 0 : i32
      %dma_wait3A_112 = arith.constant 0 : i32
      %dma_wait3A_113 = tpu.memref_slice %arg2[%arg0, %dma_wait3A_111, %dma_wait3A_112] : memref<2x10000x64xf32, #tpu.memory_space<hbm>> -> memref<1x10000x64xf32, #tpu.memory_space<hbm>>
      %dma_wait3A_114 = tpu.memref_squeeze %dma_wait3A_113 : memref<1x10000x64xf32, #tpu.memory_space<hbm>> -> memref<10000x64xf32, #tpu.memory_space<hbm>>
      %dma_wait3A_115 = arith.constant 0 : i32
      %dma_wait3A_116 = arith.constant 0 : i32
      %dma_wait3A_117 = tpu.memref_slice %dma_wait3A_114[%dma_wait3A_115, %dma_wait3A_116] : memref<10000x64xf32, #tpu.memory_space<hbm>> -> memref<10000x64xf32, #tpu.memory_space<hbm>>
      tpu.wait_indirect_dma semaphore(%arg14 : memref<!tpu.dma_semaphore, #tpu.memory_space<semaphore_mem>>) src(%dma_wait3A_117 : memref<10000x64xf32, #tpu.memory_space<hbm>>) dst(%arg9 : memref<128x64xf32, #tpu.memory_space<vmem>>)
      "tpu.region"() ({
        %run_scoped3A = tpu.sem_alloc : memref<!tpu.dma_semaphore, #tpu.memory_space<semaphore_mem>>
        %dma_start3A_164 = arith.constant 0 : i32
        %dma_start3A_165 = tpu.memref_slice %arg7[%add3A_107, %dma_start3A_164] : memref<157x128xi32, #tpu.memory_space<vmem>> -> memref<1x128xi32, #tpu.memory_space<vmem>>
        %dma_start3A_166 = tpu.memref_squeeze %dma_start3A_165 : memref<1x128xi32, #tpu.memory_space<vmem>> -> memref<128xi32, #tpu.memory_space<vmem>>
        %dma_start3A_167 = arith.constant 0 : i32
        %dma_start3A_168 = arith.constant 0 : i32
        %dma_start3A_169 = tpu.memref_slice %arg17[%dma_start3A_167, %dma_start3A_168] : memref<10000x64xf32, #tpu.memory_space<vmem_shared>> -> memref<10000x64xf32, #tpu.memory_space<vmem_shared>>
        tpu.enqueue_indirect_dma source(%arg9 : memref<128x64xf32, #tpu.memory_space<vmem>>) target(%dma_start3A_169 : memref<10000x64xf32, #tpu.memory_space<vmem_shared>>) offsets(%dma_start3A_166 : memref<128xi32, #tpu.memory_space<vmem>>) semaphore(%run_scoped3A : memref<!tpu.dma_semaphore, #tpu.memory_space<semaphore_mem>>) {add = true}
        %dma_wait3A_170 = arith.constant 0 : i32
        %dma_wait3A_171 = tpu.memref_slice %arg7[%add3A_107, %dma_wait3A_170] : memref<157x128xi32, #tpu.memory_space<vmem>> -> memref<1x128xi32, #tpu.memory_space<vmem>>
        %dma_wait3A_172 = tpu.memref_squeeze %dma_wait3A_171 : memref<1x128xi32, #tpu.memory_space<vmem>> -> memref<128xi32, #tpu.memory_space<vmem>>
        %dma_wait3A_173 = arith.constant 0 : i32
        %dma_wait3A_174 = arith.constant 0 : i32
        %dma_wait3A_175 = tpu.memref_slice %arg17[%dma_wait3A_173, %dma_wait3A_174] : memref<10000x64xf32, #tpu.memory_space<vmem_shared>> -> memref<10000x64xf32, #tpu.memory_space<vmem_shared>>
        tpu.wait_indirect_dma semaphore(%run_scoped3A : memref<!tpu.dma_semaphore, #tpu.memory_space<semaphore_mem>>) src(%arg9 : memref<128x64xf32, #tpu.memory_space<vmem>>) dst(%dma_wait3A_175 : memref<10000x64xf32, #tpu.memory_space<vmem_shared>>)
        tpu.yield
      }) : () -> ()
      %add3A_118 = arith.constant 4 : i32
      %add3A_119 = arith.addi %add3A_107, %add3A_118 : i32
      %lt3A_120 = arith.cmpi slt, %add3A_119, %select_n3A : i32
      %convert_element_type3A_121 = arith.extui %lt3A_120 : i1 to i32
      %cond3A_122 = arith.constant 0 : i32
      %cond3A_123 = arith.cmpi ne, %convert_element_type3A_121, %cond3A_122 : i32
      scf.if %cond3A_123 {
        %add3A_164 = arith.constant 4 : i32
        %add3A_165 = arith.addi %add3A_107, %add3A_164 : i32
        %dma_start3A_166 = arith.constant 0 : i32
        %dma_start3A_167 = tpu.memref_slice %arg6[%add3A_165, %dma_start3A_166] : memref<157x128xi32, #tpu.memory_space<vmem>> -> memref<1x128xi32, #tpu.memory_space<vmem>>
        %dma_start3A_168 = tpu.memref_squeeze %dma_start3A_167 : memref<1x128xi32, #tpu.memory_space<vmem>> -> memref<128xi32, #tpu.memory_space<vmem>>
        %dma_start3A_169 = arith.constant 0 : i32
        %dma_start3A_170 = arith.constant 0 : i32
        %dma_start3A_171 = tpu.memref_slice %arg2[%arg0, %dma_start3A_169, %dma_start3A_170] : memref<2x10000x64xf32, #tpu.memory_space<hbm>> -> memref<1x10000x64xf32, #tpu.memory_space<hbm>>
        %dma_start3A_172 = tpu.memref_squeeze %dma_start3A_171 : memref<1x10000x64xf32, #tpu.memory_space<hbm>> -> memref<10000x64xf32, #tpu.memory_space<hbm>>
        %dma_start3A_173 = arith.constant 0 : i32
        %dma_start3A_174 = arith.constant 0 : i32
        %dma_start3A_175 = tpu.memref_slice %dma_start3A_172[%dma_start3A_173, %dma_start3A_174] : memref<10000x64xf32, #tpu.memory_space<hbm>> -> memref<10000x64xf32, #tpu.memory_space<hbm>>
        tpu.enqueue_indirect_dma source(%dma_start3A_175 : memref<10000x64xf32, #tpu.memory_space<hbm>>) target(%arg9 : memref<128x64xf32, #tpu.memory_space<vmem>>) offsets(%dma_start3A_168 : memref<128xi32, #tpu.memory_space<vmem>>) semaphore(%arg14 : memref<!tpu.dma_semaphore, #tpu.memory_space<semaphore_mem>>)
      } else {
      }
      %mul3A_124 = arith.constant 4 : i32
      %mul3A_125 = arith.muli %scan3A_85, %mul3A_124 : i32
      %add3A_126 = arith.constant 2 : i32
      %add3A_127 = arith.addi %mul3A_125, %add3A_126 : i32
      %dma_wait3A_128 = arith.constant 0 : i32
      %dma_wait3A_129 = tpu.memref_slice %arg6[%add3A_127, %dma_wait3A_128] : memref<157x128xi32, #tpu.memory_space<vmem>> -> memref<1x128xi32, #tpu.memory_space<vmem>>
      %dma_wait3A_130 = tpu.memref_squeeze %dma_wait3A_129 : memref<1x128xi32, #tpu.memory_space<vmem>> -> memref<128xi32, #tpu.memory_space<vmem>>
      %dma_wait3A_131 = arith.constant 0 : i32
      %dma_wait3A_132 = arith.constant 0 : i32
      %dma_wait3A_133 = tpu.memref_slice %arg2[%arg0, %dma_wait3A_131, %dma_wait3A_132] : memref<2x10000x64xf32, #tpu.memory_space<hbm>> -> memref<1x10000x64xf32, #tpu.memory_space<hbm>>
      %dma_wait3A_134 = tpu.memref_squeeze %dma_wait3A_133 : memref<1x10000x64xf32, #tpu.memory_space<hbm>> -> memref<10000x64xf32, #tpu.memory_space<hbm>>
      %dma_wait3A_135 = arith.constant 0 : i32
      %dma_wait3A_136 = arith.constant 0 : i32
      %dma_wait3A_137 = tpu.memref_slice %dma_wait3A_134[%dma_wait3A_135, %dma_wait3A_136] : memref<10000x64xf32, #tpu.memory_space<hbm>> -> memref<10000x64xf32, #tpu.memory_space<hbm>>
      tpu.wait_indirect_dma semaphore(%arg15 : memref<!tpu.dma_semaphore, #tpu.memory_space<semaphore_mem>>) src(%dma_wait3A_137 : memref<10000x64xf32, #tpu.memory_space<hbm>>) dst(%arg10 : memref<128x64xf32, #tpu.memory_space<vmem>>)
      "tpu.region"() ({
        %run_scoped3A = tpu.sem_alloc : memref<!tpu.dma_semaphore, #tpu.memory_space<semaphore_mem>>
        %dma_start3A_164 = arith.constant 0 : i32
        %dma_start3A_165 = tpu.memref_slice %arg7[%add3A_127, %dma_start3A_164] : memref<157x128xi32, #tpu.memory_space<vmem>> -> memref<1x128xi32, #tpu.memory_space<vmem>>
        %dma_start3A_166 = tpu.memref_squeeze %dma_start3A_165 : memref<1x128xi32, #tpu.memory_space<vmem>> -> memref<128xi32, #tpu.memory_space<vmem>>
        %dma_start3A_167 = arith.constant 0 : i32
        %dma_start3A_168 = arith.constant 0 : i32
        %dma_start3A_169 = tpu.memref_slice %arg17[%dma_start3A_167, %dma_start3A_168] : memref<10000x64xf32, #tpu.memory_space<vmem_shared>> -> memref<10000x64xf32, #tpu.memory_space<vmem_shared>>
        tpu.enqueue_indirect_dma source(%arg10 : memref<128x64xf32, #tpu.memory_space<vmem>>) target(%dma_start3A_169 : memref<10000x64xf32, #tpu.memory_space<vmem_shared>>) offsets(%dma_start3A_166 : memref<128xi32, #tpu.memory_space<vmem>>) semaphore(%run_scoped3A : memref<!tpu.dma_semaphore, #tpu.memory_space<semaphore_mem>>) {add = true}
        %dma_wait3A_170 = arith.constant 0 : i32
        %dma_wait3A_171 = tpu.memref_slice %arg7[%add3A_127, %dma_wait3A_170] : memref<157x128xi32, #tpu.memory_space<vmem>> -> memref<1x128xi32, #tpu.memory_space<vmem>>
        %dma_wait3A_172 = tpu.memref_squeeze %dma_wait3A_171 : memref<1x128xi32, #tpu.memory_space<vmem>> -> memref<128xi32, #tpu.memory_space<vmem>>
        %dma_wait3A_173 = arith.constant 0 : i32
        %dma_wait3A_174 = arith.constant 0 : i32
        %dma_wait3A_175 = tpu.memref_slice %arg17[%dma_wait3A_173, %dma_wait3A_174] : memref<10000x64xf32, #tpu.memory_space<vmem_shared>> -> memref<10000x64xf32, #tpu.memory_space<vmem_shared>>
        tpu.wait_indirect_dma semaphore(%run_scoped3A : memref<!tpu.dma_semaphore, #tpu.memory_space<semaphore_mem>>) src(%arg10 : memref<128x64xf32, #tpu.memory_space<vmem>>) dst(%dma_wait3A_175 : memref<10000x64xf32, #tpu.memory_space<vmem_shared>>)
        tpu.yield
      }) : () -> ()
      %add3A_138 = arith.constant 4 : i32
      %add3A_139 = arith.addi %add3A_127, %add3A_138 : i32
      %lt3A_140 = arith.cmpi slt, %add3A_139, %select_n3A : i32
      %convert_element_type3A_141 = arith.extui %lt3A_140 : i1 to i32
      %cond3A_142 = arith.constant 0 : i32
      %cond3A_143 = arith.cmpi ne, %convert_element_type3A_141, %cond3A_142 : i32
      scf.if %cond3A_143 {
        %add3A_164 = arith.constant 4 : i32
        %add3A_165 = arith.addi %add3A_127, %add3A_164 : i32
        %dma_start3A_166 = arith.constant 0 : i32
        %dma_start3A_167 = tpu.memref_slice %arg6[%add3A_165, %dma_start3A_166] : memref<157x128xi32, #tpu.memory_space<vmem>> -> memref<1x128xi32, #tpu.memory_space<vmem>>
        %dma_start3A_168 = tpu.memref_squeeze %dma_start3A_167 : memref<1x128xi32, #tpu.memory_space<vmem>> -> memref<128xi32, #tpu.memory_space<vmem>>
        %dma_start3A_169 = arith.constant 0 : i32
        %dma_start3A_170 = arith.constant 0 : i32
        %dma_start3A_171 = tpu.memref_slice %arg2[%arg0, %dma_start3A_169, %dma_start3A_170] : memref<2x10000x64xf32, #tpu.memory_space<hbm>> -> memref<1x10000x64xf32, #tpu.memory_space<hbm>>
        %dma_start3A_172 = tpu.memref_squeeze %dma_start3A_171 : memref<1x10000x64xf32, #tpu.memory_space<hbm>> -> memref<10000x64xf32, #tpu.memory_space<hbm>>
        %dma_start3A_173 = arith.constant 0 : i32
        %dma_start3A_174 = arith.constant 0 : i32
        %dma_start3A_175 = tpu.memref_slice %dma_start3A_172[%dma_start3A_173, %dma_start3A_174] : memref<10000x64xf32, #tpu.memory_space<hbm>> -> memref<10000x64xf32, #tpu.memory_space<hbm>>
        tpu.enqueue_indirect_dma source(%dma_start3A_175 : memref<10000x64xf32, #tpu.memory_space<hbm>>) target(%arg10 : memref<128x64xf32, #tpu.memory_space<vmem>>) offsets(%dma_start3A_168 : memref<128xi32, #tpu.memory_space<vmem>>) semaphore(%arg15 : memref<!tpu.dma_semaphore, #tpu.memory_space<semaphore_mem>>)
      } else {
      }
      %mul3A_144 = arith.constant 4 : i32
      %mul3A_145 = arith.muli %scan3A_85, %mul3A_144 : i32
      %add3A_146 = arith.constant 3 : i32
      %add3A_147 = arith.addi %mul3A_145, %add3A_146 : i32
      %dma_wait3A_148 = arith.constant 0 : i32
      %dma_wait3A_149 = tpu.memref_slice %arg6[%add3A_147, %dma_wait3A_148] : memref<157x128xi32, #tpu.memory_space<vmem>> -> memref<1x128xi32, #tpu.memory_space<vmem>>
      %dma_wait3A_150 = tpu.memref_squeeze %dma_wait3A_149 : memref<1x128xi32, #tpu.memory_space<vmem>> -> memref<128xi32, #tpu.memory_space<vmem>>
      %dma_wait3A_151 = arith.constant 0 : i32
      %dma_wait3A_152 = arith.constant 0 : i32
      %dma_wait3A_153 = tpu.memref_slice %arg2[%arg0, %dma_wait3A_151, %dma_wait3A_152] : memref<2x10000x64xf32, #tpu.memory_space<hbm>> -> memref<1x10000x64xf32, #tpu.memory_space<hbm>>
      %dma_wait3A_154 = tpu.memref_squeeze %dma_wait3A_153 : memref<1x10000x64xf32, #tpu.memory_space<hbm>> -> memref<10000x64xf32, #tpu.memory_space<hbm>>
      %dma_wait3A_155 = arith.constant 0 : i32
      %dma_wait3A_156 = arith.constant 0 : i32
      %dma_wait3A_157 = tpu.memref_slice %dma_wait3A_154[%dma_wait3A_155, %dma_wait3A_156] : memref<10000x64xf32, #tpu.memory_space<hbm>> -> memref<10000x64xf32, #tpu.memory_space<hbm>>
      tpu.wait_indirect_dma semaphore(%arg16 : memref<!tpu.dma_semaphore, #tpu.memory_space<semaphore_mem>>) src(%dma_wait3A_157 : memref<10000x64xf32, #tpu.memory_space<hbm>>) dst(%arg11 : memref<128x64xf32, #tpu.memory_space<vmem>>)
      "tpu.region"() ({
        %run_scoped3A = tpu.sem_alloc : memref<!tpu.dma_semaphore, #tpu.memory_space<semaphore_mem>>
        %dma_start3A_164 = arith.constant 0 : i32
        %dma_start3A_165 = tpu.memref_slice %arg7[%add3A_147, %dma_start3A_164] : memref<157x128xi32, #tpu.memory_space<vmem>> -> memref<1x128xi32, #tpu.memory_space<vmem>>
        %dma_start3A_166 = tpu.memref_squeeze %dma_start3A_165 : memref<1x128xi32, #tpu.memory_space<vmem>> -> memref<128xi32, #tpu.memory_space<vmem>>
        %dma_start3A_167 = arith.constant 0 : i32
        %dma_start3A_168 = arith.constant 0 : i32
        %dma_start3A_169 = tpu.memref_slice %arg17[%dma_start3A_167, %dma_start3A_168] : memref<10000x64xf32, #tpu.memory_space<vmem_shared>> -> memref<10000x64xf32, #tpu.memory_space<vmem_shared>>
        tpu.enqueue_indirect_dma source(%arg11 : memref<128x64xf32, #tpu.memory_space<vmem>>) target(%dma_start3A_169 : memref<10000x64xf32, #tpu.memory_space<vmem_shared>>) offsets(%dma_start3A_166 : memref<128xi32, #tpu.memory_space<vmem>>) semaphore(%run_scoped3A : memref<!tpu.dma_semaphore, #tpu.memory_space<semaphore_mem>>) {add = true}
        %dma_wait3A_170 = arith.constant 0 : i32
        %dma_wait3A_171 = tpu.memref_slice %arg7[%add3A_147, %dma_wait3A_170] : memref<157x128xi32, #tpu.memory_space<vmem>> -> memref<1x128xi32, #tpu.memory_space<vmem>>
        %dma_wait3A_172 = tpu.memref_squeeze %dma_wait3A_171 : memref<1x128xi32, #tpu.memory_space<vmem>> -> memref<128xi32, #tpu.memory_space<vmem>>
        %dma_wait3A_173 = arith.constant 0 : i32
        %dma_wait3A_174 = arith.constant 0 : i32
        %dma_wait3A_175 = tpu.memref_slice %arg17[%dma_wait3A_173, %dma_wait3A_174] : memref<10000x64xf32, #tpu.memory_space<vmem_shared>> -> memref<10000x64xf32, #tpu.memory_space<vmem_shared>>
        tpu.wait_indirect_dma semaphore(%run_scoped3A : memref<!tpu.dma_semaphore, #tpu.memory_space<semaphore_mem>>) src(%arg11 : memref<128x64xf32, #tpu.memory_space<vmem>>) dst(%dma_wait3A_175 : memref<10000x64xf32, #tpu.memory_space<vmem_shared>>)
        tpu.yield
      }) : () -> ()
      %add3A_158 = arith.constant 4 : i32
      %add3A_159 = arith.addi %add3A_147, %add3A_158 : i32
      %lt3A_160 = arith.cmpi slt, %add3A_159, %select_n3A : i32
      %convert_element_type3A_161 = arith.extui %lt3A_160 : i1 to i32
      %cond3A_162 = arith.constant 0 : i32
      %cond3A_163 = arith.cmpi ne, %convert_element_type3A_161, %cond3A_162 : i32
      scf.if %cond3A_163 {
        %add3A_164 = arith.constant 4 : i32
        %add3A_165 = arith.addi %add3A_147, %add3A_164 : i32
        %dma_start3A_166 = arith.constant 0 : i32
        %dma_start3A_167 = tpu.memref_slice %arg6[%add3A_165, %dma_start3A_166] : memref<157x128xi32, #tpu.memory_space<vmem>> -> memref<1x128xi32, #tpu.memory_space<vmem>>
        %dma_start3A_168 = tpu.memref_squeeze %dma_start3A_167 : memref<1x128xi32, #tpu.memory_space<vmem>> -> memref<128xi32, #tpu.memory_space<vmem>>
        %dma_start3A_169 = arith.constant 0 : i32
        %dma_start3A_170 = arith.constant 0 : i32
        %dma_start3A_171 = tpu.memref_slice %arg2[%arg0, %dma_start3A_169, %dma_start3A_170] : memref<2x10000x64xf32, #tpu.memory_space<hbm>> -> memref<1x10000x64xf32, #tpu.memory_space<hbm>>
        %dma_start3A_172 = tpu.memref_squeeze %dma_start3A_171 : memref<1x10000x64xf32, #tpu.memory_space<hbm>> -> memref<10000x64xf32, #tpu.memory_space<hbm>>
        %dma_start3A_173 = arith.constant 0 : i32
        %dma_start3A_174 = arith.constant 0 : i32
        %dma_start3A_175 = tpu.memref_slice %dma_start3A_172[%dma_start3A_173, %dma_start3A_174] : memref<10000x64xf32, #tpu.memory_space<hbm>> -> memref<10000x64xf32, #tpu.memory_space<hbm>>
        tpu.enqueue_indirect_dma source(%dma_start3A_175 : memref<10000x64xf32, #tpu.memory_space<hbm>>) target(%arg11 : memref<128x64xf32, #tpu.memory_space<vmem>>) offsets(%dma_start3A_168 : memref<128xi32, #tpu.memory_space<vmem>>) semaphore(%arg16 : memref<!tpu.dma_semaphore, #tpu.memory_space<semaphore_mem>>)
      } else {
      }
    }
    %scan3A_79 = arith.constant 39 : i32
    %gt3A = arith.constant 156 : i32
    %gt3A_80 = arith.cmpi sgt, %select_n3A, %gt3A : i32
    %convert_element_type3A = arith.extui %gt3A_80 : i1 to i32
    %cond3A = arith.constant 0 : i32
    %cond3A_81 = arith.cmpi ne, %convert_element_type3A, %cond3A : i32
    scf.if %cond3A_81 {
      %dma_wait3A = arith.constant 156 : i32
      %dma_wait3A_85 = arith.constant 0 : i32
      %dma_wait3A_86 = tpu.memref_slice %arg6[%dma_wait3A, %dma_wait3A_85] : memref<157x128xi32, #tpu.memory_space<vmem>> -> memref<1x128xi32, #tpu.memory_space<vmem>>
      %dma_wait3A_87 = tpu.memref_squeeze %dma_wait3A_86 : memref<1x128xi32, #tpu.memory_space<vmem>> -> memref<128xi32, #tpu.memory_space<vmem>>
      %dma_wait3A_88 = arith.constant 0 : i32
      %dma_wait3A_89 = arith.constant 0 : i32
      %dma_wait3A_90 = tpu.memref_slice %arg2[%arg0, %dma_wait3A_88, %dma_wait3A_89] : memref<2x10000x64xf32, #tpu.memory_space<hbm>> -> memref<1x10000x64xf32, #tpu.memory_space<hbm>>
      %dma_wait3A_91 = tpu.memref_squeeze %dma_wait3A_90 : memref<1x10000x64xf32, #tpu.memory_space<hbm>> -> memref<10000x64xf32, #tpu.memory_space<hbm>>
      %dma_wait3A_92 = arith.constant 0 : i32
      %dma_wait3A_93 = arith.constant 0 : i32
      %dma_wait3A_94 = tpu.memref_slice %dma_wait3A_91[%dma_wait3A_92, %dma_wait3A_93] : memref<10000x64xf32, #tpu.memory_space<hbm>> -> memref<10000x64xf32, #tpu.memory_space<hbm>>
      tpu.wait_indirect_dma semaphore(%arg13 : memref<!tpu.dma_semaphore, #tpu.memory_space<semaphore_mem>>) src(%dma_wait3A_94 : memref<10000x64xf32, #tpu.memory_space<hbm>>) dst(%arg8 : memref<128x64xf32, #tpu.memory_space<vmem>>)
      %run_scoped3A = arith.constant 156 : i32
      "tpu.region"() ({
        %run_scoped3A_95 = tpu.sem_alloc : memref<!tpu.dma_semaphore, #tpu.memory_space<semaphore_mem>>
        %dma_start3A_96 = arith.constant 0 : i32
        %dma_start3A_97 = tpu.memref_slice %arg7[%run_scoped3A, %dma_start3A_96] : memref<157x128xi32, #tpu.memory_space<vmem>> -> memref<1x128xi32, #tpu.memory_space<vmem>>
        %dma_start3A_98 = tpu.memref_squeeze %dma_start3A_97 : memref<1x128xi32, #tpu.memory_space<vmem>> -> memref<128xi32, #tpu.memory_space<vmem>>
        %dma_start3A_99 = arith.constant 0 : i32
        %dma_start3A_100 = arith.constant 0 : i32
        %dma_start3A_101 = tpu.memref_slice %arg17[%dma_start3A_99, %dma_start3A_100] : memref<10000x64xf32, #tpu.memory_space<vmem_shared>> -> memref<10000x64xf32, #tpu.memory_space<vmem_shared>>
        tpu.enqueue_indirect_dma source(%arg8 : memref<128x64xf32, #tpu.memory_space<vmem>>) target(%dma_start3A_101 : memref<10000x64xf32, #tpu.memory_space<vmem_shared>>) offsets(%dma_start3A_98 : memref<128xi32, #tpu.memory_space<vmem>>) semaphore(%run_scoped3A_95 : memref<!tpu.dma_semaphore, #tpu.memory_space<semaphore_mem>>) {add = true}
        %dma_wait3A_102 = arith.constant 0 : i32
        %dma_wait3A_103 = tpu.memref_slice %arg7[%run_scoped3A, %dma_wait3A_102] : memref<157x128xi32, #tpu.memory_space<vmem>> -> memref<1x128xi32, #tpu.memory_space<vmem>>
        %dma_wait3A_104 = tpu.memref_squeeze %dma_wait3A_103 : memref<1x128xi32, #tpu.memory_space<vmem>> -> memref<128xi32, #tpu.memory_space<vmem>>
        %dma_wait3A_105 = arith.constant 0 : i32
        %dma_wait3A_106 = arith.constant 0 : i32
        %dma_wait3A_107 = tpu.memref_slice %arg17[%dma_wait3A_105, %dma_wait3A_106] : memref<10000x64xf32, #tpu.memory_space<vmem_shared>> -> memref<10000x64xf32, #tpu.memory_space<vmem_shared>>
        tpu.wait_indirect_dma semaphore(%run_scoped3A_95 : memref<!tpu.dma_semaphore, #tpu.memory_space<semaphore_mem>>) src(%arg8 : memref<128x64xf32, #tpu.memory_space<vmem>>) dst(%dma_wait3A_107 : memref<10000x64xf32, #tpu.memory_space<vmem_shared>>)
        tpu.yield
      }) : () -> ()
    } else {
    }
    %barrier3A_82 = arith.constant 0 : index
    tpu.barrier barrier_id(%barrier3A_82)
    %mul3A_83 = arith.constant 625 : i32
    %mul3A_84 = arith.muli %arg1, %mul3A_83 : i32
    "tpu.region"() ({
      %run_scoped3A = tpu.sem_alloc : memref<!tpu.dma_semaphore, #tpu.memory_space<semaphore_mem>>
      %dma_start3A_85 = arith.constant 0 : i32
      %dma_start3A_86 = arith.constant 0 : i32
      %dma_start3A_87 = tpu.memref_slice %arg5[%arg0, %arg1, %dma_start3A_85, %dma_start3A_86] : memref<2x16x625x64xf32, #tpu.memory_space<hbm>> -> memref<1x1x625x64xf32, #tpu.memory_space<hbm>>
      %dma_start3A_88 = tpu.memref_squeeze %dma_start3A_87 : memref<1x1x625x64xf32, #tpu.memory_space<hbm>> -> memref<625x64xf32, #tpu.memory_space<hbm>>
      %dma_start3A_89 = arith.constant 0 : i32
      %dma_start3A_90 = tpu.memref_slice %arg17[%mul3A_84, %dma_start3A_89] : memref<10000x64xf32, #tpu.memory_space<vmem_shared>> -> memref<625x64xf32, #tpu.memory_space<vmem_shared>>
      tpu.enqueue_dma source(%dma_start3A_90 : memref<625x64xf32, #tpu.memory_space<vmem_shared>>) target(%dma_start3A_88 : memref<625x64xf32, #tpu.memory_space<hbm>>) target_semaphore(%run_scoped3A : memref<!tpu.dma_semaphore, #tpu.memory_space<semaphore_mem>>)
      %dma_wait3A = arith.constant 0 : i32
      %dma_wait3A_91 = arith.constant 0 : i32
      %dma_wait3A_92 = tpu.memref_slice %arg5[%arg0, %arg1, %dma_wait3A, %dma_wait3A_91] : memref<2x16x625x64xf32, #tpu.memory_space<hbm>> -> memref<1x1x625x64xf32, #tpu.memory_space<hbm>>
      %dma_wait3A_93 = tpu.memref_squeeze %dma_wait3A_92 : memref<1x1x625x64xf32, #tpu.memory_space<hbm>> -> memref<625x64xf32, #tpu.memory_space<hbm>>
      %dma_wait3A_94 = arith.constant 0 : i32
      %dma_wait3A_95 = tpu.memref_slice %arg17[%mul3A_84, %dma_wait3A_94] : memref<10000x64xf32, #tpu.memory_space<vmem_shared>> -> memref<625x64xf32, #tpu.memory_space<vmem_shared>>
      tpu.wait_dma2 semaphore(%run_scoped3A : memref<!tpu.dma_semaphore, #tpu.memory_space<semaphore_mem>>) src(%dma_wait3A_95 : memref<625x64xf32, #tpu.memory_space<vmem_shared>>) dst(%dma_wait3A_93 : memref<625x64xf32, #tpu.memory_space<hbm>>)
      tpu.yield
    }) : () -> ()
    return
  }
}

#map = affine_map<(d0, d1) -> (0, 0, 0)>
#map1 = affine_map<(d0, d1) -> (0, 0, 0, 0)>
module attributes {stable_mosaic.version = 14 : i64} {
  func.func @deg_kernel(%arg0: i32, %arg1: i32, %arg2: memref<32x125x80xi32, #tpu.memory_space<hbm>>, %arg3: memref<2x16x625x16xf32, #tpu.memory_space<hbm>>, %arg4: memref<125x80xi32, #tpu.memory_space<vmem>>, %arg5: memref<80x16xf32, #tpu.memory_space<vmem>>, %arg6: memref<125x16xf32, #tpu.memory_space<vmem>>, %arg7: memref<!tpu.dma_semaphore, #tpu.memory_space<semaphore_mem>>, %arg8: memref<10000x16xf32, #tpu.memory_space<vmem_shared>>) attributes {dimension_semantics = [#tpu.dimension_semantics<core_parallel>, #tpu.dimension_semantics<subcore_parallel>], iteration_bounds = array<i64: 2, 16>, scalar_prefetch = 0 : i64, scratch_operands = 5 : i64, tpu.core_type = #tpu.core_type<sc_vector_subcore>, window_params = [{transform_indices = #map}, {transform_indices = #map1}]} {
    %broadcast_in_dim3A = arith.constant 0.000000e+00 : f32
    %broadcast_in_dim3A_0 = vector.broadcast %broadcast_in_dim3A : f32 to vector<16xf32>
    %scan3A = arith.constant 0 : i32
    %scan3A_1 = arith.constant 0 : i32
    %scan3A_2 = arith.constant 125 : i32
    %scan3A_3 = arith.addi %scan3A_1, %scan3A_2 : i32
    %scan3A_4 = arith.constant 1 : i32
    scf.for %scan3A_44 = %scan3A_1 to %scan3A_3 step %scan3A_4  : i32 {
      %jit3A = arith.constant 1 : i32
      %div3A = arith.divsi %scan3A_44, %jit3A : i32
      %sign3A = arith.constant 0 : i32
      %sign3A_45 = arith.cmpi sgt, %scan3A_44, %sign3A : i32
      %sign3A_46 = arith.extui %sign3A_45 : i1 to i32
      %sign3A_47 = arith.constant 0 : i32
      %sign3A_48 = arith.cmpi slt, %scan3A_44, %sign3A_47 : i32
      %sign3A_49 = arith.extui %sign3A_48 : i1 to i32
      %sign3A_50 = arith.subi %sign3A_46, %sign3A_49 : i32
      %sign3A_51 = arith.constant 0 : i32
      %sign3A_52 = arith.cmpi sgt, %jit3A, %sign3A_51 : i32
      %sign3A_53 = arith.extui %sign3A_52 : i1 to i32
      %sign3A_54 = arith.constant 0 : i32
      %sign3A_55 = arith.cmpi slt, %jit3A, %sign3A_54 : i32
      %sign3A_56 = arith.extui %sign3A_55 : i1 to i32
      %sign3A_57 = arith.subi %sign3A_53, %sign3A_56 : i32
      %ne3A = arith.cmpi ne, %sign3A_50, %sign3A_57 : i32
      %rem3A = arith.remsi %scan3A_44, %jit3A : i32
      %ne3A_58 = arith.constant 0 : i32
      %ne3A_59 = arith.cmpi ne, %rem3A, %ne3A_58 : i32
      %and3A = arith.andi %ne3A, %ne3A_59 : i1
      %sub3A = arith.constant 1 : i32
      %sub3A_60 = arith.subi %div3A, %sub3A : i32
      %select_n3A = arith.select %and3A, %sub3A_60, %div3A : i32
      %jit3A_61 = arith.constant 1 : i32
      %eq3A = arith.constant 0 : i32
      %eq3A_62 = arith.cmpi eq, %jit3A_61, %eq3A : i32
      %jit3A_63 = arith.constant 1 : i32
      %select_n3A_64 = arith.select %eq3A_62, %jit3A_63, %jit3A_61 : i32
      %rem3A_65 = arith.remsi %scan3A_44, %select_n3A_64 : i32
      %ne3A_66 = arith.constant 0 : i32
      %ne3A_67 = arith.cmpi ne, %rem3A_65, %ne3A_66 : i32
      %lt3A = arith.constant 0 : i32
      %lt3A_68 = arith.cmpi slt, %rem3A_65, %lt3A : i32
      %lt3A_69 = arith.constant 0 : i32
      %lt3A_70 = arith.cmpi slt, %select_n3A_64, %lt3A_69 : i32
      %ne3A_71 = arith.xori %lt3A_68, %lt3A_70 : i1
      %and3A_72 = arith.andi %ne3A_71, %ne3A_67 : i1
      %add3A_73 = arith.addi %rem3A_65, %select_n3A_64 : i32
      %select_n3A_74 = arith.select %and3A_72, %add3A_73, %rem3A_65 : i32
      %mul3A_75 = arith.constant 16 : i32
      %mul3A_76 = arith.muli %select_n3A_74, %mul3A_75 : i32
      %swap3A = arith.index_cast %select_n3A : i32 to index
      %swap3A_77 = arith.index_cast %mul3A_76 : i32 to index
      %swap3A_78 = tpu.vector_load %arg6[%swap3A, %swap3A_77] {strides = array<i32>} : memref<125x16xf32, #tpu.memory_space<vmem>>, vector<1x16xf32>,
      %swap3A_79 = vector.shape_cast %swap3A_78 : vector<1x16xf32> to vector<16xf32>
      %swap3A_80 = vector.shape_cast %broadcast_in_dim3A_0 : vector<16xf32> to vector<1x16xf32>
      tpu.vector_store %arg6[%swap3A, %swap3A_77], %swap3A_80 {strides = array<i32>} : memref<125x16xf32, #tpu.memory_space<vmem>>, vector<1x16xf32>,
    }
    %scan3A_5 = arith.constant 125 : i32
    %broadcast_in_dim3A_6 = arith.constant 1.000000e+00 : f32
    %broadcast_in_dim3A_7 = vector.broadcast %broadcast_in_dim3A_6 : f32 to vector<16xf32>
    %scan3A_8 = arith.constant 0 : i32
    %scan3A_9 = arith.constant 0 : i32
    %scan3A_10 = arith.constant 80 : i32
    %scan3A_11 = arith.addi %scan3A_9, %scan3A_10 : i32
    %scan3A_12 = arith.constant 1 : i32
    scf.for %scan3A_44 = %scan3A_9 to %scan3A_11 step %scan3A_12  : i32 {
      %jit3A = arith.constant 1 : i32
      %div3A = arith.divsi %scan3A_44, %jit3A : i32
      %sign3A = arith.constant 0 : i32
      %sign3A_45 = arith.cmpi sgt, %scan3A_44, %sign3A : i32
      %sign3A_46 = arith.extui %sign3A_45 : i1 to i32
      %sign3A_47 = arith.constant 0 : i32
      %sign3A_48 = arith.cmpi slt, %scan3A_44, %sign3A_47 : i32
      %sign3A_49 = arith.extui %sign3A_48 : i1 to i32
      %sign3A_50 = arith.subi %sign3A_46, %sign3A_49 : i32
      %sign3A_51 = arith.constant 0 : i32
      %sign3A_52 = arith.cmpi sgt, %jit3A, %sign3A_51 : i32
      %sign3A_53 = arith.extui %sign3A_52 : i1 to i32
      %sign3A_54 = arith.constant 0 : i32
      %sign3A_55 = arith.cmpi slt, %jit3A, %sign3A_54 : i32
      %sign3A_56 = arith.extui %sign3A_55 : i1 to i32
      %sign3A_57 = arith.subi %sign3A_53, %sign3A_56 : i32
      %ne3A = arith.cmpi ne, %sign3A_50, %sign3A_57 : i32
      %rem3A = arith.remsi %scan3A_44, %jit3A : i32
      %ne3A_58 = arith.constant 0 : i32
      %ne3A_59 = arith.cmpi ne, %rem3A, %ne3A_58 : i32
      %and3A = arith.andi %ne3A, %ne3A_59 : i1
      %sub3A = arith.constant 1 : i32
      %sub3A_60 = arith.subi %div3A, %sub3A : i32
      %select_n3A = arith.select %and3A, %sub3A_60, %div3A : i32
      %jit3A_61 = arith.constant 1 : i32
      %eq3A = arith.constant 0 : i32
      %eq3A_62 = arith.cmpi eq, %jit3A_61, %eq3A : i32
      %jit3A_63 = arith.constant 1 : i32
      %select_n3A_64 = arith.select %eq3A_62, %jit3A_63, %jit3A_61 : i32
      %rem3A_65 = arith.remsi %scan3A_44, %select_n3A_64 : i32
      %ne3A_66 = arith.constant 0 : i32
      %ne3A_67 = arith.cmpi ne, %rem3A_65, %ne3A_66 : i32
      %lt3A = arith.constant 0 : i32
      %lt3A_68 = arith.cmpi slt, %rem3A_65, %lt3A : i32
      %lt3A_69 = arith.constant 0 : i32
      %lt3A_70 = arith.cmpi slt, %select_n3A_64, %lt3A_69 : i32
      %ne3A_71 = arith.xori %lt3A_68, %lt3A_70 : i1
      %and3A_72 = arith.andi %ne3A_71, %ne3A_67 : i1
      %add3A_73 = arith.addi %rem3A_65, %select_n3A_64 : i32
      %select_n3A_74 = arith.select %and3A_72, %add3A_73, %rem3A_65 : i32
      %mul3A_75 = arith.constant 16 : i32
      %mul3A_76 = arith.muli %select_n3A_74, %mul3A_75 : i32
      %swap3A = arith.index_cast %select_n3A : i32 to index
      %swap3A_77 = arith.index_cast %mul3A_76 : i32 to index
      %swap3A_78 = tpu.vector_load %arg5[%swap3A, %swap3A_77] {strides = array<i32>} : memref<80x16xf32, #tpu.memory_space<vmem>>, vector<1x16xf32>,
      %swap3A_79 = vector.shape_cast %swap3A_78 : vector<1x16xf32> to vector<16xf32>
      %swap3A_80 = vector.shape_cast %broadcast_in_dim3A_7 : vector<16xf32> to vector<1x16xf32>
      tpu.vector_store %arg5[%swap3A, %swap3A_77], %swap3A_80 {strides = array<i32>} : memref<80x16xf32, #tpu.memory_space<vmem>>, vector<1x16xf32>,
    }
    %scan3A_13 = arith.constant 80 : i32
    %mul3A = arith.constant 625 : i32
    %mul3A_14 = arith.muli %arg1, %mul3A : i32
    %add3A = arith.constant 0 : i32
    %add3A_15 = arith.addi %mul3A_14, %add3A : i32
    "tpu.region"() ({
      %run_scoped3A = tpu.sem_alloc : memref<!tpu.dma_semaphore, #tpu.memory_space<semaphore_mem>>
      %dma_start3A = arith.constant 0 : i32
      %dma_start3A_44 = tpu.memref_slice %arg8[%add3A_15, %dma_start3A] : memref<10000x16xf32, #tpu.memory_space<vmem_shared>> -> memref<125x16xf32, #tpu.memory_space<vmem_shared>>
      %dma_start3A_45 = arith.constant 0 : i32
      %dma_start3A_46 = tpu.memref_slice %arg8[%add3A_15, %dma_start3A_45] : memref<10000x16xf32, #tpu.memory_space<vmem_shared>> -> memref<125x16xf32, #tpu.memory_space<vmem_shared>>
      tpu.enqueue_dma source(%arg6 : memref<125x16xf32, #tpu.memory_space<vmem>>) target(%dma_start3A_46 : memref<125x16xf32, #tpu.memory_space<vmem_shared>>) target_semaphore(%run_scoped3A : memref<!tpu.dma_semaphore, #tpu.memory_space<semaphore_mem>>)
      %dma_wait3A = arith.constant 0 : i32
      %dma_wait3A_47 = tpu.memref_slice %arg8[%add3A_15, %dma_wait3A] : memref<10000x16xf32, #tpu.memory_space<vmem_shared>> -> memref<125x16xf32, #tpu.memory_space<vmem_shared>>
      %dma_wait3A_48 = arith.constant 0 : i32
      %dma_wait3A_49 = tpu.memref_slice %arg8[%add3A_15, %dma_wait3A_48] : memref<10000x16xf32, #tpu.memory_space<vmem_shared>> -> memref<125x16xf32, #tpu.memory_space<vmem_shared>>
      tpu.wait_dma2 semaphore(%run_scoped3A : memref<!tpu.dma_semaphore, #tpu.memory_space<semaphore_mem>>) src(%arg6 : memref<125x16xf32, #tpu.memory_space<vmem>>) dst(%dma_wait3A_49 : memref<125x16xf32, #tpu.memory_space<vmem_shared>>)
      tpu.yield
    }) : () -> ()
    %mul3A_16 = arith.constant 625 : i32
    %mul3A_17 = arith.muli %arg1, %mul3A_16 : i32
    %add3A_18 = arith.constant 125 : i32
    %add3A_19 = arith.addi %mul3A_17, %add3A_18 : i32
    "tpu.region"() ({
      %run_scoped3A = tpu.sem_alloc : memref<!tpu.dma_semaphore, #tpu.memory_space<semaphore_mem>>
      %dma_start3A = arith.constant 0 : i32
      %dma_start3A_44 = tpu.memref_slice %arg8[%add3A_19, %dma_start3A] : memref<10000x16xf32, #tpu.memory_space<vmem_shared>> -> memref<125x16xf32, #tpu.memory_space<vmem_shared>>
      %dma_start3A_45 = arith.constant 0 : i32
      %dma_start3A_46 = tpu.memref_slice %arg8[%add3A_19, %dma_start3A_45] : memref<10000x16xf32, #tpu.memory_space<vmem_shared>> -> memref<125x16xf32, #tpu.memory_space<vmem_shared>>
      tpu.enqueue_dma source(%arg6 : memref<125x16xf32, #tpu.memory_space<vmem>>) target(%dma_start3A_46 : memref<125x16xf32, #tpu.memory_space<vmem_shared>>) target_semaphore(%run_scoped3A : memref<!tpu.dma_semaphore, #tpu.memory_space<semaphore_mem>>)
      %dma_wait3A = arith.constant 0 : i32
      %dma_wait3A_47 = tpu.memref_slice %arg8[%add3A_19, %dma_wait3A] : memref<10000x16xf32, #tpu.memory_space<vmem_shared>> -> memref<125x16xf32, #tpu.memory_space<vmem_shared>>
      %dma_wait3A_48 = arith.constant 0 : i32
      %dma_wait3A_49 = tpu.memref_slice %arg8[%add3A_19, %dma_wait3A_48] : memref<10000x16xf32, #tpu.memory_space<vmem_shared>> -> memref<125x16xf32, #tpu.memory_space<vmem_shared>>
      tpu.wait_dma2 semaphore(%run_scoped3A : memref<!tpu.dma_semaphore, #tpu.memory_space<semaphore_mem>>) src(%arg6 : memref<125x16xf32, #tpu.memory_space<vmem>>) dst(%dma_wait3A_49 : memref<125x16xf32, #tpu.memory_space<vmem_shared>>)
      tpu.yield
    }) : () -> ()
    %mul3A_20 = arith.constant 625 : i32
    %mul3A_21 = arith.muli %arg1, %mul3A_20 : i32
    %add3A_22 = arith.constant 250 : i32
    %add3A_23 = arith.addi %mul3A_21, %add3A_22 : i32
    "tpu.region"() ({
      %run_scoped3A = tpu.sem_alloc : memref<!tpu.dma_semaphore, #tpu.memory_space<semaphore_mem>>
      %dma_start3A = arith.constant 0 : i32
      %dma_start3A_44 = tpu.memref_slice %arg8[%add3A_23, %dma_start3A] : memref<10000x16xf32, #tpu.memory_space<vmem_shared>> -> memref<125x16xf32, #tpu.memory_space<vmem_shared>>
      %dma_start3A_45 = arith.constant 0 : i32
      %dma_start3A_46 = tpu.memref_slice %arg8[%add3A_23, %dma_start3A_45] : memref<10000x16xf32, #tpu.memory_space<vmem_shared>> -> memref<125x16xf32, #tpu.memory_space<vmem_shared>>
      tpu.enqueue_dma source(%arg6 : memref<125x16xf32, #tpu.memory_space<vmem>>) target(%dma_start3A_46 : memref<125x16xf32, #tpu.memory_space<vmem_shared>>) target_semaphore(%run_scoped3A : memref<!tpu.dma_semaphore, #tpu.memory_space<semaphore_mem>>)
      %dma_wait3A = arith.constant 0 : i32
      %dma_wait3A_47 = tpu.memref_slice %arg8[%add3A_23, %dma_wait3A] : memref<10000x16xf32, #tpu.memory_space<vmem_shared>> -> memref<125x16xf32, #tpu.memory_space<vmem_shared>>
      %dma_wait3A_48 = arith.constant 0 : i32
      %dma_wait3A_49 = tpu.memref_slice %arg8[%add3A_23, %dma_wait3A_48] : memref<10000x16xf32, #tpu.memory_space<vmem_shared>> -> memref<125x16xf32, #tpu.memory_space<vmem_shared>>
      tpu.wait_dma2 semaphore(%run_scoped3A : memref<!tpu.dma_semaphore, #tpu.memory_space<semaphore_mem>>) src(%arg6 : memref<125x16xf32, #tpu.memory_space<vmem>>) dst(%dma_wait3A_49 : memref<125x16xf32, #tpu.memory_space<vmem_shared>>)
      tpu.yield
    }) : () -> ()
    %mul3A_24 = arith.constant 625 : i32
    %mul3A_25 = arith.muli %arg1, %mul3A_24 : i32
    %add3A_26 = arith.constant 375 : i32
    %add3A_27 = arith.addi %mul3A_25, %add3A_26 : i32
    "tpu.region"() ({
      %run_scoped3A = tpu.sem_alloc : memref<!tpu.dma_semaphore, #tpu.memory_space<semaphore_mem>>
      %dma_start3A = arith.constant 0 : i32
      %dma_start3A_44 = tpu.memref_slice %arg8[%add3A_27, %dma_start3A] : memref<10000x16xf32, #tpu.memory_space<vmem_shared>> -> memref<125x16xf32, #tpu.memory_space<vmem_shared>>
      %dma_start3A_45 = arith.constant 0 : i32
      %dma_start3A_46 = tpu.memref_slice %arg8[%add3A_27, %dma_start3A_45] : memref<10000x16xf32, #tpu.memory_space<vmem_shared>> -> memref<125x16xf32, #tpu.memory_space<vmem_shared>>
      tpu.enqueue_dma source(%arg6 : memref<125x16xf32, #tpu.memory_space<vmem>>) target(%dma_start3A_46 : memref<125x16xf32, #tpu.memory_space<vmem_shared>>) target_semaphore(%run_scoped3A : memref<!tpu.dma_semaphore, #tpu.memory_space<semaphore_mem>>)
      %dma_wait3A = arith.constant 0 : i32
      %dma_wait3A_47 = tpu.memref_slice %arg8[%add3A_27, %dma_wait3A] : memref<10000x16xf32, #tpu.memory_space<vmem_shared>> -> memref<125x16xf32, #tpu.memory_space<vmem_shared>>
      %dma_wait3A_48 = arith.constant 0 : i32
      %dma_wait3A_49 = tpu.memref_slice %arg8[%add3A_27, %dma_wait3A_48] : memref<10000x16xf32, #tpu.memory_space<vmem_shared>> -> memref<125x16xf32, #tpu.memory_space<vmem_shared>>
      tpu.wait_dma2 semaphore(%run_scoped3A : memref<!tpu.dma_semaphore, #tpu.memory_space<semaphore_mem>>) src(%arg6 : memref<125x16xf32, #tpu.memory_space<vmem>>) dst(%dma_wait3A_49 : memref<125x16xf32, #tpu.memory_space<vmem_shared>>)
      tpu.yield
    }) : () -> ()
    %mul3A_28 = arith.constant 625 : i32
    %mul3A_29 = arith.muli %arg1, %mul3A_28 : i32
    %add3A_30 = arith.constant 500 : i32
    %add3A_31 = arith.addi %mul3A_29, %add3A_30 : i32
    "tpu.region"() ({
      %run_scoped3A = tpu.sem_alloc : memref<!tpu.dma_semaphore, #tpu.memory_space<semaphore_mem>>
      %dma_start3A = arith.constant 0 : i32
      %dma_start3A_44 = tpu.memref_slice %arg8[%add3A_31, %dma_start3A] : memref<10000x16xf32, #tpu.memory_space<vmem_shared>> -> memref<125x16xf32, #tpu.memory_space<vmem_shared>>
      %dma_start3A_45 = arith.constant 0 : i32
      %dma_start3A_46 = tpu.memref_slice %arg8[%add3A_31, %dma_start3A_45] : memref<10000x16xf32, #tpu.memory_space<vmem_shared>> -> memref<125x16xf32, #tpu.memory_space<vmem_shared>>
      tpu.enqueue_dma source(%arg6 : memref<125x16xf32, #tpu.memory_space<vmem>>) target(%dma_start3A_46 : memref<125x16xf32, #tpu.memory_space<vmem_shared>>) target_semaphore(%run_scoped3A : memref<!tpu.dma_semaphore, #tpu.memory_space<semaphore_mem>>)
      %dma_wait3A = arith.constant 0 : i32
      %dma_wait3A_47 = tpu.memref_slice %arg8[%add3A_31, %dma_wait3A] : memref<10000x16xf32, #tpu.memory_space<vmem_shared>> -> memref<125x16xf32, #tpu.memory_space<vmem_shared>>
      %dma_wait3A_48 = arith.constant 0 : i32
      %dma_wait3A_49 = tpu.memref_slice %arg8[%add3A_31, %dma_wait3A_48] : memref<10000x16xf32, #tpu.memory_space<vmem_shared>> -> memref<125x16xf32, #tpu.memory_space<vmem_shared>>
      tpu.wait_dma2 semaphore(%run_scoped3A : memref<!tpu.dma_semaphore, #tpu.memory_space<semaphore_mem>>) src(%arg6 : memref<125x16xf32, #tpu.memory_space<vmem>>) dst(%dma_wait3A_49 : memref<125x16xf32, #tpu.memory_space<vmem_shared>>)
      tpu.yield
    }) : () -> ()
    %mul3A_32 = arith.constant 16 : i32
    %mul3A_33 = arith.muli %arg0, %mul3A_32 : i32
    %add3A_34 = arith.addi %mul3A_33, %arg1 : i32
    "tpu.region"() ({
      %run_scoped3A = tpu.sem_alloc : memref<!tpu.dma_semaphore, #tpu.memory_space<semaphore_mem>>
      %dma_start3A = arith.constant 0 : i32
      %dma_start3A_44 = arith.constant 0 : i32
      %dma_start3A_45 = tpu.memref_slice %arg2[%add3A_34, %dma_start3A, %dma_start3A_44] : memref<32x125x80xi32, #tpu.memory_space<hbm>> -> memref<1x125x80xi32, #tpu.memory_space<hbm>>
      %dma_start3A_46 = tpu.memref_squeeze %dma_start3A_45 : memref<1x125x80xi32, #tpu.memory_space<hbm>> -> memref<125x80xi32, #tpu.memory_space<hbm>>
      %dma_start3A_47 = arith.constant 0 : i32
      %dma_start3A_48 = arith.constant 0 : i32
      %dma_start3A_49 = tpu.memref_slice %arg2[%add3A_34, %dma_start3A_47, %dma_start3A_48] : memref<32x125x80xi32, #tpu.memory_space<hbm>> -> memref<1x125x80xi32, #tpu.memory_space<hbm>>
      %dma_start3A_50 = tpu.memref_squeeze %dma_start3A_49 : memref<1x125x80xi32, #tpu.memory_space<hbm>> -> memref<125x80xi32, #tpu.memory_space<hbm>>
      tpu.enqueue_dma source(%dma_start3A_50 : memref<125x80xi32, #tpu.memory_space<hbm>>) target(%arg4 : memref<125x80xi32, #tpu.memory_space<vmem>>) target_semaphore(%run_scoped3A : memref<!tpu.dma_semaphore, #tpu.memory_space<semaphore_mem>>)
      %dma_wait3A = arith.constant 0 : i32
      %dma_wait3A_51 = arith.constant 0 : i32
      %dma_wait3A_52 = tpu.memref_slice %arg2[%add3A_34, %dma_wait3A, %dma_wait3A_51] : memref<32x125x80xi32, #tpu.memory_space<hbm>> -> memref<1x125x80xi32, #tpu.memory_space<hbm>>
      %dma_wait3A_53 = tpu.memref_squeeze %dma_wait3A_52 : memref<1x125x80xi32, #tpu.memory_space<hbm>> -> memref<125x80xi32, #tpu.memory_space<hbm>>
      %dma_wait3A_54 = arith.constant 0 : i32
      %dma_wait3A_55 = arith.constant 0 : i32
      %dma_wait3A_56 = tpu.memref_slice %arg2[%add3A_34, %dma_wait3A_54, %dma_wait3A_55] : memref<32x125x80xi32, #tpu.memory_space<hbm>> -> memref<1x125x80xi32, #tpu.memory_space<hbm>>
      %dma_wait3A_57 = tpu.memref_squeeze %dma_wait3A_56 : memref<1x125x80xi32, #tpu.memory_space<hbm>> -> memref<125x80xi32, #tpu.memory_space<hbm>>
      tpu.wait_dma2 semaphore(%run_scoped3A : memref<!tpu.dma_semaphore, #tpu.memory_space<semaphore_mem>>) src(%dma_wait3A_57 : memref<125x80xi32, #tpu.memory_space<hbm>>) dst(%arg4 : memref<125x80xi32, #tpu.memory_space<vmem>>)
      tpu.yield
    }) : () -> ()
    %barrier3A = arith.constant 0 : index
    tpu.barrier barrier_id(%barrier3A)
    %scan3A_35 = arith.constant 0 : i32
    %scan3A_36 = arith.constant 0 : i32
    %scan3A_37 = arith.constant 5 : i32
    %scan3A_38 = arith.addi %scan3A_36, %scan3A_37 : i32
    %scan3A_39 = arith.constant 1 : i32
    scf.for %scan3A_44 = %scan3A_36 to %scan3A_38 step %scan3A_39  : i32 {
      %scan3A_45 = arith.constant 0 : i32
      %scan3A_46 = arith.constant 0 : i32
      %scan3A_47 = arith.constant 25 : i32
      %scan3A_48 = arith.addi %scan3A_46, %scan3A_47 : i32
      %scan3A_49 = arith.constant 1 : i32
      scf.for %scan3A_57 = %scan3A_46 to %scan3A_48 step %scan3A_49  : i32 {
        %mul3A_58 = arith.constant 25 : i32
        %mul3A_59 = arith.muli %scan3A_44, %mul3A_58 : i32
        %add3A_60 = arith.addi %mul3A_59, %scan3A_57 : i32
        %dma_start3A = arith.constant 0 : i32
        %dma_start3A_61 = tpu.memref_slice %arg4[%add3A_60, %dma_start3A] : memref<125x80xi32, #tpu.memory_space<vmem>> -> memref<1x80xi32, #tpu.memory_space<vmem>>
        %dma_start3A_62 = tpu.memref_squeeze %dma_start3A_61 : memref<1x80xi32, #tpu.memory_space<vmem>> -> memref<80xi32, #tpu.memory_space<vmem>>
        %dma_start3A_63 = arith.constant 0 : i32
        %dma_start3A_64 = arith.constant 0 : i32
        %dma_start3A_65 = tpu.memref_slice %arg8[%dma_start3A_63, %dma_start3A_64] : memref<10000x16xf32, #tpu.memory_space<vmem_shared>> -> memref<10000x16xf32, #tpu.memory_space<vmem_shared>>
        tpu.enqueue_indirect_dma source(%arg5 : memref<80x16xf32, #tpu.memory_space<vmem>>) target(%dma_start3A_65 : memref<10000x16xf32, #tpu.memory_space<vmem_shared>>) offsets(%dma_start3A_62 : memref<80xi32, #tpu.memory_space<vmem>>) semaphore(%arg7 : memref<!tpu.dma_semaphore, #tpu.memory_space<semaphore_mem>>) {add = true}
      }
      %scan3A_50 = arith.constant 25 : i32
      %scan3A_51 = arith.constant 0 : i32
      %scan3A_52 = arith.constant 0 : i32
      %scan3A_53 = arith.constant 25 : i32
      %scan3A_54 = arith.addi %scan3A_52, %scan3A_53 : i32
      %scan3A_55 = arith.constant 1 : i32
      scf.for %scan3A_57 = %scan3A_52 to %scan3A_54 step %scan3A_55  : i32 {
        %mul3A_58 = arith.constant 25 : i32
        %mul3A_59 = arith.muli %scan3A_44, %mul3A_58 : i32
        %add3A_60 = arith.addi %mul3A_59, %scan3A_57 : i32
        %dma_wait3A = arith.constant 0 : i32
        %dma_wait3A_61 = tpu.memref_slice %arg4[%add3A_60, %dma_wait3A] : memref<125x80xi32, #tpu.memory_space<vmem>> -> memref<1x80xi32, #tpu.memory_space<vmem>>
        %dma_wait3A_62 = tpu.memref_squeeze %dma_wait3A_61 : memref<1x80xi32, #tpu.memory_space<vmem>> -> memref<80xi32, #tpu.memory_space<vmem>>
        %dma_wait3A_63 = arith.constant 0 : i32
        %dma_wait3A_64 = arith.constant 0 : i32
        %dma_wait3A_65 = tpu.memref_slice %arg8[%dma_wait3A_63, %dma_wait3A_64] : memref<10000x16xf32, #tpu.memory_space<vmem_shared>> -> memref<10000x16xf32, #tpu.memory_space<vmem_shared>>
        tpu.wait_indirect_dma semaphore(%arg7 : memref<!tpu.dma_semaphore, #tpu.memory_space<semaphore_mem>>) src(%arg5 : memref<80x16xf32, #tpu.memory_space<vmem>>) dst(%dma_wait3A_65 : memref<10000x16xf32, #tpu.memory_space<vmem_shared>>)
      }
      %scan3A_56 = arith.constant 25 : i32
    }
    %scan3A_40 = arith.constant 5 : i32
    %barrier3A_41 = arith.constant 0 : index
    tpu.barrier barrier_id(%barrier3A_41)
    %mul3A_42 = arith.constant 625 : i32
    %mul3A_43 = arith.muli %arg1, %mul3A_42 : i32
    "tpu.region"() ({
      %run_scoped3A = tpu.sem_alloc : memref<!tpu.dma_semaphore, #tpu.memory_space<semaphore_mem>>
      %dma_start3A = arith.constant 0 : i32
      %dma_start3A_44 = arith.constant 0 : i32
      %dma_start3A_45 = tpu.memref_slice %arg3[%arg0, %arg1, %dma_start3A, %dma_start3A_44] : memref<2x16x625x16xf32, #tpu.memory_space<hbm>> -> memref<1x1x625x16xf32, #tpu.memory_space<hbm>>
      %dma_start3A_46 = tpu.memref_squeeze %dma_start3A_45 : memref<1x1x625x16xf32, #tpu.memory_space<hbm>> -> memref<625x16xf32, #tpu.memory_space<hbm>>
      %dma_start3A_47 = arith.constant 0 : i32
      %dma_start3A_48 = tpu.memref_slice %arg8[%mul3A_43, %dma_start3A_47] : memref<10000x16xf32, #tpu.memory_space<vmem_shared>> -> memref<625x16xf32, #tpu.memory_space<vmem_shared>>
      tpu.enqueue_dma source(%dma_start3A_48 : memref<625x16xf32, #tpu.memory_space<vmem_shared>>) target(%dma_start3A_46 : memref<625x16xf32, #tpu.memory_space<hbm>>) target_semaphore(%run_scoped3A : memref<!tpu.dma_semaphore, #tpu.memory_space<semaphore_mem>>)
      %dma_wait3A = arith.constant 0 : i32
      %dma_wait3A_49 = arith.constant 0 : i32
      %dma_wait3A_50 = tpu.memref_slice %arg3[%arg0, %arg1, %dma_wait3A, %dma_wait3A_49] : memref<2x16x625x16xf32, #tpu.memory_space<hbm>> -> memref<1x1x625x16xf32, #tpu.memory_space<hbm>>
      %dma_wait3A_51 = tpu.memref_squeeze %dma_wait3A_50 : memref<1x1x625x16xf32, #tpu.memory_space<hbm>> -> memref<625x16xf32, #tpu.memory_space<hbm>>
      %dma_wait3A_52 = arith.constant 0 : i32
      %dma_wait3A_53 = tpu.memref_slice %arg8[%mul3A_43, %dma_wait3A_52] : memref<10000x16xf32, #tpu.memory_space<vmem_shared>> -> memref<625x16xf32, #tpu.memory_space<vmem_shared>>
      tpu.wait_dma2 semaphore(%run_scoped3A : memref<!tpu.dma_semaphore, #tpu.memory_space<semaphore_mem>>) src(%dma_wait3A_53 : memref<625x16xf32, #tpu.memory_space<vmem_shared>>) dst(%dma_wait3A_51 : memref<625x16xf32, #tpu.memory_space<hbm>>)
      tpu.yield
    }) : () -> ()
    return
  }
}

#map = affine_map<(d0, d1) -> (0, 0, 0)>
#map1 = affine_map<(d0, d1) -> (0, 0)>
#map2 = affine_map<(d0, d1) -> (0, 0, 0, 0)>
module attributes {stable_mosaic.version = 14 : i64} {
  func.func @scat_kernel(%arg0: i32, %arg1: i32, %arg2: memref<2x10000x32xf32, #tpu.memory_space<hbm>>, %arg3: memref<2500x128xi32, #tpu.memory_space<hbm>>, %arg4: memref<2500x128xi32, #tpu.memory_space<hbm>>, %arg5: memref<2x16x625x32xf32, #tpu.memory_space<hbm>>, %arg6: memref<157x128xi32, #tpu.memory_space<vmem>>, %arg7: memref<157x128xi32, #tpu.memory_space<vmem>>, %arg8: memref<128x32xf32, #tpu.memory_space<vmem>>, %arg9: memref<128x32xf32, #tpu.memory_space<vmem>>, %arg10: memref<128x32xf32, #tpu.memory_space<vmem>>, %arg11: memref<128x32xf32, #tpu.memory_space<vmem>>, %arg12: memref<125x32xf32, #tpu.memory_space<vmem>>, %arg13: memref<!tpu.dma_semaphore, #tpu.memory_space<semaphore_mem>>, %arg14: memref<!tpu.dma_semaphore, #tpu.memory_space<semaphore_mem>>, %arg15: memref<!tpu.dma_semaphore, #tpu.memory_space<semaphore_mem>>, %arg16: memref<!tpu.dma_semaphore, #tpu.memory_space<semaphore_mem>>, %arg17: memref<10000x32xf32, #tpu.memory_space<vmem_shared>>) attributes {dimension_semantics = [#tpu.dimension_semantics<core_parallel>, #tpu.dimension_semantics<subcore_parallel>], iteration_bounds = array<i64: 2, 16>, scalar_prefetch = 0 : i64, scratch_operands = 12 : i64, tpu.core_type = #tpu.core_type<sc_vector_subcore>, window_params = [{transform_indices = #map}, {transform_indices = #map1}, {transform_indices = #map1}, {transform_indices = #map2}]} {
    %broadcast_in_dim3A = arith.constant 0.000000e+00 : f32
    %broadcast_in_dim3A_0 = vector.broadcast %broadcast_in_dim3A : f32 to vector<16xf32>
    %scan3A = arith.constant 0 : i32
    %scan3A_1 = arith.constant 0 : i32
    %scan3A_2 = arith.constant 250 : i32
    %scan3A_3 = arith.addi %scan3A_1, %scan3A_2 : i32
    %scan3A_4 = arith.constant 1 : i32
    scf.for %scan3A_85 = %scan3A_1 to %scan3A_3 step %scan3A_4  : i32 {
      %jit3A_86 = arith.constant 2 : i32
      %div3A = arith.divsi %scan3A_85, %jit3A_86 : i32
      %sign3A = arith.constant 0 : i32
      %sign3A_87 = arith.cmpi sgt, %scan3A_85, %sign3A : i32
      %sign3A_88 = arith.extui %sign3A_87 : i1 to i32
      %sign3A_89 = arith.constant 0 : i32
      %sign3A_90 = arith.cmpi slt, %scan3A_85, %sign3A_89 : i32
      %sign3A_91 = arith.extui %sign3A_90 : i1 to i32
      %sign3A_92 = arith.subi %sign3A_88, %sign3A_91 : i32
      %sign3A_93 = arith.constant 0 : i32
      %sign3A_94 = arith.cmpi sgt, %jit3A_86, %sign3A_93 : i32
      %sign3A_95 = arith.extui %sign3A_94 : i1 to i32
      %sign3A_96 = arith.constant 0 : i32
      %sign3A_97 = arith.cmpi slt, %jit3A_86, %sign3A_96 : i32
      %sign3A_98 = arith.extui %sign3A_97 : i1 to i32
      %sign3A_99 = arith.subi %sign3A_95, %sign3A_98 : i32
      %ne3A = arith.cmpi ne, %sign3A_92, %sign3A_99 : i32
      %rem3A = arith.remsi %scan3A_85, %jit3A_86 : i32
      %ne3A_100 = arith.constant 0 : i32
      %ne3A_101 = arith.cmpi ne, %rem3A, %ne3A_100 : i32
      %and3A = arith.andi %ne3A, %ne3A_101 : i1
      %sub3A_102 = arith.constant 1 : i32
      %sub3A_103 = arith.subi %div3A, %sub3A_102 : i32
      %select_n3A_104 = arith.select %and3A, %sub3A_103, %div3A : i32
      %jit3A_105 = arith.constant 2 : i32
      %eq3A = arith.constant 0 : i32
      %eq3A_106 = arith.cmpi eq, %jit3A_105, %eq3A : i32
      %jit3A_107 = arith.constant 1 : i32
      %select_n3A_108 = arith.select %eq3A_106, %jit3A_107, %jit3A_105 : i32
      %rem3A_109 = arith.remsi %scan3A_85, %select_n3A_108 : i32
      %ne3A_110 = arith.constant 0 : i32
      %ne3A_111 = arith.cmpi ne, %rem3A_109, %ne3A_110 : i32
      %lt3A = arith.constant 0 : i32
      %lt3A_112 = arith.cmpi slt, %rem3A_109, %lt3A : i32
      %lt3A_113 = arith.constant 0 : i32
      %lt3A_114 = arith.cmpi slt, %select_n3A_108, %lt3A_113 : i32
      %ne3A_115 = arith.xori %lt3A_112, %lt3A_114 : i1
      %and3A_116 = arith.andi %ne3A_115, %ne3A_111 : i1
      %add3A_117 = arith.addi %rem3A_109, %select_n3A_108 : i32
      %select_n3A_118 = arith.select %and3A_116, %add3A_117, %rem3A_109 : i32
      %mul3A_119 = arith.constant 16 : i32
      %mul3A_120 = arith.muli %select_n3A_118, %mul3A_119 : i32
      %swap3A = arith.index_cast %select_n3A_104 : i32 to index
      %swap3A_121 = arith.index_cast %mul3A_120 : i32 to index
      %swap3A_122 = tpu.vector_load %arg12[%swap3A, %swap3A_121] {strides = array<i32>} : memref<125x32xf32, #tpu.memory_space<vmem>>, vector<1x16xf32>,
      %swap3A_123 = vector.shape_cast %swap3A_122 : vector<1x16xf32> to vector<16xf32>
      %swap3A_124 = vector.shape_cast %broadcast_in_dim3A_0 : vector<16xf32> to vector<1x16xf32>
      tpu.vector_store %arg12[%swap3A, %swap3A_121], %swap3A_124 {strides = array<i32>} : memref<125x32xf32, #tpu.memory_space<vmem>>, vector<1x16xf32>,
    }
    %scan3A_5 = arith.constant 250 : i32
    %mul3A = arith.constant 625 : i32
    %mul3A_6 = arith.muli %arg1, %mul3A : i32
    %add3A = arith.constant 0 : i32
    %add3A_7 = arith.addi %mul3A_6, %add3A : i32
    "tpu.region"() ({
      %run_scoped3A = tpu.sem_alloc : memref<!tpu.dma_semaphore, #tpu.memory_space<semaphore_mem>>
      %dma_start3A_85 = arith.constant 0 : i32
      %dma_start3A_86 = tpu.memref_slice %arg17[%add3A_7, %dma_start3A_85] : memref<10000x32xf32, #tpu.memory_space<vmem_shared>> -> memref<125x32xf32, #tpu.memory_space<vmem_shared>>
      %dma_start3A_87 = arith.constant 0 : i32
      %dma_start3A_88 = tpu.memref_slice %arg17[%add3A_7, %dma_start3A_87] : memref<10000x32xf32, #tpu.memory_space<vmem_shared>> -> memref<125x32xf32, #tpu.memory_space<vmem_shared>>
      tpu.enqueue_dma source(%arg12 : memref<125x32xf32, #tpu.memory_space<vmem>>) target(%dma_start3A_88 : memref<125x32xf32, #tpu.memory_space<vmem_shared>>) target_semaphore(%run_scoped3A : memref<!tpu.dma_semaphore, #tpu.memory_space<semaphore_mem>>)
      %dma_wait3A = arith.constant 0 : i32
      %dma_wait3A_89 = tpu.memref_slice %arg17[%add3A_7, %dma_wait3A] : memref<10000x32xf32, #tpu.memory_space<vmem_shared>> -> memref<125x32xf32, #tpu.memory_space<vmem_shared>>
      %dma_wait3A_90 = arith.constant 0 : i32
      %dma_wait3A_91 = tpu.memref_slice %arg17[%add3A_7, %dma_wait3A_90] : memref<10000x32xf32, #tpu.memory_space<vmem_shared>> -> memref<125x32xf32, #tpu.memory_space<vmem_shared>>
      tpu.wait_dma2 semaphore(%run_scoped3A : memref<!tpu.dma_semaphore, #tpu.memory_space<semaphore_mem>>) src(%arg12 : memref<125x32xf32, #tpu.memory_space<vmem>>) dst(%dma_wait3A_91 : memref<125x32xf32, #tpu.memory_space<vmem_shared>>)
      tpu.yield
    }) : () -> ()
    %mul3A_8 = arith.constant 625 : i32
    %mul3A_9 = arith.muli %arg1, %mul3A_8 : i32
    %add3A_10 = arith.constant 125 : i32
    %add3A_11 = arith.addi %mul3A_9, %add3A_10 : i32
    "tpu.region"() ({
      %run_scoped3A = tpu.sem_alloc : memref<!tpu.dma_semaphore, #tpu.memory_space<semaphore_mem>>
      %dma_start3A_85 = arith.constant 0 : i32
      %dma_start3A_86 = tpu.memref_slice %arg17[%add3A_11, %dma_start3A_85] : memref<10000x32xf32, #tpu.memory_space<vmem_shared>> -> memref<125x32xf32, #tpu.memory_space<vmem_shared>>
      %dma_start3A_87 = arith.constant 0 : i32
      %dma_start3A_88 = tpu.memref_slice %arg17[%add3A_11, %dma_start3A_87] : memref<10000x32xf32, #tpu.memory_space<vmem_shared>> -> memref<125x32xf32, #tpu.memory_space<vmem_shared>>
      tpu.enqueue_dma source(%arg12 : memref<125x32xf32, #tpu.memory_space<vmem>>) target(%dma_start3A_88 : memref<125x32xf32, #tpu.memory_space<vmem_shared>>) target_semaphore(%run_scoped3A : memref<!tpu.dma_semaphore, #tpu.memory_space<semaphore_mem>>)
      %dma_wait3A = arith.constant 0 : i32
      %dma_wait3A_89 = tpu.memref_slice %arg17[%add3A_11, %dma_wait3A] : memref<10000x32xf32, #tpu.memory_space<vmem_shared>> -> memref<125x32xf32, #tpu.memory_space<vmem_shared>>
      %dma_wait3A_90 = arith.constant 0 : i32
      %dma_wait3A_91 = tpu.memref_slice %arg17[%add3A_11, %dma_wait3A_90] : memref<10000x32xf32, #tpu.memory_space<vmem_shared>> -> memref<125x32xf32, #tpu.memory_space<vmem_shared>>
      tpu.wait_dma2 semaphore(%run_scoped3A : memref<!tpu.dma_semaphore, #tpu.memory_space<semaphore_mem>>) src(%arg12 : memref<125x32xf32, #tpu.memory_space<vmem>>) dst(%dma_wait3A_91 : memref<125x32xf32, #tpu.memory_space<vmem_shared>>)
      tpu.yield
    }) : () -> ()
    %mul3A_12 = arith.constant 625 : i32
    %mul3A_13 = arith.muli %arg1, %mul3A_12 : i32
    %add3A_14 = arith.constant 250 : i32
    %add3A_15 = arith.addi %mul3A_13, %add3A_14 : i32
    "tpu.region"() ({
      %run_scoped3A = tpu.sem_alloc : memref<!tpu.dma_semaphore, #tpu.memory_space<semaphore_mem>>
      %dma_start3A_85 = arith.constant 0 : i32
      %dma_start3A_86 = tpu.memref_slice %arg17[%add3A_15, %dma_start3A_85] : memref<10000x32xf32, #tpu.memory_space<vmem_shared>> -> memref<125x32xf32, #tpu.memory_space<vmem_shared>>
      %dma_start3A_87 = arith.constant 0 : i32
      %dma_start3A_88 = tpu.memref_slice %arg17[%add3A_15, %dma_start3A_87] : memref<10000x32xf32, #tpu.memory_space<vmem_shared>> -> memref<125x32xf32, #tpu.memory_space<vmem_shared>>
      tpu.enqueue_dma source(%arg12 : memref<125x32xf32, #tpu.memory_space<vmem>>) target(%dma_start3A_88 : memref<125x32xf32, #tpu.memory_space<vmem_shared>>) target_semaphore(%run_scoped3A : memref<!tpu.dma_semaphore, #tpu.memory_space<semaphore_mem>>)
      %dma_wait3A = arith.constant 0 : i32
      %dma_wait3A_89 = tpu.memref_slice %arg17[%add3A_15, %dma_wait3A] : memref<10000x32xf32, #tpu.memory_space<vmem_shared>> -> memref<125x32xf32, #tpu.memory_space<vmem_shared>>
      %dma_wait3A_90 = arith.constant 0 : i32
      %dma_wait3A_91 = tpu.memref_slice %arg17[%add3A_15, %dma_wait3A_90] : memref<10000x32xf32, #tpu.memory_space<vmem_shared>> -> memref<125x32xf32, #tpu.memory_space<vmem_shared>>
      tpu.wait_dma2 semaphore(%run_scoped3A : memref<!tpu.dma_semaphore, #tpu.memory_space<semaphore_mem>>) src(%arg12 : memref<125x32xf32, #tpu.memory_space<vmem>>) dst(%dma_wait3A_91 : memref<125x32xf32, #tpu.memory_space<vmem_shared>>)
      tpu.yield
    }) : () -> ()
    %mul3A_16 = arith.constant 625 : i32
    %mul3A_17 = arith.muli %arg1, %mul3A_16 : i32
    %add3A_18 = arith.constant 375 : i32
    %add3A_19 = arith.addi %mul3A_17, %add3A_18 : i32
    "tpu.region"() ({
      %run_scoped3A = tpu.sem_alloc : memref<!tpu.dma_semaphore, #tpu.memory_space<semaphore_mem>>
      %dma_start3A_85 = arith.constant 0 : i32
      %dma_start3A_86 = tpu.memref_slice %arg17[%add3A_19, %dma_start3A_85] : memref<10000x32xf32, #tpu.memory_space<vmem_shared>> -> memref<125x32xf32, #tpu.memory_space<vmem_shared>>
      %dma_start3A_87 = arith.constant 0 : i32
      %dma_start3A_88 = tpu.memref_slice %arg17[%add3A_19, %dma_start3A_87] : memref<10000x32xf32, #tpu.memory_space<vmem_shared>> -> memref<125x32xf32, #tpu.memory_space<vmem_shared>>
      tpu.enqueue_dma source(%arg12 : memref<125x32xf32, #tpu.memory_space<vmem>>) target(%dma_start3A_88 : memref<125x32xf32, #tpu.memory_space<vmem_shared>>) target_semaphore(%run_scoped3A : memref<!tpu.dma_semaphore, #tpu.memory_space<semaphore_mem>>)
      %dma_wait3A = arith.constant 0 : i32
      %dma_wait3A_89 = tpu.memref_slice %arg17[%add3A_19, %dma_wait3A] : memref<10000x32xf32, #tpu.memory_space<vmem_shared>> -> memref<125x32xf32, #tpu.memory_space<vmem_shared>>
      %dma_wait3A_90 = arith.constant 0 : i32
      %dma_wait3A_91 = tpu.memref_slice %arg17[%add3A_19, %dma_wait3A_90] : memref<10000x32xf32, #tpu.memory_space<vmem_shared>> -> memref<125x32xf32, #tpu.memory_space<vmem_shared>>
      tpu.wait_dma2 semaphore(%run_scoped3A : memref<!tpu.dma_semaphore, #tpu.memory_space<semaphore_mem>>) src(%arg12 : memref<125x32xf32, #tpu.memory_space<vmem>>) dst(%dma_wait3A_91 : memref<125x32xf32, #tpu.memory_space<vmem_shared>>)
      tpu.yield
    }) : () -> ()
    %mul3A_20 = arith.constant 625 : i32
    %mul3A_21 = arith.muli %arg1, %mul3A_20 : i32
    %add3A_22 = arith.constant 500 : i32
    %add3A_23 = arith.addi %mul3A_21, %add3A_22 : i32
    "tpu.region"() ({
      %run_scoped3A = tpu.sem_alloc : memref<!tpu.dma_semaphore, #tpu.memory_space<semaphore_mem>>
      %dma_start3A_85 = arith.constant 0 : i32
      %dma_start3A_86 = tpu.memref_slice %arg17[%add3A_23, %dma_start3A_85] : memref<10000x32xf32, #tpu.memory_space<vmem_shared>> -> memref<125x32xf32, #tpu.memory_space<vmem_shared>>
      %dma_start3A_87 = arith.constant 0 : i32
      %dma_start3A_88 = tpu.memref_slice %arg17[%add3A_23, %dma_start3A_87] : memref<10000x32xf32, #tpu.memory_space<vmem_shared>> -> memref<125x32xf32, #tpu.memory_space<vmem_shared>>
      tpu.enqueue_dma source(%arg12 : memref<125x32xf32, #tpu.memory_space<vmem>>) target(%dma_start3A_88 : memref<125x32xf32, #tpu.memory_space<vmem_shared>>) target_semaphore(%run_scoped3A : memref<!tpu.dma_semaphore, #tpu.memory_space<semaphore_mem>>)
      %dma_wait3A = arith.constant 0 : i32
      %dma_wait3A_89 = tpu.memref_slice %arg17[%add3A_23, %dma_wait3A] : memref<10000x32xf32, #tpu.memory_space<vmem_shared>> -> memref<125x32xf32, #tpu.memory_space<vmem_shared>>
      %dma_wait3A_90 = arith.constant 0 : i32
      %dma_wait3A_91 = tpu.memref_slice %arg17[%add3A_23, %dma_wait3A_90] : memref<10000x32xf32, #tpu.memory_space<vmem_shared>> -> memref<125x32xf32, #tpu.memory_space<vmem_shared>>
      tpu.wait_dma2 semaphore(%run_scoped3A : memref<!tpu.dma_semaphore, #tpu.memory_space<semaphore_mem>>) src(%arg12 : memref<125x32xf32, #tpu.memory_space<vmem>>) dst(%dma_wait3A_91 : memref<125x32xf32, #tpu.memory_space<vmem_shared>>)
      tpu.yield
    }) : () -> ()
    %mul3A_24 = arith.constant 156 : i32
    %mul3A_25 = arith.muli %arg1, %mul3A_24 : i32
    %sub3A = arith.constant 12 : i32
    %sub3A_26 = arith.subi %arg1, %sub3A : i32
    %max3A = arith.constant 0 : i32
    %max3A_27 = arith.maxsi %sub3A_26, %max3A : i32
    %add3A_28 = arith.addi %mul3A_25, %max3A_27 : i32
    %ge3A = arith.constant 12 : i32
    %ge3A_29 = arith.cmpi sge, %arg1, %ge3A : i32
    %jit3A = arith.constant 157 : i32
    %jit3A_30 = arith.constant 156 : i32
    %select_n3A = arith.select %ge3A_29, %jit3A, %jit3A_30 : i32
    "tpu.region"() ({
      %run_scoped3A = tpu.sem_alloc : memref<!tpu.dma_semaphore, #tpu.memory_space<semaphore_mem>>
      %dma_start3A_85 = arith.constant 0 : i32
      %dma_start3A_86 = tpu.memref_slice %arg3[%add3A_28, %dma_start3A_85] : memref<2500x128xi32, #tpu.memory_space<hbm>> -> memref<157x128xi32, #tpu.memory_space<hbm>>
      %dma_start3A_87 = arith.constant 0 : i32
      %dma_start3A_88 = tpu.memref_slice %arg3[%add3A_28, %dma_start3A_87] : memref<2500x128xi32, #tpu.memory_space<hbm>> -> memref<157x128xi32, #tpu.memory_space<hbm>>
      tpu.enqueue_dma source(%dma_start3A_88 : memref<157x128xi32, #tpu.memory_space<hbm>>) target(%arg6 : memref<157x128xi32, #tpu.memory_space<vmem>>) target_semaphore(%run_scoped3A : memref<!tpu.dma_semaphore, #tpu.memory_space<semaphore_mem>>)
      %dma_wait3A = arith.constant 0 : i32
      %dma_wait3A_89 = tpu.memref_slice %arg3[%add3A_28, %dma_wait3A] : memref<2500x128xi32, #tpu.memory_space<hbm>> -> memref<157x128xi32, #tpu.memory_space<hbm>>
      %dma_wait3A_90 = arith.constant 0 : i32
      %dma_wait3A_91 = tpu.memref_slice %arg3[%add3A_28, %dma_wait3A_90] : memref<2500x128xi32, #tpu.memory_space<hbm>> -> memref<157x128xi32, #tpu.memory_space<hbm>>
      tpu.wait_dma2 semaphore(%run_scoped3A : memref<!tpu.dma_semaphore, #tpu.memory_space<semaphore_mem>>) src(%dma_wait3A_91 : memref<157x128xi32, #tpu.memory_space<hbm>>) dst(%arg6 : memref<157x128xi32, #tpu.memory_space<vmem>>)
      tpu.yield
    }) : () -> ()
    "tpu.region"() ({
      %run_scoped3A = tpu.sem_alloc : memref<!tpu.dma_semaphore, #tpu.memory_space<semaphore_mem>>
      %dma_start3A_85 = arith.constant 0 : i32
      %dma_start3A_86 = tpu.memref_slice %arg4[%add3A_28, %dma_start3A_85] : memref<2500x128xi32, #tpu.memory_space<hbm>> -> memref<157x128xi32, #tpu.memory_space<hbm>>
      %dma_start3A_87 = arith.constant 0 : i32
      %dma_start3A_88 = tpu.memref_slice %arg4[%add3A_28, %dma_start3A_87] : memref<2500x128xi32, #tpu.memory_space<hbm>> -> memref<157x128xi32, #tpu.memory_space<hbm>>
      tpu.enqueue_dma source(%dma_start3A_88 : memref<157x128xi32, #tpu.memory_space<hbm>>) target(%arg7 : memref<157x128xi32, #tpu.memory_space<vmem>>) target_semaphore(%run_scoped3A : memref<!tpu.dma_semaphore, #tpu.memory_space<semaphore_mem>>)
      %dma_wait3A = arith.constant 0 : i32
      %dma_wait3A_89 = tpu.memref_slice %arg4[%add3A_28, %dma_wait3A] : memref<2500x128xi32, #tpu.memory_space<hbm>> -> memref<157x128xi32, #tpu.memory_space<hbm>>
      %dma_wait3A_90 = arith.constant 0 : i32
      %dma_wait3A_91 = tpu.memref_slice %arg4[%add3A_28, %dma_wait3A_90] : memref<2500x128xi32, #tpu.memory_space<hbm>> -> memref<157x128xi32, #tpu.memory_space<hbm>>
      tpu.wait_dma2 semaphore(%run_scoped3A : memref<!tpu.dma_semaphore, #tpu.memory_space<semaphore_mem>>) src(%dma_wait3A_91 : memref<157x128xi32, #tpu.memory_space<hbm>>) dst(%arg7 : memref<157x128xi32, #tpu.memory_space<vmem>>)
      tpu.yield
    }) : () -> ()
    %barrier3A = arith.constant 0 : index
    tpu.barrier barrier_id(%barrier3A)
    %dma_start3A = arith.constant 0 : i32
    %dma_start3A_31 = arith.constant 0 : i32
    %dma_start3A_32 = tpu.memref_slice %arg6[%dma_start3A, %dma_start3A_31] : memref<157x128xi32, #tpu.memory_space<vmem>> -> memref<1x128xi32, #tpu.memory_space<vmem>>
    %dma_start3A_33 = tpu.memref_squeeze %dma_start3A_32 : memref<1x128xi32, #tpu.memory_space<vmem>> -> memref<128xi32, #tpu.memory_space<vmem>>
    %dma_start3A_34 = arith.constant 0 : i32
    %dma_start3A_35 = arith.constant 0 : i32
    %dma_start3A_36 = tpu.memref_slice %arg2[%arg0, %dma_start3A_34, %dma_start3A_35] : memref<2x10000x32xf32, #tpu.memory_space<hbm>> -> memref<1x10000x32xf32, #tpu.memory_space<hbm>>
    %dma_start3A_37 = tpu.memref_squeeze %dma_start3A_36 : memref<1x10000x32xf32, #tpu.memory_space<hbm>> -> memref<10000x32xf32, #tpu.memory_space<hbm>>
    %dma_start3A_38 = arith.constant 0 : i32
    %dma_start3A_39 = arith.constant 0 : i32
    %dma_start3A_40 = tpu.memref_slice %dma_start3A_37[%dma_start3A_38, %dma_start3A_39] : memref<10000x32xf32, #tpu.memory_space<hbm>> -> memref<10000x32xf32, #tpu.memory_space<hbm>>
    tpu.enqueue_indirect_dma source(%dma_start3A_40 : memref<10000x32xf32, #tpu.memory_space<hbm>>) target(%arg8 : memref<128x32xf32, #tpu.memory_space<vmem>>) offsets(%dma_start3A_33 : memref<128xi32, #tpu.memory_space<vmem>>) semaphore(%arg13 : memref<!tpu.dma_semaphore, #tpu.memory_space<semaphore_mem>>)
    %dma_start3A_41 = arith.constant 1 : i32
    %dma_start3A_42 = arith.constant 0 : i32
    %dma_start3A_43 = tpu.memref_slice %arg6[%dma_start3A_41, %dma_start3A_42] : memref<157x128xi32, #tpu.memory_space<vmem>> -> memref<1x128xi32, #tpu.memory_space<vmem>>
    %dma_start3A_44 = tpu.memref_squeeze %dma_start3A_43 : memref<1x128xi32, #tpu.memory_space<vmem>> -> memref<128xi32, #tpu.memory_space<vmem>>
    %dma_start3A_45 = arith.constant 0 : i32
    %dma_start3A_46 = arith.constant 0 : i32
    %dma_start3A_47 = tpu.memref_slice %arg2[%arg0, %dma_start3A_45, %dma_start3A_46] : memref<2x10000x32xf32, #tpu.memory_space<hbm>> -> memref<1x10000x32xf32, #tpu.memory_space<hbm>>
    %dma_start3A_48 = tpu.memref_squeeze %dma_start3A_47 : memref<1x10000x32xf32, #tpu.memory_space<hbm>> -> memref<10000x32xf32, #tpu.memory_space<hbm>>
    %dma_start3A_49 = arith.constant 0 : i32
    %dma_start3A_50 = arith.constant 0 : i32
    %dma_start3A_51 = tpu.memref_slice %dma_start3A_48[%dma_start3A_49, %dma_start3A_50] : memref<10000x32xf32, #tpu.memory_space<hbm>> -> memref<10000x32xf32, #tpu.memory_space<hbm>>
    tpu.enqueue_indirect_dma source(%dma_start3A_51 : memref<10000x32xf32, #tpu.memory_space<hbm>>) target(%arg9 : memref<128x32xf32, #tpu.memory_space<vmem>>) offsets(%dma_start3A_44 : memref<128xi32, #tpu.memory_space<vmem>>) semaphore(%arg14 : memref<!tpu.dma_semaphore, #tpu.memory_space<semaphore_mem>>)
    %dma_start3A_52 = arith.constant 2 : i32
    %dma_start3A_53 = arith.constant 0 : i32
    %dma_start3A_54 = tpu.memref_slice %arg6[%dma_start3A_52, %dma_start3A_53] : memref<157x128xi32, #tpu.memory_space<vmem>> -> memref<1x128xi32, #tpu.memory_space<vmem>>
    %dma_start3A_55 = tpu.memref_squeeze %dma_start3A_54 : memref<1x128xi32, #tpu.memory_space<vmem>> -> memref<128xi32, #tpu.memory_space<vmem>>
    %dma_start3A_56 = arith.constant 0 : i32
    %dma_start3A_57 = arith.constant 0 : i32
    %dma_start3A_58 = tpu.memref_slice %arg2[%arg0, %dma_start3A_56, %dma_start3A_57] : memref<2x10000x32xf32, #tpu.memory_space<hbm>> -> memref<1x10000x32xf32, #tpu.memory_space<hbm>>
    %dma_start3A_59 = tpu.memref_squeeze %dma_start3A_58 : memref<1x10000x32xf32, #tpu.memory_space<hbm>> -> memref<10000x32xf32, #tpu.memory_space<hbm>>
    %dma_start3A_60 = arith.constant 0 : i32
    %dma_start3A_61 = arith.constant 0 : i32
    %dma_start3A_62 = tpu.memref_slice %dma_start3A_59[%dma_start3A_60, %dma_start3A_61] : memref<10000x32xf32, #tpu.memory_space<hbm>> -> memref<10000x32xf32, #tpu.memory_space<hbm>>
    tpu.enqueue_indirect_dma source(%dma_start3A_62 : memref<10000x32xf32, #tpu.memory_space<hbm>>) target(%arg10 : memref<128x32xf32, #tpu.memory_space<vmem>>) offsets(%dma_start3A_55 : memref<128xi32, #tpu.memory_space<vmem>>) semaphore(%arg15 : memref<!tpu.dma_semaphore, #tpu.memory_space<semaphore_mem>>)
    %dma_start3A_63 = arith.constant 3 : i32
    %dma_start3A_64 = arith.constant 0 : i32
    %dma_start3A_65 = tpu.memref_slice %arg6[%dma_start3A_63, %dma_start3A_64] : memref<157x128xi32, #tpu.memory_space<vmem>> -> memref<1x128xi32, #tpu.memory_space<vmem>>
    %dma_start3A_66 = tpu.memref_squeeze %dma_start3A_65 : memref<1x128xi32, #tpu.memory_space<vmem>> -> memref<128xi32, #tpu.memory_space<vmem>>
    %dma_start3A_67 = arith.constant 0 : i32
    %dma_start3A_68 = arith.constant 0 : i32
    %dma_start3A_69 = tpu.memref_slice %arg2[%arg0, %dma_start3A_67, %dma_start3A_68] : memref<2x10000x32xf32, #tpu.memory_space<hbm>> -> memref<1x10000x32xf32, #tpu.memory_space<hbm>>
    %dma_start3A_70 = tpu.memref_squeeze %dma_start3A_69 : memref<1x10000x32xf32, #tpu.memory_space<hbm>> -> memref<10000x32xf32, #tpu.memory_space<hbm>>
    %dma_start3A_71 = arith.constant 0 : i32
    %dma_start3A_72 = arith.constant 0 : i32
    %dma_start3A_73 = tpu.memref_slice %dma_start3A_70[%dma_start3A_71, %dma_start3A_72] : memref<10000x32xf32, #tpu.memory_space<hbm>> -> memref<10000x32xf32, #tpu.memory_space<hbm>>
    tpu.enqueue_indirect_dma source(%dma_start3A_73 : memref<10000x32xf32, #tpu.memory_space<hbm>>) target(%arg11 : memref<128x32xf32, #tpu.memory_space<vmem>>) offsets(%dma_start3A_66 : memref<128xi32, #tpu.memory_space<vmem>>) semaphore(%arg16 : memref<!tpu.dma_semaphore, #tpu.memory_space<semaphore_mem>>)
    %scan3A_74 = arith.constant 0 : i32
    %scan3A_75 = arith.constant 0 : i32
    %scan3A_76 = arith.constant 39 : i32
    %scan3A_77 = arith.addi %scan3A_75, %scan3A_76 : i32
    %scan3A_78 = arith.constant 1 : i32
    scf.for %scan3A_85 = %scan3A_75 to %scan3A_77 step %scan3A_78  : i32 {
      %mul3A_86 = arith.constant 4 : i32
      %mul3A_87 = arith.muli %scan3A_85, %mul3A_86 : i32
      %add3A_88 = arith.constant 0 : i32
      %add3A_89 = arith.addi %mul3A_87, %add3A_88 : i32
      %dma_wait3A = arith.constant 0 : i32
      %dma_wait3A_90 = tpu.memref_slice %arg6[%add3A_89, %dma_wait3A] : memref<157x128xi32, #tpu.memory_space<vmem>> -> memref<1x128xi32, #tpu.memory_space<vmem>>
      %dma_wait3A_91 = tpu.memref_squeeze %dma_wait3A_90 : memref<1x128xi32, #tpu.memory_space<vmem>> -> memref<128xi32, #tpu.memory_space<vmem>>
      %dma_wait3A_92 = arith.constant 0 : i32
      %dma_wait3A_93 = arith.constant 0 : i32
      %dma_wait3A_94 = tpu.memref_slice %arg2[%arg0, %dma_wait3A_92, %dma_wait3A_93] : memref<2x10000x32xf32, #tpu.memory_space<hbm>> -> memref<1x10000x32xf32, #tpu.memory_space<hbm>>
      %dma_wait3A_95 = tpu.memref_squeeze %dma_wait3A_94 : memref<1x10000x32xf32, #tpu.memory_space<hbm>> -> memref<10000x32xf32, #tpu.memory_space<hbm>>
      %dma_wait3A_96 = arith.constant 0 : i32
      %dma_wait3A_97 = arith.constant 0 : i32
      %dma_wait3A_98 = tpu.memref_slice %dma_wait3A_95[%dma_wait3A_96, %dma_wait3A_97] : memref<10000x32xf32, #tpu.memory_space<hbm>> -> memref<10000x32xf32, #tpu.memory_space<hbm>>
      tpu.wait_indirect_dma semaphore(%arg13 : memref<!tpu.dma_semaphore, #tpu.memory_space<semaphore_mem>>) src(%dma_wait3A_98 : memref<10000x32xf32, #tpu.memory_space<hbm>>) dst(%arg8 : memref<128x32xf32, #tpu.memory_space<vmem>>)
      "tpu.region"() ({
        %run_scoped3A = tpu.sem_alloc : memref<!tpu.dma_semaphore, #tpu.memory_space<semaphore_mem>>
        %dma_start3A_164 = arith.constant 0 : i32
        %dma_start3A_165 = tpu.memref_slice %arg7[%add3A_89, %dma_start3A_164] : memref<157x128xi32, #tpu.memory_space<vmem>> -> memref<1x128xi32, #tpu.memory_space<vmem>>
        %dma_start3A_166 = tpu.memref_squeeze %dma_start3A_165 : memref<1x128xi32, #tpu.memory_space<vmem>> -> memref<128xi32, #tpu.memory_space<vmem>>
        %dma_start3A_167 = arith.constant 0 : i32
        %dma_start3A_168 = arith.constant 0 : i32
        %dma_start3A_169 = tpu.memref_slice %arg17[%dma_start3A_167, %dma_start3A_168] : memref<10000x32xf32, #tpu.memory_space<vmem_shared>> -> memref<10000x32xf32, #tpu.memory_space<vmem_shared>>
        tpu.enqueue_indirect_dma source(%arg8 : memref<128x32xf32, #tpu.memory_space<vmem>>) target(%dma_start3A_169 : memref<10000x32xf32, #tpu.memory_space<vmem_shared>>) offsets(%dma_start3A_166 : memref<128xi32, #tpu.memory_space<vmem>>) semaphore(%run_scoped3A : memref<!tpu.dma_semaphore, #tpu.memory_space<semaphore_mem>>) {add = true}
        %dma_wait3A_170 = arith.constant 0 : i32
        %dma_wait3A_171 = tpu.memref_slice %arg7[%add3A_89, %dma_wait3A_170] : memref<157x128xi32, #tpu.memory_space<vmem>> -> memref<1x128xi32, #tpu.memory_space<vmem>>
        %dma_wait3A_172 = tpu.memref_squeeze %dma_wait3A_171 : memref<1x128xi32, #tpu.memory_space<vmem>> -> memref<128xi32, #tpu.memory_space<vmem>>
        %dma_wait3A_173 = arith.constant 0 : i32
        %dma_wait3A_174 = arith.constant 0 : i32
        %dma_wait3A_175 = tpu.memref_slice %arg17[%dma_wait3A_173, %dma_wait3A_174] : memref<10000x32xf32, #tpu.memory_space<vmem_shared>> -> memref<10000x32xf32, #tpu.memory_space<vmem_shared>>
        tpu.wait_indirect_dma semaphore(%run_scoped3A : memref<!tpu.dma_semaphore, #tpu.memory_space<semaphore_mem>>) src(%arg8 : memref<128x32xf32, #tpu.memory_space<vmem>>) dst(%dma_wait3A_175 : memref<10000x32xf32, #tpu.memory_space<vmem_shared>>)
        tpu.yield
      }) : () -> ()
      %add3A_99 = arith.constant 4 : i32
      %add3A_100 = arith.addi %add3A_89, %add3A_99 : i32
      %lt3A = arith.cmpi slt, %add3A_100, %select_n3A : i32
      %convert_element_type3A_101 = arith.extui %lt3A : i1 to i32
      %cond3A_102 = arith.constant 0 : i32
      %cond3A_103 = arith.cmpi ne, %convert_element_type3A_101, %cond3A_102 : i32
      scf.if %cond3A_103 {
        %add3A_164 = arith.constant 4 : i32
        %add3A_165 = arith.addi %add3A_89, %add3A_164 : i32
        %dma_start3A_166 = arith.constant 0 : i32
        %dma_start3A_167 = tpu.memref_slice %arg6[%add3A_165, %dma_start3A_166] : memref<157x128xi32, #tpu.memory_space<vmem>> -> memref<1x128xi32, #tpu.memory_space<vmem>>
        %dma_start3A_168 = tpu.memref_squeeze %dma_start3A_167 : memref<1x128xi32, #tpu.memory_space<vmem>> -> memref<128xi32, #tpu.memory_space<vmem>>
        %dma_start3A_169 = arith.constant 0 : i32
        %dma_start3A_170 = arith.constant 0 : i32
        %dma_start3A_171 = tpu.memref_slice %arg2[%arg0, %dma_start3A_169, %dma_start3A_170] : memref<2x10000x32xf32, #tpu.memory_space<hbm>> -> memref<1x10000x32xf32, #tpu.memory_space<hbm>>
        %dma_start3A_172 = tpu.memref_squeeze %dma_start3A_171 : memref<1x10000x32xf32, #tpu.memory_space<hbm>> -> memref<10000x32xf32, #tpu.memory_space<hbm>>
        %dma_start3A_173 = arith.constant 0 : i32
        %dma_start3A_174 = arith.constant 0 : i32
        %dma_start3A_175 = tpu.memref_slice %dma_start3A_172[%dma_start3A_173, %dma_start3A_174] : memref<10000x32xf32, #tpu.memory_space<hbm>> -> memref<10000x32xf32, #tpu.memory_space<hbm>>
        tpu.enqueue_indirect_dma source(%dma_start3A_175 : memref<10000x32xf32, #tpu.memory_space<hbm>>) target(%arg8 : memref<128x32xf32, #tpu.memory_space<vmem>>) offsets(%dma_start3A_168 : memref<128xi32, #tpu.memory_space<vmem>>) semaphore(%arg13 : memref<!tpu.dma_semaphore, #tpu.memory_space<semaphore_mem>>)
      } else {
      }
      %mul3A_104 = arith.constant 4 : i32
      %mul3A_105 = arith.muli %scan3A_85, %mul3A_104 : i32
      %add3A_106 = arith.constant 1 : i32
      %add3A_107 = arith.addi %mul3A_105, %add3A_106 : i32
      %dma_wait3A_108 = arith.constant 0 : i32
      %dma_wait3A_109 = tpu.memref_slice %arg6[%add3A_107, %dma_wait3A_108] : memref<157x128xi32, #tpu.memory_space<vmem>> -> memref<1x128xi32, #tpu.memory_space<vmem>>
      %dma_wait3A_110 = tpu.memref_squeeze %dma_wait3A_109 : memref<1x128xi32, #tpu.memory_space<vmem>> -> memref<128xi32, #tpu.memory_space<vmem>>
      %dma_wait3A_111 = arith.constant 0 : i32
      %dma_wait3A_112 = arith.constant 0 : i32
      %dma_wait3A_113 = tpu.memref_slice %arg2[%arg0, %dma_wait3A_111, %dma_wait3A_112] : memref<2x10000x32xf32, #tpu.memory_space<hbm>> -> memref<1x10000x32xf32, #tpu.memory_space<hbm>>
      %dma_wait3A_114 = tpu.memref_squeeze %dma_wait3A_113 : memref<1x10000x32xf32, #tpu.memory_space<hbm>> -> memref<10000x32xf32, #tpu.memory_space<hbm>>
      %dma_wait3A_115 = arith.constant 0 : i32
      %dma_wait3A_116 = arith.constant 0 : i32
      %dma_wait3A_117 = tpu.memref_slice %dma_wait3A_114[%dma_wait3A_115, %dma_wait3A_116] : memref<10000x32xf32, #tpu.memory_space<hbm>> -> memref<10000x32xf32, #tpu.memory_space<hbm>>
      tpu.wait_indirect_dma semaphore(%arg14 : memref<!tpu.dma_semaphore, #tpu.memory_space<semaphore_mem>>) src(%dma_wait3A_117 : memref<10000x32xf32, #tpu.memory_space<hbm>>) dst(%arg9 : memref<128x32xf32, #tpu.memory_space<vmem>>)
      "tpu.region"() ({
        %run_scoped3A = tpu.sem_alloc : memref<!tpu.dma_semaphore, #tpu.memory_space<semaphore_mem>>
        %dma_start3A_164 = arith.constant 0 : i32
        %dma_start3A_165 = tpu.memref_slice %arg7[%add3A_107, %dma_start3A_164] : memref<157x128xi32, #tpu.memory_space<vmem>> -> memref<1x128xi32, #tpu.memory_space<vmem>>
        %dma_start3A_166 = tpu.memref_squeeze %dma_start3A_165 : memref<1x128xi32, #tpu.memory_space<vmem>> -> memref<128xi32, #tpu.memory_space<vmem>>
        %dma_start3A_167 = arith.constant 0 : i32
        %dma_start3A_168 = arith.constant 0 : i32
        %dma_start3A_169 = tpu.memref_slice %arg17[%dma_start3A_167, %dma_start3A_168] : memref<10000x32xf32, #tpu.memory_space<vmem_shared>> -> memref<10000x32xf32, #tpu.memory_space<vmem_shared>>
        tpu.enqueue_indirect_dma source(%arg9 : memref<128x32xf32, #tpu.memory_space<vmem>>) target(%dma_start3A_169 : memref<10000x32xf32, #tpu.memory_space<vmem_shared>>) offsets(%dma_start3A_166 : memref<128xi32, #tpu.memory_space<vmem>>) semaphore(%run_scoped3A : memref<!tpu.dma_semaphore, #tpu.memory_space<semaphore_mem>>) {add = true}
        %dma_wait3A_170 = arith.constant 0 : i32
        %dma_wait3A_171 = tpu.memref_slice %arg7[%add3A_107, %dma_wait3A_170] : memref<157x128xi32, #tpu.memory_space<vmem>> -> memref<1x128xi32, #tpu.memory_space<vmem>>
        %dma_wait3A_172 = tpu.memref_squeeze %dma_wait3A_171 : memref<1x128xi32, #tpu.memory_space<vmem>> -> memref<128xi32, #tpu.memory_space<vmem>>
        %dma_wait3A_173 = arith.constant 0 : i32
        %dma_wait3A_174 = arith.constant 0 : i32
        %dma_wait3A_175 = tpu.memref_slice %arg17[%dma_wait3A_173, %dma_wait3A_174] : memref<10000x32xf32, #tpu.memory_space<vmem_shared>> -> memref<10000x32xf32, #tpu.memory_space<vmem_shared>>
        tpu.wait_indirect_dma semaphore(%run_scoped3A : memref<!tpu.dma_semaphore, #tpu.memory_space<semaphore_mem>>) src(%arg9 : memref<128x32xf32, #tpu.memory_space<vmem>>) dst(%dma_wait3A_175 : memref<10000x32xf32, #tpu.memory_space<vmem_shared>>)
        tpu.yield
      }) : () -> ()
      %add3A_118 = arith.constant 4 : i32
      %add3A_119 = arith.addi %add3A_107, %add3A_118 : i32
      %lt3A_120 = arith.cmpi slt, %add3A_119, %select_n3A : i32
      %convert_element_type3A_121 = arith.extui %lt3A_120 : i1 to i32
      %cond3A_122 = arith.constant 0 : i32
      %cond3A_123 = arith.cmpi ne, %convert_element_type3A_121, %cond3A_122 : i32
      scf.if %cond3A_123 {
        %add3A_164 = arith.constant 4 : i32
        %add3A_165 = arith.addi %add3A_107, %add3A_164 : i32
        %dma_start3A_166 = arith.constant 0 : i32
        %dma_start3A_167 = tpu.memref_slice %arg6[%add3A_165, %dma_start3A_166] : memref<157x128xi32, #tpu.memory_space<vmem>> -> memref<1x128xi32, #tpu.memory_space<vmem>>
        %dma_start3A_168 = tpu.memref_squeeze %dma_start3A_167 : memref<1x128xi32, #tpu.memory_space<vmem>> -> memref<128xi32, #tpu.memory_space<vmem>>
        %dma_start3A_169 = arith.constant 0 : i32
        %dma_start3A_170 = arith.constant 0 : i32
        %dma_start3A_171 = tpu.memref_slice %arg2[%arg0, %dma_start3A_169, %dma_start3A_170] : memref<2x10000x32xf32, #tpu.memory_space<hbm>> -> memref<1x10000x32xf32, #tpu.memory_space<hbm>>
        %dma_start3A_172 = tpu.memref_squeeze %dma_start3A_171 : memref<1x10000x32xf32, #tpu.memory_space<hbm>> -> memref<10000x32xf32, #tpu.memory_space<hbm>>
        %dma_start3A_173 = arith.constant 0 : i32
        %dma_start3A_174 = arith.constant 0 : i32
        %dma_start3A_175 = tpu.memref_slice %dma_start3A_172[%dma_start3A_173, %dma_start3A_174] : memref<10000x32xf32, #tpu.memory_space<hbm>> -> memref<10000x32xf32, #tpu.memory_space<hbm>>
        tpu.enqueue_indirect_dma source(%dma_start3A_175 : memref<10000x32xf32, #tpu.memory_space<hbm>>) target(%arg9 : memref<128x32xf32, #tpu.memory_space<vmem>>) offsets(%dma_start3A_168 : memref<128xi32, #tpu.memory_space<vmem>>) semaphore(%arg14 : memref<!tpu.dma_semaphore, #tpu.memory_space<semaphore_mem>>)
      } else {
      }
      %mul3A_124 = arith.constant 4 : i32
      %mul3A_125 = arith.muli %scan3A_85, %mul3A_124 : i32
      %add3A_126 = arith.constant 2 : i32
      %add3A_127 = arith.addi %mul3A_125, %add3A_126 : i32
      %dma_wait3A_128 = arith.constant 0 : i32
      %dma_wait3A_129 = tpu.memref_slice %arg6[%add3A_127, %dma_wait3A_128] : memref<157x128xi32, #tpu.memory_space<vmem>> -> memref<1x128xi32, #tpu.memory_space<vmem>>
      %dma_wait3A_130 = tpu.memref_squeeze %dma_wait3A_129 : memref<1x128xi32, #tpu.memory_space<vmem>> -> memref<128xi32, #tpu.memory_space<vmem>>
      %dma_wait3A_131 = arith.constant 0 : i32
      %dma_wait3A_132 = arith.constant 0 : i32
      %dma_wait3A_133 = tpu.memref_slice %arg2[%arg0, %dma_wait3A_131, %dma_wait3A_132] : memref<2x10000x32xf32, #tpu.memory_space<hbm>> -> memref<1x10000x32xf32, #tpu.memory_space<hbm>>
      %dma_wait3A_134 = tpu.memref_squeeze %dma_wait3A_133 : memref<1x10000x32xf32, #tpu.memory_space<hbm>> -> memref<10000x32xf32, #tpu.memory_space<hbm>>
      %dma_wait3A_135 = arith.constant 0 : i32
      %dma_wait3A_136 = arith.constant 0 : i32
      %dma_wait3A_137 = tpu.memref_slice %dma_wait3A_134[%dma_wait3A_135, %dma_wait3A_136] : memref<10000x32xf32, #tpu.memory_space<hbm>> -> memref<10000x32xf32, #tpu.memory_space<hbm>>
      tpu.wait_indirect_dma semaphore(%arg15 : memref<!tpu.dma_semaphore, #tpu.memory_space<semaphore_mem>>) src(%dma_wait3A_137 : memref<10000x32xf32, #tpu.memory_space<hbm>>) dst(%arg10 : memref<128x32xf32, #tpu.memory_space<vmem>>)
      "tpu.region"() ({
        %run_scoped3A = tpu.sem_alloc : memref<!tpu.dma_semaphore, #tpu.memory_space<semaphore_mem>>
        %dma_start3A_164 = arith.constant 0 : i32
        %dma_start3A_165 = tpu.memref_slice %arg7[%add3A_127, %dma_start3A_164] : memref<157x128xi32, #tpu.memory_space<vmem>> -> memref<1x128xi32, #tpu.memory_space<vmem>>
        %dma_start3A_166 = tpu.memref_squeeze %dma_start3A_165 : memref<1x128xi32, #tpu.memory_space<vmem>> -> memref<128xi32, #tpu.memory_space<vmem>>
        %dma_start3A_167 = arith.constant 0 : i32
        %dma_start3A_168 = arith.constant 0 : i32
        %dma_start3A_169 = tpu.memref_slice %arg17[%dma_start3A_167, %dma_start3A_168] : memref<10000x32xf32, #tpu.memory_space<vmem_shared>> -> memref<10000x32xf32, #tpu.memory_space<vmem_shared>>
        tpu.enqueue_indirect_dma source(%arg10 : memref<128x32xf32, #tpu.memory_space<vmem>>) target(%dma_start3A_169 : memref<10000x32xf32, #tpu.memory_space<vmem_shared>>) offsets(%dma_start3A_166 : memref<128xi32, #tpu.memory_space<vmem>>) semaphore(%run_scoped3A : memref<!tpu.dma_semaphore, #tpu.memory_space<semaphore_mem>>) {add = true}
        %dma_wait3A_170 = arith.constant 0 : i32
        %dma_wait3A_171 = tpu.memref_slice %arg7[%add3A_127, %dma_wait3A_170] : memref<157x128xi32, #tpu.memory_space<vmem>> -> memref<1x128xi32, #tpu.memory_space<vmem>>
        %dma_wait3A_172 = tpu.memref_squeeze %dma_wait3A_171 : memref<1x128xi32, #tpu.memory_space<vmem>> -> memref<128xi32, #tpu.memory_space<vmem>>
        %dma_wait3A_173 = arith.constant 0 : i32
        %dma_wait3A_174 = arith.constant 0 : i32
        %dma_wait3A_175 = tpu.memref_slice %arg17[%dma_wait3A_173, %dma_wait3A_174] : memref<10000x32xf32, #tpu.memory_space<vmem_shared>> -> memref<10000x32xf32, #tpu.memory_space<vmem_shared>>
        tpu.wait_indirect_dma semaphore(%run_scoped3A : memref<!tpu.dma_semaphore, #tpu.memory_space<semaphore_mem>>) src(%arg10 : memref<128x32xf32, #tpu.memory_space<vmem>>) dst(%dma_wait3A_175 : memref<10000x32xf32, #tpu.memory_space<vmem_shared>>)
        tpu.yield
      }) : () -> ()
      %add3A_138 = arith.constant 4 : i32
      %add3A_139 = arith.addi %add3A_127, %add3A_138 : i32
      %lt3A_140 = arith.cmpi slt, %add3A_139, %select_n3A : i32
      %convert_element_type3A_141 = arith.extui %lt3A_140 : i1 to i32
      %cond3A_142 = arith.constant 0 : i32
      %cond3A_143 = arith.cmpi ne, %convert_element_type3A_141, %cond3A_142 : i32
      scf.if %cond3A_143 {
        %add3A_164 = arith.constant 4 : i32
        %add3A_165 = arith.addi %add3A_127, %add3A_164 : i32
        %dma_start3A_166 = arith.constant 0 : i32
        %dma_start3A_167 = tpu.memref_slice %arg6[%add3A_165, %dma_start3A_166] : memref<157x128xi32, #tpu.memory_space<vmem>> -> memref<1x128xi32, #tpu.memory_space<vmem>>
        %dma_start3A_168 = tpu.memref_squeeze %dma_start3A_167 : memref<1x128xi32, #tpu.memory_space<vmem>> -> memref<128xi32, #tpu.memory_space<vmem>>
        %dma_start3A_169 = arith.constant 0 : i32
        %dma_start3A_170 = arith.constant 0 : i32
        %dma_start3A_171 = tpu.memref_slice %arg2[%arg0, %dma_start3A_169, %dma_start3A_170] : memref<2x10000x32xf32, #tpu.memory_space<hbm>> -> memref<1x10000x32xf32, #tpu.memory_space<hbm>>
        %dma_start3A_172 = tpu.memref_squeeze %dma_start3A_171 : memref<1x10000x32xf32, #tpu.memory_space<hbm>> -> memref<10000x32xf32, #tpu.memory_space<hbm>>
        %dma_start3A_173 = arith.constant 0 : i32
        %dma_start3A_174 = arith.constant 0 : i32
        %dma_start3A_175 = tpu.memref_slice %dma_start3A_172[%dma_start3A_173, %dma_start3A_174] : memref<10000x32xf32, #tpu.memory_space<hbm>> -> memref<10000x32xf32, #tpu.memory_space<hbm>>
        tpu.enqueue_indirect_dma source(%dma_start3A_175 : memref<10000x32xf32, #tpu.memory_space<hbm>>) target(%arg10 : memref<128x32xf32, #tpu.memory_space<vmem>>) offsets(%dma_start3A_168 : memref<128xi32, #tpu.memory_space<vmem>>) semaphore(%arg15 : memref<!tpu.dma_semaphore, #tpu.memory_space<semaphore_mem>>)
      } else {
      }
      %mul3A_144 = arith.constant 4 : i32
      %mul3A_145 = arith.muli %scan3A_85, %mul3A_144 : i32
      %add3A_146 = arith.constant 3 : i32
      %add3A_147 = arith.addi %mul3A_145, %add3A_146 : i32
      %dma_wait3A_148 = arith.constant 0 : i32
      %dma_wait3A_149 = tpu.memref_slice %arg6[%add3A_147, %dma_wait3A_148] : memref<157x128xi32, #tpu.memory_space<vmem>> -> memref<1x128xi32, #tpu.memory_space<vmem>>
      %dma_wait3A_150 = tpu.memref_squeeze %dma_wait3A_149 : memref<1x128xi32, #tpu.memory_space<vmem>> -> memref<128xi32, #tpu.memory_space<vmem>>
      %dma_wait3A_151 = arith.constant 0 : i32
      %dma_wait3A_152 = arith.constant 0 : i32
      %dma_wait3A_153 = tpu.memref_slice %arg2[%arg0, %dma_wait3A_151, %dma_wait3A_152] : memref<2x10000x32xf32, #tpu.memory_space<hbm>> -> memref<1x10000x32xf32, #tpu.memory_space<hbm>>
      %dma_wait3A_154 = tpu.memref_squeeze %dma_wait3A_153 : memref<1x10000x32xf32, #tpu.memory_space<hbm>> -> memref<10000x32xf32, #tpu.memory_space<hbm>>
      %dma_wait3A_155 = arith.constant 0 : i32
      %dma_wait3A_156 = arith.constant 0 : i32
      %dma_wait3A_157 = tpu.memref_slice %dma_wait3A_154[%dma_wait3A_155, %dma_wait3A_156] : memref<10000x32xf32, #tpu.memory_space<hbm>> -> memref<10000x32xf32, #tpu.memory_space<hbm>>
      tpu.wait_indirect_dma semaphore(%arg16 : memref<!tpu.dma_semaphore, #tpu.memory_space<semaphore_mem>>) src(%dma_wait3A_157 : memref<10000x32xf32, #tpu.memory_space<hbm>>) dst(%arg11 : memref<128x32xf32, #tpu.memory_space<vmem>>)
      "tpu.region"() ({
        %run_scoped3A = tpu.sem_alloc : memref<!tpu.dma_semaphore, #tpu.memory_space<semaphore_mem>>
        %dma_start3A_164 = arith.constant 0 : i32
        %dma_start3A_165 = tpu.memref_slice %arg7[%add3A_147, %dma_start3A_164] : memref<157x128xi32, #tpu.memory_space<vmem>> -> memref<1x128xi32, #tpu.memory_space<vmem>>
        %dma_start3A_166 = tpu.memref_squeeze %dma_start3A_165 : memref<1x128xi32, #tpu.memory_space<vmem>> -> memref<128xi32, #tpu.memory_space<vmem>>
        %dma_start3A_167 = arith.constant 0 : i32
        %dma_start3A_168 = arith.constant 0 : i32
        %dma_start3A_169 = tpu.memref_slice %arg17[%dma_start3A_167, %dma_start3A_168] : memref<10000x32xf32, #tpu.memory_space<vmem_shared>> -> memref<10000x32xf32, #tpu.memory_space<vmem_shared>>
        tpu.enqueue_indirect_dma source(%arg11 : memref<128x32xf32, #tpu.memory_space<vmem>>) target(%dma_start3A_169 : memref<10000x32xf32, #tpu.memory_space<vmem_shared>>) offsets(%dma_start3A_166 : memref<128xi32, #tpu.memory_space<vmem>>) semaphore(%run_scoped3A : memref<!tpu.dma_semaphore, #tpu.memory_space<semaphore_mem>>) {add = true}
        %dma_wait3A_170 = arith.constant 0 : i32
        %dma_wait3A_171 = tpu.memref_slice %arg7[%add3A_147, %dma_wait3A_170] : memref<157x128xi32, #tpu.memory_space<vmem>> -> memref<1x128xi32, #tpu.memory_space<vmem>>
        %dma_wait3A_172 = tpu.memref_squeeze %dma_wait3A_171 : memref<1x128xi32, #tpu.memory_space<vmem>> -> memref<128xi32, #tpu.memory_space<vmem>>
        %dma_wait3A_173 = arith.constant 0 : i32
        %dma_wait3A_174 = arith.constant 0 : i32
        %dma_wait3A_175 = tpu.memref_slice %arg17[%dma_wait3A_173, %dma_wait3A_174] : memref<10000x32xf32, #tpu.memory_space<vmem_shared>> -> memref<10000x32xf32, #tpu.memory_space<vmem_shared>>
        tpu.wait_indirect_dma semaphore(%run_scoped3A : memref<!tpu.dma_semaphore, #tpu.memory_space<semaphore_mem>>) src(%arg11 : memref<128x32xf32, #tpu.memory_space<vmem>>) dst(%dma_wait3A_175 : memref<10000x32xf32, #tpu.memory_space<vmem_shared>>)
        tpu.yield
      }) : () -> ()
      %add3A_158 = arith.constant 4 : i32
      %add3A_159 = arith.addi %add3A_147, %add3A_158 : i32
      %lt3A_160 = arith.cmpi slt, %add3A_159, %select_n3A : i32
      %convert_element_type3A_161 = arith.extui %lt3A_160 : i1 to i32
      %cond3A_162 = arith.constant 0 : i32
      %cond3A_163 = arith.cmpi ne, %convert_element_type3A_161, %cond3A_162 : i32
      scf.if %cond3A_163 {
        %add3A_164 = arith.constant 4 : i32
        %add3A_165 = arith.addi %add3A_147, %add3A_164 : i32
        %dma_start3A_166 = arith.constant 0 : i32
        %dma_start3A_167 = tpu.memref_slice %arg6[%add3A_165, %dma_start3A_166] : memref<157x128xi32, #tpu.memory_space<vmem>> -> memref<1x128xi32, #tpu.memory_space<vmem>>
        %dma_start3A_168 = tpu.memref_squeeze %dma_start3A_167 : memref<1x128xi32, #tpu.memory_space<vmem>> -> memref<128xi32, #tpu.memory_space<vmem>>
        %dma_start3A_169 = arith.constant 0 : i32
        %dma_start3A_170 = arith.constant 0 : i32
        %dma_start3A_171 = tpu.memref_slice %arg2[%arg0, %dma_start3A_169, %dma_start3A_170] : memref<2x10000x32xf32, #tpu.memory_space<hbm>> -> memref<1x10000x32xf32, #tpu.memory_space<hbm>>
        %dma_start3A_172 = tpu.memref_squeeze %dma_start3A_171 : memref<1x10000x32xf32, #tpu.memory_space<hbm>> -> memref<10000x32xf32, #tpu.memory_space<hbm>>
        %dma_start3A_173 = arith.constant 0 : i32
        %dma_start3A_174 = arith.constant 0 : i32
        %dma_start3A_175 = tpu.memref_slice %dma_start3A_172[%dma_start3A_173, %dma_start3A_174] : memref<10000x32xf32, #tpu.memory_space<hbm>> -> memref<10000x32xf32, #tpu.memory_space<hbm>>
        tpu.enqueue_indirect_dma source(%dma_start3A_175 : memref<10000x32xf32, #tpu.memory_space<hbm>>) target(%arg11 : memref<128x32xf32, #tpu.memory_space<vmem>>) offsets(%dma_start3A_168 : memref<128xi32, #tpu.memory_space<vmem>>) semaphore(%arg16 : memref<!tpu.dma_semaphore, #tpu.memory_space<semaphore_mem>>)
      } else {
      }
    }
    %scan3A_79 = arith.constant 39 : i32
    %gt3A = arith.constant 156 : i32
    %gt3A_80 = arith.cmpi sgt, %select_n3A, %gt3A : i32
    %convert_element_type3A = arith.extui %gt3A_80 : i1 to i32
    %cond3A = arith.constant 0 : i32
    %cond3A_81 = arith.cmpi ne, %convert_element_type3A, %cond3A : i32
    scf.if %cond3A_81 {
      %dma_wait3A = arith.constant 156 : i32
      %dma_wait3A_85 = arith.constant 0 : i32
      %dma_wait3A_86 = tpu.memref_slice %arg6[%dma_wait3A, %dma_wait3A_85] : memref<157x128xi32, #tpu.memory_space<vmem>> -> memref<1x128xi32, #tpu.memory_space<vmem>>
      %dma_wait3A_87 = tpu.memref_squeeze %dma_wait3A_86 : memref<1x128xi32, #tpu.memory_space<vmem>> -> memref<128xi32, #tpu.memory_space<vmem>>
      %dma_wait3A_88 = arith.constant 0 : i32
      %dma_wait3A_89 = arith.constant 0 : i32
      %dma_wait3A_90 = tpu.memref_slice %arg2[%arg0, %dma_wait3A_88, %dma_wait3A_89] : memref<2x10000x32xf32, #tpu.memory_space<hbm>> -> memref<1x10000x32xf32, #tpu.memory_space<hbm>>
      %dma_wait3A_91 = tpu.memref_squeeze %dma_wait3A_90 : memref<1x10000x32xf32, #tpu.memory_space<hbm>> -> memref<10000x32xf32, #tpu.memory_space<hbm>>
      %dma_wait3A_92 = arith.constant 0 : i32
      %dma_wait3A_93 = arith.constant 0 : i32
      %dma_wait3A_94 = tpu.memref_slice %dma_wait3A_91[%dma_wait3A_92, %dma_wait3A_93] : memref<10000x32xf32, #tpu.memory_space<hbm>> -> memref<10000x32xf32, #tpu.memory_space<hbm>>
      tpu.wait_indirect_dma semaphore(%arg13 : memref<!tpu.dma_semaphore, #tpu.memory_space<semaphore_mem>>) src(%dma_wait3A_94 : memref<10000x32xf32, #tpu.memory_space<hbm>>) dst(%arg8 : memref<128x32xf32, #tpu.memory_space<vmem>>)
      %run_scoped3A = arith.constant 156 : i32
      "tpu.region"() ({
        %run_scoped3A_95 = tpu.sem_alloc : memref<!tpu.dma_semaphore, #tpu.memory_space<semaphore_mem>>
        %dma_start3A_96 = arith.constant 0 : i32
        %dma_start3A_97 = tpu.memref_slice %arg7[%run_scoped3A, %dma_start3A_96] : memref<157x128xi32, #tpu.memory_space<vmem>> -> memref<1x128xi32, #tpu.memory_space<vmem>>
        %dma_start3A_98 = tpu.memref_squeeze %dma_start3A_97 : memref<1x128xi32, #tpu.memory_space<vmem>> -> memref<128xi32, #tpu.memory_space<vmem>>
        %dma_start3A_99 = arith.constant 0 : i32
        %dma_start3A_100 = arith.constant 0 : i32
        %dma_start3A_101 = tpu.memref_slice %arg17[%dma_start3A_99, %dma_start3A_100] : memref<10000x32xf32, #tpu.memory_space<vmem_shared>> -> memref<10000x32xf32, #tpu.memory_space<vmem_shared>>
        tpu.enqueue_indirect_dma source(%arg8 : memref<128x32xf32, #tpu.memory_space<vmem>>) target(%dma_start3A_101 : memref<10000x32xf32, #tpu.memory_space<vmem_shared>>) offsets(%dma_start3A_98 : memref<128xi32, #tpu.memory_space<vmem>>) semaphore(%run_scoped3A_95 : memref<!tpu.dma_semaphore, #tpu.memory_space<semaphore_mem>>) {add = true}
        %dma_wait3A_102 = arith.constant 0 : i32
        %dma_wait3A_103 = tpu.memref_slice %arg7[%run_scoped3A, %dma_wait3A_102] : memref<157x128xi32, #tpu.memory_space<vmem>> -> memref<1x128xi32, #tpu.memory_space<vmem>>
        %dma_wait3A_104 = tpu.memref_squeeze %dma_wait3A_103 : memref<1x128xi32, #tpu.memory_space<vmem>> -> memref<128xi32, #tpu.memory_space<vmem>>
        %dma_wait3A_105 = arith.constant 0 : i32
        %dma_wait3A_106 = arith.constant 0 : i32
        %dma_wait3A_107 = tpu.memref_slice %arg17[%dma_wait3A_105, %dma_wait3A_106] : memref<10000x32xf32, #tpu.memory_space<vmem_shared>> -> memref<10000x32xf32, #tpu.memory_space<vmem_shared>>
        tpu.wait_indirect_dma semaphore(%run_scoped3A_95 : memref<!tpu.dma_semaphore, #tpu.memory_space<semaphore_mem>>) src(%arg8 : memref<128x32xf32, #tpu.memory_space<vmem>>) dst(%dma_wait3A_107 : memref<10000x32xf32, #tpu.memory_space<vmem_shared>>)
        tpu.yield
      }) : () -> ()
    } else {
    }
    %barrier3A_82 = arith.constant 0 : index
    tpu.barrier barrier_id(%barrier3A_82)
    %mul3A_83 = arith.constant 625 : i32
    %mul3A_84 = arith.muli %arg1, %mul3A_83 : i32
    "tpu.region"() ({
      %run_scoped3A = tpu.sem_alloc : memref<!tpu.dma_semaphore, #tpu.memory_space<semaphore_mem>>
      %dma_start3A_85 = arith.constant 0 : i32
      %dma_start3A_86 = arith.constant 0 : i32
      %dma_start3A_87 = tpu.memref_slice %arg5[%arg0, %arg1, %dma_start3A_85, %dma_start3A_86] : memref<2x16x625x32xf32, #tpu.memory_space<hbm>> -> memref<1x1x625x32xf32, #tpu.memory_space<hbm>>
      %dma_start3A_88 = tpu.memref_squeeze %dma_start3A_87 : memref<1x1x625x32xf32, #tpu.memory_space<hbm>> -> memref<625x32xf32, #tpu.memory_space<hbm>>
      %dma_start3A_89 = arith.constant 0 : i32
      %dma_start3A_90 = tpu.memref_slice %arg17[%mul3A_84, %dma_start3A_89] : memref<10000x32xf32, #tpu.memory_space<vmem_shared>> -> memref<625x32xf32, #tpu.memory_space<vmem_shared>>
      tpu.enqueue_dma source(%dma_start3A_90 : memref<625x32xf32, #tpu.memory_space<vmem_shared>>) target(%dma_start3A_88 : memref<625x32xf32, #tpu.memory_space<hbm>>) target_semaphore(%run_scoped3A : memref<!tpu.dma_semaphore, #tpu.memory_space<semaphore_mem>>)
      %dma_wait3A = arith.constant 0 : i32
      %dma_wait3A_91 = arith.constant 0 : i32
      %dma_wait3A_92 = tpu.memref_slice %arg5[%arg0, %arg1, %dma_wait3A, %dma_wait3A_91] : memref<2x16x625x32xf32, #tpu.memory_space<hbm>> -> memref<1x1x625x32xf32, #tpu.memory_space<hbm>>
      %dma_wait3A_93 = tpu.memref_squeeze %dma_wait3A_92 : memref<1x1x625x32xf32, #tpu.memory_space<hbm>> -> memref<625x32xf32, #tpu.memory_space<hbm>>
      %dma_wait3A_94 = arith.constant 0 : i32
      %dma_wait3A_95 = tpu.memref_slice %arg17[%mul3A_84, %dma_wait3A_94] : memref<10000x32xf32, #tpu.memory_space<vmem_shared>> -> memref<625x32xf32, #tpu.memory_space<vmem_shared>>
      tpu.wait_dma2 semaphore(%run_scoped3A : memref<!tpu.dma_semaphore, #tpu.memory_space<semaphore_mem>>) src(%dma_wait3A_95 : memref<625x32xf32, #tpu.memory_space<vmem_shared>>) dst(%dma_wait3A_93 : memref<625x32xf32, #tpu.memory_space<hbm>>)
      tpu.yield
    }) : () -> ()
    return
  }
}

module attributes {stable_mosaic.version = 14 : i64} {
  func.func @_tc_layer1(%arg0: memref<10000x128xf32, #tpu.memory_space<vmem>>, %arg1: memref<128x128xf32, #tpu.memory_space<vmem>>, %arg2: memref<10000x1xf32, #tpu.memory_space<vmem>>, %arg3: memref<2x10000x64xf32, #tpu.memory_space<vmem>>) attributes {dimension_semantics = [], scalar_prefetch = 0 : i64, scratch_operands = 0 : i64, tpu.core_type = #tpu.core_type<tc>} {
    %get3A = arith.constant 0 : index
    %get3A_0 = arith.constant 0 : index
    %get3A_1 = vector.load %arg2[%get3A, %get3A_0] : memref<10000x1xf32, #tpu.memory_space<vmem>>, vector<10000x1xf32>
    %add3A = arith.constant 1.000000e+00 : f32
    %add3A_2 = vector.broadcast %add3A : f32 to vector<10000x1xf32>
    %add3A_3 = arith.addf %get3A_1, %add3A_2 : vector<10000x1xf32>
    %rsqrt3A = math.rsqrt %add3A_3 : vector<10000x1xf32>
    %get3A_4 = arith.constant 0 : index
    %get3A_5 = arith.constant 0 : index
    %get3A_6 = vector.load %arg0[%get3A_4, %get3A_5] : memref<10000x128xf32, #tpu.memory_space<vmem>>, vector<10000x128xf32>
    %get3A_7 = arith.constant 0 : index
    %get3A_8 = arith.constant 0 : index
    %get3A_9 = vector.load %arg1[%get3A_7, %get3A_8] : memref<128x128xf32, #tpu.memory_space<vmem>>, vector<128x128xf32>
    %dot_general3A = arith.constant dense<0.000000e+00> : vector<10000x128xf32>
    %dot_general3A_10 = tpu.matmul %get3A_6, %get3A_9, %dot_general3A {dimension_numbers = #tpu.dot_dimension_numbers<[1], [0], [0], [1], [0, 0, 1, 1], [], []>, transpose_lhs_hint = false} : vector<10000x128xf32>, vector<128x128xf32>, vector<10000x128xf32> -> vector<10000x128xf32>
    %mul3A = vector.broadcast %rsqrt3A : vector<10000x1xf32> to vector<10000x128xf32>
    %mul3A_11 = arith.mulf %dot_general3A_10, %mul3A : vector<10000x128xf32>
    %slice3A = vector.extract_strided_slice %mul3A_11 {offsets = [0, 0], sizes = [10000, 64], strides = [1, 1]} : vector<10000x128xf32> to vector<10000x64xf32>
    %swap3A = arith.constant 0 : index
    %swap3A_12 = arith.constant 0 : index
    %swap3A_13 = arith.constant 0 : index
    %swap3A_14 = vector.load %arg3[%swap3A, %swap3A_12, %swap3A_13] : memref<2x10000x64xf32, #tpu.memory_space<vmem>>, vector<1x10000x64xf32>
    %swap3A_15 = vector.shape_cast %swap3A_14 : vector<1x10000x64xf32> to vector<10000x64xf32>
    %swap3A_16 = vector.shape_cast %slice3A : vector<10000x64xf32> to vector<1x10000x64xf32>
    tpu.vector_store %arg3[%swap3A, %swap3A_12, %swap3A_13], %swap3A_16 {strides = array<i32>} : memref<2x10000x64xf32, #tpu.memory_space<vmem>>, vector<1x10000x64xf32>,
    %slice3A_17 = vector.extract_strided_slice %mul3A_11 {offsets = [0, 64], sizes = [10000, 64], strides = [1, 1]} : vector<10000x128xf32> to vector<10000x64xf32>
    %swap3A_18 = arith.constant 1 : index
    %swap3A_19 = arith.constant 0 : index
    %swap3A_20 = arith.constant 0 : index
    %swap3A_21 = vector.load %arg3[%swap3A_18, %swap3A_19, %swap3A_20] : memref<2x10000x64xf32, #tpu.memory_space<vmem>>, vector<1x10000x64xf32>
    %swap3A_22 = vector.shape_cast %swap3A_21 : vector<1x10000x64xf32> to vector<10000x64xf32>
    %swap3A_23 = vector.shape_cast %slice3A_17 : vector<10000x64xf32> to vector<1x10000x64xf32>
    tpu.vector_store %arg3[%swap3A_18, %swap3A_19, %swap3A_20], %swap3A_23 {strides = array<i32>} : memref<2x10000x64xf32, #tpu.memory_space<vmem>>, vector<1x10000x64xf32>,
    return
  }
}

module attributes {stable_mosaic.version = 14 : i64} {
  func.func @_tc_layer2(%arg0: memref<2x10000x64xf32, #tpu.memory_space<vmem>>, %arg1: memref<2x10000x64xf32, #tpu.memory_space<vmem>>, %arg2: memref<10000x1xf32, #tpu.memory_space<vmem>>, %arg3: memref<128x64xf32, #tpu.memory_space<vmem>>, %arg4: memref<2x10000x32xf32, #tpu.memory_space<vmem>>) attributes {dimension_semantics = [], scalar_prefetch = 0 : i64, scratch_operands = 0 : i64, tpu.core_type = #tpu.core_type<tc>} {
    %get3A = arith.constant 0 : index
    %get3A_0 = arith.constant 0 : index
    %get3A_1 = vector.load %arg2[%get3A, %get3A_0] : memref<10000x1xf32, #tpu.memory_space<vmem>>, vector<10000x1xf32>
    %add3A = arith.constant 1.000000e+00 : f32
    %add3A_2 = vector.broadcast %add3A : f32 to vector<10000x1xf32>
    %add3A_3 = arith.addf %get3A_1, %add3A_2 : vector<10000x1xf32>
    %rsqrt3A = math.rsqrt %add3A_3 : vector<10000x1xf32>
    %get3A_4 = arith.constant 0 : index
    %get3A_5 = arith.constant 0 : index
    %get3A_6 = arith.constant 0 : index
    %get3A_7 = vector.load %arg0[%get3A_4, %get3A_5, %get3A_6] : memref<2x10000x64xf32, #tpu.memory_space<vmem>>, vector<2x10000x64xf32>
    %get3A_8 = arith.constant 0 : index
    %get3A_9 = arith.constant 0 : index
    %get3A_10 = arith.constant 0 : index
    %get3A_11 = vector.load %arg1[%get3A_8, %get3A_9, %get3A_10] : memref<2x10000x64xf32, #tpu.memory_space<vmem>>, vector<2x10000x64xf32>
    %add3A_12 = arith.addf %get3A_7, %get3A_11 : vector<2x10000x64xf32>
    %slice3A = vector.extract_strided_slice %add3A_12 {offsets = [0, 0, 0], sizes = [1, 10000, 64], strides = [1, 1, 1]} : vector<2x10000x64xf32> to vector<1x10000x64xf32>
    %squeeze3A = vector.shape_cast %slice3A : vector<1x10000x64xf32> to vector<10000x64xf32>
    %slice3A_13 = vector.extract_strided_slice %add3A_12 {offsets = [1, 0, 0], sizes = [1, 10000, 64], strides = [1, 1, 1]} : vector<2x10000x64xf32> to vector<1x10000x64xf32>
    %squeeze3A_14 = vector.shape_cast %slice3A_13 : vector<1x10000x64xf32> to vector<10000x64xf32>
    %concatenate3A = tpu.concatenate %squeeze3A, %squeeze3A_14 in 1 : vector<10000x64xf32>, vector<10000x64xf32> -> vector<10000x128xf32>
    %mul3A = vector.broadcast %rsqrt3A : vector<10000x1xf32> to vector<10000x128xf32>
    %mul3A_15 = arith.mulf %concatenate3A, %mul3A : vector<10000x128xf32>
    %max3A = arith.constant 0.000000e+00 : f32
    %max3A_16 = vector.broadcast %max3A : f32 to vector<10000x128xf32>
    %max3A_17 = arith.maximumf %mul3A_15, %max3A_16 : vector<10000x128xf32>
    %get3A_18 = arith.constant 0 : index
    %get3A_19 = arith.constant 0 : index
    %get3A_20 = vector.load %arg3[%get3A_18, %get3A_19] : memref<128x64xf32, #tpu.memory_space<vmem>>, vector<128x64xf32>
    %dot_general3A = arith.constant dense<0.000000e+00> : vector<10000x64xf32>
    %dot_general3A_21 = tpu.matmul %max3A_17, %get3A_20, %dot_general3A {dimension_numbers = #tpu.dot_dimension_numbers<[1], [0], [0], [1], [0, 0, 1, 1], [], []>, transpose_lhs_hint = false} : vector<10000x128xf32>, vector<128x64xf32>, vector<10000x64xf32> -> vector<10000x64xf32>
    %mul3A_22 = vector.broadcast %rsqrt3A : vector<10000x1xf32> to vector<10000x64xf32>
    %mul3A_23 = arith.mulf %dot_general3A_21, %mul3A_22 : vector<10000x64xf32>
    %slice3A_24 = vector.extract_strided_slice %mul3A_23 {offsets = [0, 0], sizes = [10000, 32], strides = [1, 1]} : vector<10000x64xf32> to vector<10000x32xf32>
    %swap3A = arith.constant 0 : index
    %swap3A_25 = arith.constant 0 : index
    %swap3A_26 = arith.constant 0 : index
    %swap3A_27 = vector.load %arg4[%swap3A, %swap3A_25, %swap3A_26] : memref<2x10000x32xf32, #tpu.memory_space<vmem>>, vector<1x10000x32xf32>
    %swap3A_28 = vector.shape_cast %swap3A_27 : vector<1x10000x32xf32> to vector<10000x32xf32>
    %swap3A_29 = vector.shape_cast %slice3A_24 : vector<10000x32xf32> to vector<1x10000x32xf32>
    tpu.vector_store %arg4[%swap3A, %swap3A_25, %swap3A_26], %swap3A_29 {strides = array<i32>} : memref<2x10000x32xf32, #tpu.memory_space<vmem>>, vector<1x10000x32xf32>,
    %slice3A_30 = vector.extract_strided_slice %mul3A_23 {offsets = [0, 32], sizes = [10000, 32], strides = [1, 1]} : vector<10000x64xf32> to vector<10000x32xf32>
    %swap3A_31 = arith.constant 1 : index
    %swap3A_32 = arith.constant 0 : index
    %swap3A_33 = arith.constant 0 : index
    %swap3A_34 = vector.load %arg4[%swap3A_31, %swap3A_32, %swap3A_33] : memref<2x10000x32xf32, #tpu.memory_space<vmem>>, vector<1x10000x32xf32>
    %swap3A_35 = vector.shape_cast %swap3A_34 : vector<1x10000x32xf32> to vector<10000x32xf32>
    %swap3A_36 = vector.shape_cast %slice3A_30 : vector<10000x32xf32> to vector<1x10000x32xf32>
    tpu.vector_store %arg4[%swap3A_31, %swap3A_32, %swap3A_33], %swap3A_36 {strides = array<i32>} : memref<2x10000x32xf32, #tpu.memory_space<vmem>>, vector<1x10000x32xf32>,
    return
  }
}

module attributes {stable_mosaic.version = 14 : i64} {
  func.func @_tc_final(%arg0: memref<2x10000x32xf32, #tpu.memory_space<vmem>>, %arg1: memref<2x10000x32xf32, #tpu.memory_space<vmem>>, %arg2: memref<10000x1xf32, #tpu.memory_space<vmem>>, %arg3: memref<10000x40xf32, #tpu.memory_space<vmem>>) attributes {dimension_semantics = [], scalar_prefetch = 0 : i64, scratch_operands = 0 : i64, tpu.core_type = #tpu.core_type<tc>} {
    %get3A = arith.constant 0 : index
    %get3A_0 = arith.constant 0 : index
    %get3A_1 = vector.load %arg2[%get3A, %get3A_0] : memref<10000x1xf32, #tpu.memory_space<vmem>>, vector<10000x1xf32>
    %add3A = arith.constant 1.000000e+00 : f32
    %add3A_2 = vector.broadcast %add3A : f32 to vector<10000x1xf32>
    %add3A_3 = arith.addf %get3A_1, %add3A_2 : vector<10000x1xf32>
    %rsqrt3A = math.rsqrt %add3A_3 : vector<10000x1xf32>
    %get3A_4 = arith.constant 0 : index
    %get3A_5 = arith.constant 0 : index
    %get3A_6 = arith.constant 0 : index
    %get3A_7 = vector.load %arg0[%get3A_4, %get3A_5, %get3A_6] : memref<2x10000x32xf32, #tpu.memory_space<vmem>>, vector<2x10000x32xf32>
    %get3A_8 = arith.constant 0 : index
    %get3A_9 = arith.constant 0 : index
    %get3A_10 = arith.constant 0 : index
    %get3A_11 = vector.load %arg1[%get3A_8, %get3A_9, %get3A_10] : memref<2x10000x32xf32, #tpu.memory_space<vmem>>, vector<2x10000x32xf32>
    %add3A_12 = arith.addf %get3A_7, %get3A_11 : vector<2x10000x32xf32>
    %slice3A = vector.extract_strided_slice %add3A_12 {offsets = [0, 0, 0], sizes = [1, 10000, 32], strides = [1, 1, 1]} : vector<2x10000x32xf32> to vector<1x10000x32xf32>
    %squeeze3A = vector.shape_cast %slice3A : vector<1x10000x32xf32> to vector<10000x32xf32>
    %slice3A_13 = vector.extract_strided_slice %add3A_12 {offsets = [1, 0, 0], sizes = [1, 10000, 32], strides = [1, 1, 1]} : vector<2x10000x32xf32> to vector<1x10000x32xf32>
    %squeeze3A_14 = vector.shape_cast %slice3A_13 : vector<1x10000x32xf32> to vector<10000x32xf32>
    %concatenate3A = tpu.concatenate %squeeze3A, %squeeze3A_14 in 1 : vector<10000x32xf32>, vector<10000x32xf32> -> vector<10000x64xf32>
    %mul3A = vector.broadcast %rsqrt3A : vector<10000x1xf32> to vector<10000x64xf32>
    %mul3A_15 = arith.mulf %concatenate3A, %mul3A : vector<10000x64xf32>
    %slice3A_16 = vector.extract_strided_slice %mul3A_15 {offsets = [0, 0], sizes = [10000, 40], strides = [1, 1]} : vector<10000x64xf32> to vector<10000x40xf32>
    %swap3A = arith.constant 0 : index
    %swap3A_17 = arith.constant 0 : index
    %swap3A_18 = vector.load %arg3[%swap3A, %swap3A_17] : memref<10000x40xf32, #tpu.memory_space<vmem>>, vector<10000x40xf32>
    tpu.vector_store %arg3[%swap3A, %swap3A_17], %slice3A_16 {strides = array<i32>} : memref<10000x40xf32, #tpu.memory_space<vmem>>, vector<10000x40xf32>,
    return
  }
}

</mosaic_0001>

<sc_bundles>
// kernel: kernel.11.cloned.1.call-start
scs
__scs_entry_jumppad:
0x0: {  	(pc) =	sbr.rel $0x88, $3  }
0x1: {  	(tag) =	ssettag $0x0;
	lr =	simm.s32 $0x1  }
0x2: {  	[smem:$0x3F9D] =	sst lr;
	_ =	strace $0xD0000000  }
0x3: {  	_ = 	snop  }
0x4: {  	_ = 	snop  }
0x5: {  	_ = 	snop  }
0x6: {  	_ = 	snop  }
0x7: {  	_ = 	snop  }
__scs_overlays_trampoline_lowered:
0x8: {  	[smem:$0x3FAC] =	sst s0  }
0x9: {  	[smem:$0x3FAD] =	sst s1  }
0xa: {  	[smem:$0x3FAE] =	sst s2  }
0xb: {  	[smem:$0x3FAF] =	sst s3  }
0xc: {  	[smem:$0x3FB0] =	sst s4  }
0xd: {  	[smem:$0x3FB1] =	sst s5  }
0xe: {  	[smem:$0x3FB2] =	sst s6  }
0xf: {  	[smem:$0x3FB3] =	sst s7  }
0x10: {  	[smem:$0x3FB4] =	sst s8  }
0x11: {  	[smem:$0x3FB5] =	sst s9;
	s0 =	simm.s32 @!p0 $0x0  }
0x12: {  	s1 =	sld [smem:$0x3F9B];
	s0 =	simm.s32 @p0 $0x1  }
0x13: {  	[smem:$0x3FB6] =	sst s0;
	s0 =	simm.s32 @!p1 $0x0  }
0x14: {  	s2 =	sld [smem:$0x3F9A];
	s0 =	simm.s32 @p1 $0x1  }
0x15: {  	[smem:$0x3FB7] =	sst s0;
	s0 =	simm.s32 @!p2 $0x0  }
0x16: {  	s3 =	sld [smem:$0x3FDB];
	s0 =	simm.s32 @p2 $0x1  }
0x17: {  	s4 =	simm.s32 $0x1BF5;
	[smem:$0x3FB9] =	sst s0  }
0x18: {  	s0 =	sld [smem:$0x3F9C];
	_ =	swait.ge [sflag:s4], $0x0  }
0x19: {  	s7 =	sld [smem:$0x3F9D]  }
0x1a: {  	s8 =	sadd.s32 $0xFFFFE003, lr  }
0x1b: {  	s9 =	sadd.s32 $0xFFFFFEF7, lr;
	s5 =	simm.s32 $0xFFFFFFFF;
	p2 =	slt.u32 s8, $0xFFFFF086  }
0x1c: {  	p1 =	slt.u32 s9, $0xF7A;
	s5 =	simm.s32 @!p2 $0x0  }
0x1d: {  	s5 =	simm.s32 @p1 $0x1;
	p0 =	seq.s32 s7, s2  }
0x1e: {  	s7 =	smul.u32 @!p0 $0xF7A, s2;
	p2 =	seq.s32 @!p0 s5, $0x0  }
0x1f: {  	s9 =	smul.u32 $0xF7A, s1;
	s8 =	simm.s32 @!p0 $0x1BF5;
	p2 =	por !p2, p0  }
0x20: {  	[sflag:s8] =	ssyncset.s32 @!p0 $0xFFFFF086;
	s6 =	sadd.s32 @!p0 s3, s7;
	s7 =	simm.s32 @!p0 $0x108  }
0x21: {  	s3 =	sadd.s32 s3, s9;
	s6 =	sadd.s32 @!p0 $0x88, s6;
	s7 =	simm.s32 @p2 $0x1082  }
0x22: {  	[simem:s7], [sflag:s8] =	dma.local @!p0 [hbm:s6], $0xF7A  }
0x23: {  	s9 =	sor.u32 $0xD0000000, s2;
	s6 =	simm.s32 $0x108;
	_ =	swait.ge @!p0 [sflag:s8], $0x0  }
0x24: {  	s3 =	sadd.s32 $0x88, s3;
	s6 =	simm.s32 @!p1 $0x1082;
	[sflag:s4] =	ssyncset.s32 $0xFFFFF086  }
0x25: {  	[simem:s6], [sflag:s4] =	dma.local [hbm:s3], $0xF7A  }
0x26: {  	[smem:$0x3F9D] =	sst s1;
	(tag) =	ssettag s2;
	_ =	strace s9  }
0x27: {  	s1 =	sld [smem:$0x3FAD]  }
0x28: {  	s2 =	sld [smem:$0x3FAE]  }
0x29: {  	s4 =	sld [smem:$0x3FB0]  }
0x2a: {  	p0 =	seq.s32 s5, $0x0;
	s5 =	sld [smem:$0x3FB1]  }
0x2b: {  	s6 =	sld [smem:$0x3FB2]  }
0x2c: {  	s7 =	sld [smem:$0x3FB3]  }
0x2d: {  	s3 =	simm.s32 $0x108;
	s8 =	sld [smem:$0x3FB4]  }
0x2e: {  	s3 =	simm.s32 @!p0 $0x1082;
	s9 =	sld [smem:$0x3FB5]  }
0x2f: {  	lr =	sadd.s32 s0, s3;
	s0 =	sld [smem:$0x3FAC]  }
0x30: {  	s3 =	sld [smem:$0x3FAF]  }
0x31: {  	[smem:$0x3FB8] =	sst s10  }
0x32: {  	s10 =	sld [smem:$0x3FB6];
	_ =	sdelay $0x3  }
0x33: {  	p0 =	seq.s32 s10, $0x1;
	s10 =	sld [smem:$0x3FB8];
	_ =	sdelay $0x3  }
0x34: {  	[smem:$0x3FB8] =	sst s10  }
0x35: {  	s10 =	sld [smem:$0x3FB7];
	_ =	sdelay $0x3  }
0x36: {  	p1 =	seq.s32 s10, $0x1;
	s10 =	sld [smem:$0x3FB8];
	_ =	sdelay $0x3  }
0x37: {  	[smem:$0x3FB8] =	sst s10  }
0x38: {  	s10 =	sld [smem:$0x3FB9]  }
0x39: {  	_ = 	snop;
	(pc) =	sbr.ind lr, $3  }
0x3a: {  	_ = 	snop  }
0x3b: {  	_ = 	snop  }
0x3c: {  	p2 =	seq.s32 s10, $0x1;
	s10 =	sld [smem:$0x3FB8]  }
0x3d: {  	_ =	shalt  }
0x3e: {  	_ =	shalt  }
0x3f: {  	_ =	shalt  }
0x40: {  	_ =	shalt  }
0x41: {  	_ =	shalt  }
0x42: {  	_ =	shalt  }
0x43: {  	_ =	shalt  }
0x44: {  	_ =	shalt  }
0x45: {  	_ =	shalt  }
0x46: {  	_ =	shalt  }
0x47: {  	_ =	shalt  }
0x48: {  	_ =	shalt  }
0x49: {  	_ =	shalt  }
0x4a: {  	_ =	shalt  }
0x4b: {  	_ =	shalt  }
0x4c: {  	_ =	shalt  }
0x4d: {  	_ =	shalt  }
0x4e: {  	_ =	shalt  }
0x4f: {  	_ =	shalt  }
0x50: {  	_ =	shalt  }
0x51: {  	_ =	shalt  }
0x52: {  	_ =	shalt  }
0x53: {  	_ =	shalt  }
0x54: {  	_ =	shalt  }
0x55: {  	_ =	shalt  }
0x56: {  	_ =	shalt  }
0x57: {  	_ =	shalt  }
0x58: {  	_ =	shalt  }
0x59: {  	_ =	shalt  }
0x5a: {  	_ =	shalt  }
0x5b: {  	_ =	shalt  }
0x5c: {  	_ =	shalt  }
0x5d: {  	_ =	shalt  }
0x5e: {  	_ =	shalt  }
0x5f: {  	_ =	shalt  }
0x60: {  	_ =	shalt  }
0x61: {  	_ =	shalt  }
0x62: {  	_ =	shalt  }
0x63: {  	_ =	shalt  }
0x64: {  	_ =	shalt  }
0x65: {  	_ =	shalt  }
0x66: {  	_ =	shalt  }
0x67: {  	_ =	shalt  }
0x68: {  	_ =	shalt  }
0x69: {  	_ =	shalt  }
0x6a: {  	_ =	shalt  }
0x6b: {  	_ =	shalt  }
0x6c: {  	_ =	shalt  }
0x6d: {  	_ =	shalt  }
0x6e: {  	_ =	shalt  }
0x6f: {  	_ =	shalt  }
0x70: {  	_ =	shalt  }
0x71: {  	_ =	shalt  }
0x72: {  	_ =	shalt  }
0x73: {  	_ =	shalt  }
0x74: {  	_ =	shalt  }
0x75: {  	_ =	shalt  }
0x76: {  	_ =	shalt  }
0x77: {  	_ =	shalt  }
0x78: {  	_ =	shalt  }
0x79: {  	_ =	shalt  }
0x7a: {  	_ =	shalt  }
0x7b: {  	_ =	shalt  }
0x7c: {  	_ =	shalt  }
0x7d: {  	_ =	shalt  }
0x7e: {  	_ =	shalt  }
0x7f: {  	_ =	shalt  }
0x80: {  	_ =	shalt  }
0x81: {  	_ =	shalt  }
0x82: {  	_ =	shalt  }
0x83: {  	_ =	shalt  }
0x84: {  	_ =	shalt  }
0x85: {  	_ =	shalt  }
0x86: {  	_ =	shalt  }
0x87: {  	_ =	shalt  }
.Lfunc_end0:
.L_simem_size_0:
called_computation.1_lowered:
.L_overlay_start_0:
0x88: {  	s2 =	sld [smem:$0x3FD9]  }
0x89: {  	s3 =	sld [smem:$0x3FFE];
	_ =	sdelay $0x1  }
0x8a: {  	s1 =	srdreg.scid  }
0x8b: {  	s0 =	sand.u32 $0x1, s1  }
0x8c: {  	s17 =	sshll.u32 s0, $0xA;
	s2 =	sadd.s32 s3, s2  }
0x8d: {  	s2 =	sadd.s32 s2, s17  }
0x8e: {  	[smem:$0x3FC4] =	sst s2  }
0x8f: {  	_ = 	snop  }
0x90: {  	s2 =	sld [smem:$0x3FD0];
	(tm) =	ssettm $0x1  }
0x91: {  	s18 =	sld [smem:$0x3FFB];
	_ =	sdelay $0x3  }
0x92: {  	_ =	strace s18  }
0x93: {  	s3 =	sld [smem:$0x3FFC];
	_ =	sdelay $0x3  }
0x94: {  	_ =	strace s3  }
0x95: {  	s3 =	sld [smem:$0x3FFD];
	_ =	sdelay $0x3  }
0x96: {  	_ =	strace s3  }
0x97: {  	_ =	strace $0x8FFFFFFF  }
0x98: {  	s19 =	sld [smem:$0x3FDB];
	_ =	sdelay $0x1  }
0x99: {  	s4 =	simm.s32 $_scs_section_size  }
0x9a: {  	s5 =	simm.s32 $_size__tile_overlayer_lowered;
	s6 =	simm.s32 $_tile_overlayer_lowered  }
0x9b: {  	s22 =	simm.s32 $0x1BFF;
	s21 =	sshll.u32 s6, $0x1;
	s3 =	sadd.s32 s4, s19  }
0x9c: {  	s7 =	simm.s32 $0x0;
	s20 =	sshll.u32 s5, $0x1;
	s5 =	sadd.s32 s21, s3  }
0x9d: {  	[timem:s7], [sflag:s22] =	dma.local [hbm:s5], s20  }
0x9e: {  	_ =	swait.ge [sflag:s22], s20  }
0x9f: {  	s4 =	ssub.s32 $0x0, s20;
	[sflag:s22] =	ssyncset.done $0x0  }
0xa0: {  	[sflag:s22] =	ssyncadd.s32 s4;
	_ =	sdelay $0x1  }
0xa1: {  	s23 =	simm.s32 $0x1B8B  }
0xa2: {  	_ =	swait.ge [sflag:s23], $0x1  }
0xa3: {  	[sflag:s23] =	ssyncset.done $0x0  }
0xa4: {  	s25 =	simm.s32 $0x1B8E;
	s24 =	sld [smem:$0x3FFE];
	[sflag:s23] =	ssyncadd.s32 $0xFFFFFFFF  }
0xa5: {  	s26 =	simm.s32 $execute0_lowered;
	[smem:$0x3FD2] =	sst s25  }
0xa6: {  	s5 =	sshll.u32 s26, $0x1;
	_ =	strace $0x80000049;
	[dreg:$0x1] =	wrdreg $0xFFFFFFFF  }
0xa7: {  	s28 =	simm.s32 $_size_execute0_lowered;
	s3 =	sadd.s32 s3, s5;
	[dreg:$0x0] =	wrdreg $0x0  }
0xa8: {  	s5 =	sshll.u32 s28, $0x1;
	[dreg:$0x2] =	wrdreg s3  }
0xa9: {  	[dreg:$0x3] =	wrdreg s5  }
0xaa: {  	[dreg:$0x4] =	wrdreg $0xC0  }
0xab: {  	_ =	task [dreg:s7], $0x5FFFF  }
0xac: {  	[dreg:$0x1] =	wrdreg $0xFFFFFFFF  }
0xad: {  	[dreg:$0x0] =	wrdreg $0x60  }
0xae: {  	[dreg:$0x2] =	wrdreg s24  }
0xaf: {  	[dreg:$0x3] =	wrdreg s2  }
0xb0: {  	[dreg:$0x4] =	wrdreg $0x13C400  }
0xb1: {  	[dreg:$0x5] =	wrdreg $0x9  }
0xb2: {  	_ =	task.clear_ibuf [dreg:s7], $0x6FFFF;
	_ =	strace $0x90000049  }
0xb3: {  	s29 =	simm.s32 $0x9;
	_ =	strace $0x8000004B  }
0xb4: {  	_ =	swait.ge [sflag:s29], $0x1  }
0xb5: {  	[sflag:s29] =	ssyncadd.s32 $0xFFFFFFFF  }
0xb6: {  	_ =	strace $0x9000004B  }
0xb7: {  	_ =	sfence  }
0xb8: {  	s30 =	sld [smem:$0x0];
	_ =	sdelay $0x2  }
0xb9: {  	s31 =	sshll.u32 s1, $0xD;
	s1 =	sshrl.u32 s1, $0x2  }
0xba: {  	s3 =	sand.u32 $0x4000, s31;
	s1 =	sadd.s32 s1, s30  }
0xbb: {  	s0 =	sor.u32 s3, s0;
	s1 =	sshll.u32 s1, $0x11  }
0xbc: {  	s0 =	sor.u32 s1, s0  }
0xbd: {  	s0 =	sadd.s32 $0x8F2B, s0  }
0xbe: {  	[sflag:s0] =	ssyncadd.remote.s32 $0x1  }
0xbf: {  	_ =	sfence.sel $0xFFFF  }
0xc0: {  	[dreg:$0x0] =	wrdreg $0xFFFFFFFF;
	(pc) =	sbr.abs _section_cstart, $3  }
0xc1: {  	[dreg:$0x1] =	wrdreg $0xFFFFFFFF  }
0xc2: {  	_ =	task.clear_ibuf [dreg:s7], $0x2FFFF;
	_ =	strace $0x9FFFFFFF  }
0xc3: {  	(tm) =	ssettm $0x7FFFFFFF  }
tec
execute0_lowered:
.L_overlay_start_1:
0x0: {  	(tag) =	ssettag $0x1  }
0x1: {  	s0 =	rddreg [dreg:$0x0]  }
0x2: {  	s1 =	rddreg [dreg:$0x1]  }
0x3: {  	s2 =	rddreg [dreg:$0x2]  }
0x4: {  	s16 =	stileid.u32;
	s4 =	srdreg.scid  }
0x5: {  	s3 =	simm.s32 $0x0;
	s14 =	simm.s32 $0x11D00;
	s15 =	simm.s32 $0x5  }
0x6: {  	s17 =	simm.s32 $0x80;
	s18 =	simm.s32 $0x9D00;
	s19 =	simm.s32 $0xBD00  }
0x7: {  	s21 =	simm.s32 $0xDD00;
	s28 =	simm.s32 $0x4;
	s30 =	simm.s32 $0x9B00  }
0x8: {  	s31 =	simm.s32 $0x9B80;
	s5 =	smul.u32 $0x9C, s16;
	s4 =	sand.u32 $0x1, s4  }
0x9: {  	s6 =	smax.u32 s16, $0xC;
	[smem:$0x7FF] =	sst s3;
	s23 =	smul.u32 $0x9C40, s16  }
0xa: {  	s24 =	smul.u32 $0x27100, s16;
	p0 =	slt.u32 s16, $0xC;
	s16 =	simm.s32 $0x0  }
0xb: {  	s7 =	smul.u32 $0x9C400, s4;
	_ =	strace $0x8000004A;
	s25 =	ssub.s32 $0x2, s4  }
0xc: {  	s5 =	sadd.s32 s5, s6;
	s26 =	sshrl.u32 s24, $0x2;
	s29 =	sshrl.u32 s25, $0x1  }
0xd: {  	s24 =	simm.s32 $0x1;
	s5 =	sshll.u32 s5, $0x4;
	s8 =	sshrl.u32 s7, $0x3  }
0xe: {  	s6 =	sadd.s32 s23, s7;
	s4 =	sadd.s32 s26, s2;
	s13 =	ssub.s32 s25, s29  }
0xf: {  	s23 =	simm.s32 $0xFD00;
	s25 =	simm.s32 $0x2;
	s26 =	simm.s32 $0x3  }
0x10: {  	s9 =	sadd.s32 $0xFFFFFF40, s5;
	s11 =	sadd.s32 s8, s0;
	s6 =	sshrl.u32 s6, $0x3  }
0x11: {  	s5 =	sadd.s32 $0x1F40, s4;
	s7 =	sadd.s32 $0x5DC0, s4;
	s8 =	sadd.s32 $0x7D00, s4  }
0x12: {  	s13 =	smax.u32 s13, $0x1;
	s10 =	sadd.s32 s9, s0;
	s0 =	sadd.s32 s6, s0  }
0x13: {  	s6 =	sadd.s32 $0x3E80, s4;
	s9 =	sadd.s32 s1, s9;
	s11 =	sadd.s32 $0x81200, s11  }
0x14: {  	v0 =	vimm.f32 $0.0e+00;
	s10 =	sadd.s32 $0x2000, s10;
	s12 =	sadd.s32 $0xA8400, s0;
	s0 =	simm.s32 $0x9C00  }
.LBB2_1:
0x15: {  	s1 =	sand.u32 $0x7F00, s3  }
0x16: {  	s22 =	sand.u32 $0x30, s3;
	s1 =	sshrl.u32 s1, $0x2  }
0x17: {  	s20 =	simm.s32 $0x40;
	s1 =	sor.u32 s22, s1;
	s22 =	simm.s32 $0x0  }
.LBB2_2:
0x18: {  	p1 =	sne.s32 s20, $0x7CC0  }
0x19: {  	[tilespmem:s1+$0x11D00] =	vst v0;
	s22 =	sadd.s32 $0x10, s22;
	s1 =	smov.u32 s20;
	s20 =	sadd.s32 $0x40, s20  }
.Ltmp0:
0x1a: {  	(pc) =	sbr.rel @p1 .LBB2_2-.Ltmp0, $4  }
0x1b: {  	_ = 	snop  }
0x1c: {  	s1 =	sand.u32 $0x7F00, s1  }
0x1d: {  	s29 =	sand.u32 $0x30, s22;
	s1 =	sshrl.u32 s1, $0x2  }
0x1e: {  	s1 =	sor.u32 s29, s1  }
0x1f: {  	[tilespmem:s1+$0x11D00] =	vst v0  }
0x20: {  	[spmem:s4] =	stream.linear.scatter [tilespmem:s14], [sflag:$0x5], $0x1F40, $0x38;
	[tilespmem:$0x1D880] =	vst v63  }
0x21: {  	_ =	swait.ge [sflag:s15], $0x1F40  }
0x22: {  	[sflag:s15] =	ssyncset.done $0x0  }
0x23: {  	[sflag:s15] =	ssyncadd.s32 $0xFFFFE0C0  }
0x24: {  	[spmem:s5] =	stream.linear.scatter [tilespmem:s14], [sflag:$0x5], $0x1F40, $0x38;
	[tilespmem:$0x1D880] =	vst v63  }
0x25: {  	_ =	swait.ge [sflag:s15], $0x1F40  }
0x26: {  	[sflag:s15] =	ssyncset.done $0x0  }
0x27: {  	[sflag:s15] =	ssyncadd.s32 $0xFFFFE0C0  }
0x28: {  	[spmem:s6] =	stream.linear.scatter [tilespmem:s14], [sflag:$0x5], $0x1F40, $0x38;
	[tilespmem:$0x1D880] =	vst v63  }
0x29: {  	_ =	swait.ge [sflag:s15], $0x1F40  }
0x2a: {  	[sflag:s15] =	ssyncset.done $0x0  }
0x2b: {  	[sflag:s15] =	ssyncadd.s32 $0xFFFFE0C0  }
0x2c: {  	[spmem:s7] =	stream.linear.scatter [tilespmem:s14], [sflag:$0x5], $0x1F40, $0x38;
	[tilespmem:$0x1D880] =	vst v63  }
0x2d: {  	_ =	swait.ge [sflag:s15], $0x1F40  }
0x2e: {  	[sflag:s15] =	ssyncset.done $0x0  }
0x2f: {  	[sflag:s15] =	ssyncadd.s32 $0xFFFFE0C0  }
0x30: {  	[spmem:s8] =	stream.linear.scatter [tilespmem:s14], [sflag:$0x5], $0x1F40, $0x38;
	[tilespmem:$0x1D880] =	vst v63  }
0x31: {  	_ =	swait.ge [sflag:s15], $0x1F40  }
0x32: {  	[sflag:s15] =	ssyncset.done $0x0  }
0x33: {  	s29 =	simm.s32 $0x0;
	[sflag:s15] =	ssyncadd.s32 $0xFFFFE0C0  }
0x34: {  	[tilespmem:s29], [sflag:$0x5] =	stream.linear.gather [hbm4b:s9+s29], $0x4E80, $0x38;
	[tilespmem:$0x1D880] =	vst v63  }
0x35: {  	_ =	swait.ge [sflag:s15], $0x4E80  }
0x36: {  	[sflag:s15] =	ssyncset.done $0x0  }
0x37: {  	s20 =	simm.s32 $0x4E80;
	[sflag:s15] =	ssyncadd.s32 $0xFFFFB180  }
0x38: {  	[tilespmem:s20], [sflag:$0x5] =	stream.linear.gather [hbm4b:s10+s29], $0x4E80, $0x38;
	[tilespmem:$0x1D880] =	vst v63  }
0x39: {  	_ =	swait.ge [sflag:s15], $0x4E80  }
0x3a: {  	[sflag:s15] =	ssyncset.done $0x0  }
0x3b: {  	[sflag:s15] =	ssyncadd.s32 $0xFFFFB180  }
0x3c: {  	[bflag:$0x0] =	sbarrier.arrive $0xFFFF  }
0x3d: {  	[tilespmem:s18], [sflag:$0x1] =	stream.indirect.gather [hbm4b:s11+s17], $0x40, s29, s17, $0xb8;
	[tilespmem:$0x1D880] =	vst v63  }
0x3e: {  	_ = 	snop  }
0x3f: {  	[tilespmem:s19], [sflag:$0x2] =	stream.indirect.gather [hbm4b:s11+s17], $0x40, s17, s17, $0xb8;
	[tilespmem:$0x1D880] =	vst v63  }
0x40: {  	s20 =	simm.s32 $0x100  }
0x41: {  	[tilespmem:s21], [sflag:$0x3] =	stream.indirect.gather [hbm4b:s11+s17], $0x40, s20, s17, $0xb8;
	[tilespmem:$0x1D880] =	vst v63  }
0x42: {  	s22 =	simm.s32 $0x180  }
0x43: {  	[tilespmem:s23], [sflag:$0x4] =	stream.indirect.gather [hbm4b:s11+s17], $0x40, s22, s17, $0xb8;
	[tilespmem:$0x1D880] =	vst v63  }
0x44: {  	_ =	swait.ge [sflag:s24], $0x2000  }
0x45: {  	[sflag:s24] =	ssyncset.done $0x0  }
0x46: {  	s29 =	simm.s32 $0x4E80;
	[sflag:s24] =	ssyncadd.s32 $0xFFFFE000  }
0x47: {  	[spmem:s2] =	stream.indirect.scatter.add.f32 [tilespmem:s18], [sflag:$0x5], $0x40, s29, s17, $0xb8;
	[tilespmem:$0x1D880] =	vst v63  }
0x48: {  	_ =	swait.ge [sflag:s15], $0x2000  }
0x49: {  	[sflag:s15] =	ssyncset.done $0x0  }
0x4a: {  	s20 =	simm.s32 $0x200;
	[sflag:s15] =	ssyncadd.s32 $0xFFFFE000  }
0x4b: {  	[tilespmem:s18], [sflag:$0x1] =	stream.indirect.gather [hbm4b:s11+s17], $0x40, s20, s17, $0xb8;
	[tilespmem:$0x1D880] =	vst v63  }
0x4c: {  	_ =	swait.ge [sflag:s25], $0x2000  }
0x4d: {  	[sflag:s25] =	ssyncset.done $0x0  }
0x4e: {  	s22 =	simm.s32 $0x4F00;
	[sflag:s25] =	ssyncadd.s32 $0xFFFFE000  }
0x4f: {  	[spmem:s2] =	stream.indirect.scatter.add.f32 [tilespmem:s19], [sflag:$0x5], $0x40, s22, s17, $0xb8;
	[tilespmem:$0x1D880] =	vst v63  }
0x50: {  	_ =	swait.ge [sflag:s15], $0x2000  }
0x51: {  	[sflag:s15] =	ssyncset.done $0x0  }
0x52: {  	s29 =	simm.s32 $0x280;
	[sflag:s15] =	ssyncadd.s32 $0xFFFFE000  }
0x53: {  	[tilespmem:s19], [sflag:$0x2] =	stream.indirect.gather [hbm4b:s11+s17], $0x40, s29, s17, $0xb8;
	[tilespmem:$0x1D880] =	vst v63  }
0x54: {  	_ =	swait.ge [sflag:s26], $0x2000  }
0x55: {  	[sflag:s26] =	ssyncset.done $0x0  }
0x56: {  	s20 =	simm.s32 $0x4F80;
	[sflag:s26] =	ssyncadd.s32 $0xFFFFE000  }
0x57: {  	[spmem:s2] =	stream.indirect.scatter.add.f32 [tilespmem:s21], [sflag:$0x5], $0x40, s20, s17, $0xb8;
	[tilespmem:$0x1D880] =	vst v63  }
0x58: {  	_ =	swait.ge [sflag:s15], $0x2000  }
0x59: {  	[sflag:s15] =	ssyncset.done $0x0  }
0x5a: {  	s22 =	simm.s32 $0x300;
	[sflag:s15] =	ssyncadd.s32 $0xFFFFE000  }
0x5b: {  	[tilespmem:s21], [sflag:$0x3] =	stream.indirect.gather [hbm4b:s11+s17], $0x40, s22, s17, $0xb8;
	[tilespmem:$0x1D880] =	vst v63  }
0x5c: {  	_ =	swait.ge [sflag:s28], $0x2000  }
0x5d: {  	[sflag:s28] =	ssyncset.done $0x0  }
0x5e: {  	s29 =	simm.s32 $0x5000;
	[sflag:s28] =	ssyncadd.s32 $0xFFFFE000  }
0x5f: {  	[spmem:s2] =	stream.indirect.scatter.add.f32 [tilespmem:s23], [sflag:$0x5], $0x40, s29, s17, $0xb8;
	[tilespmem:$0x1D880] =	vst v63  }
0x60: {  	_ =	swait.ge [sflag:s15], $0x2000  }
0x61: {  	[sflag:s15] =	ssyncset.done $0x0  }
0x62: {  	s1 =	simm.s32 $0x380;
	s20 =	simm.s32 $0x800;
	[sflag:s15] =	ssyncadd.s32 $0xFFFFE000  }
.LBB2_4:
0x63: {  	[tilespmem:s23], [sflag:$0x4] =	stream.indirect.gather [hbm4b:s11+s17], $0x40, s1, s17, $0xb8;
	[tilespmem:$0x1D880] =	vst v63  }
0x64: {  	s1 =	smov.u32 s20  }
0x65: {  	p1 =	sne.s32 s20, $0x12800;
	s20 =	sadd.s32 $0x800, s20;
	_ =	swait.ge [sflag:s24], $0x2000  }
0x66: {  	s22 =	sshra.s32 s1, $0x2;
	[sflag:s24] =	ssyncset.done $0x0  }
0x67: {  	s1 =	sadd.s32 $0x4E80, s22;
	[sflag:s24] =	ssyncadd.s32 $0xFFFFE000  }
0x68: {  	[spmem:s2] =	stream.indirect.scatter.add.f32 [tilespmem:s18], [sflag:$0x5], $0x40, s1, s17, $0xb8;
	[tilespmem:$0x1D880] =	vst v63  }
0x69: {  	_ =	swait.ge [sflag:s15], $0x2000  }
0x6a: {  	[sflag:s15] =	ssyncset.done $0x0  }
0x6b: {  	s1 =	sadd.s32 $0x200, s22;
	[sflag:s15] =	ssyncadd.s32 $0xFFFFE000  }
0x6c: {  	[tilespmem:s18], [sflag:$0x1] =	stream.indirect.gather [hbm4b:s11+s17], $0x40, s1, s17, $0xb8;
	[tilespmem:$0x1D880] =	vst v63  }
0x6d: {  	_ =	swait.ge [sflag:s25], $0x2000  }
0x6e: {  	[sflag:s25] =	ssyncset.done $0x0  }
0x6f: {  	s1 =	sadd.s32 $0x4F00, s22;
	[sflag:s25] =	ssyncadd.s32 $0xFFFFE000  }
0x70: {  	[spmem:s2] =	stream.indirect.scatter.add.f32 [tilespmem:s19], [sflag:$0x5], $0x40, s1, s17, $0xb8;
	[tilespmem:$0x1D880] =	vst v63  }
0x71: {  	_ =	swait.ge [sflag:s15], $0x2000  }
0x72: {  	[sflag:s15] =	ssyncset.done $0x0  }
0x73: {  	s1 =	sadd.s32 $0x280, s22;
	[sflag:s15] =	ssyncadd.s32 $0xFFFFE000  }
0x74: {  	[tilespmem:s19], [sflag:$0x2] =	stream.indirect.gather [hbm4b:s11+s17], $0x40, s1, s17, $0xb8;
	[tilespmem:$0x1D880] =	vst v63  }
0x75: {  	_ =	swait.ge [sflag:s26], $0x2000  }
0x76: {  	[sflag:s26] =	ssyncset.done $0x0  }
0x77: {  	s1 =	sadd.s32 $0x4F80, s22;
	[sflag:s26] =	ssyncadd.s32 $0xFFFFE000  }
0x78: {  	[spmem:s2] =	stream.indirect.scatter.add.f32 [tilespmem:s21], [sflag:$0x5], $0x40, s1, s17, $0xb8;
	[tilespmem:$0x1D880] =	vst v63  }
0x79: {  	_ =	swait.ge [sflag:s15], $0x2000  }
0x7a: {  	[sflag:s15] =	ssyncset.done $0x0  }
0x7b: {  	s1 =	sadd.s32 $0x300, s22;
	[sflag:s15] =	ssyncadd.s32 $0xFFFFE000  }
0x7c: {  	[tilespmem:s21], [sflag:$0x3] =	stream.indirect.gather [hbm4b:s11+s17], $0x40, s1, s17, $0xb8;
	[tilespmem:$0x1D880] =	vst v63  }
0x7d: {  	_ =	swait.ge [sflag:s28], $0x2000  }
0x7e: {  	[sflag:s28] =	ssyncset.done $0x0  }
.Ltmp1:
0x7f: {  	s1 =	sadd.s32 $0x5000, s22;
	[sflag:s28] =	ssyncadd.s32 $0xFFFFE000;
	(pc) =	sbr.rel @p1 .LBB2_4-.Ltmp1, $4  }
0x80: {  	[spmem:s2] =	stream.indirect.scatter.add.f32 [tilespmem:s23], [sflag:$0x5], $0x40, s1, s17, $0xb8;
	[tilespmem:$0x1D880] =	vst v63  }
0x81: {  	_ =	swait.ge [sflag:s15], $0x2000  }
0x82: {  	[sflag:s15] =	ssyncset.done $0x0  }
0x83: {  	s1 =	sadd.s32 $0x380, s22;
	[sflag:s15] =	ssyncadd.s32 $0xFFFFE000  }
0x84: {  	[tilespmem:s23], [sflag:$0x4] =	stream.indirect.gather [hbm4b:s11+s17], $0x40, s1, s17, $0xb8;
	[tilespmem:$0x1D880] =	vst v63  }
0x85: {  	_ =	swait.ge [sflag:s24], $0x2000  }
0x86: {  	[sflag:s24] =	ssyncset.done $0x0  }
0x87: {  	s20 =	simm.s32 $0x9A80;
	[sflag:s24] =	ssyncadd.s32 $0xFFFFE000  }
0x88: {  	[spmem:s2] =	stream.indirect.scatter.add.f32 [tilespmem:s18], [sflag:$0x5], $0x40, s20, s17, $0xb8;
	[tilespmem:$0x1D880] =	vst v63  }
0x89: {  	_ =	swait.ge [sflag:s15], $0x2000  }
0x8a: {  	s1 =	simm.s32 @!p0 $0x80;
	[sflag:s15] =	ssyncset.done $0x0  }
0x8b: {  	s22 =	simm.s32 @!p0 $0x9D00;
	s20 =	simm.s32 @!p0 $0x4E00;
	[sflag:s15] =	ssyncadd.s32 $0xFFFFE000  }
0x8c: {  	[tilespmem:s22], [sflag:$0x1] =	stream.indirect.gather @!p0 [hbm4b:s11+s1], $0x40, s20, s1, $0xb8;
	[tilespmem:$0x1D880] =	vst v63  }
0x8d: {  	_ =	swait.ge [sflag:s25], $0x2000  }
0x8e: {  	[sflag:s25] =	ssyncset.done $0x0  }
0x8f: {  	[sflag:s25] =	ssyncadd.s32 $0xFFFFE000  }
0x90: {  	[spmem:s2] =	stream.indirect.scatter.add.f32 [tilespmem:s19], [sflag:$0x5], $0x40, s30, s17, $0xb8;
	[tilespmem:$0x1D880] =	vst v63  }
0x91: {  	_ =	swait.ge [sflag:s15], $0x2000  }
0x92: {  	[sflag:s15] =	ssyncset.done $0x0  }
0x93: {  	[sflag:s15] =	ssyncadd.s32 $0xFFFFE000  }
0x94: {  	_ =	swait.ge [sflag:s26], $0x2000  }
0x95: {  	[sflag:s26] =	ssyncset.done $0x0  }
0x96: {  	[sflag:s26] =	ssyncadd.s32 $0xFFFFE000  }
0x97: {  	[spmem:s2] =	stream.indirect.scatter.add.f32 [tilespmem:s21], [sflag:$0x5], $0x40, s31, s17, $0xb8;
	[tilespmem:$0x1D880] =	vst v63  }
0x98: {  	_ =	swait.ge [sflag:s15], $0x2000  }
0x99: {  	[sflag:s15] =	ssyncset.done $0x0  }
0x9a: {  	[sflag:s15] =	ssyncadd.s32 $0xFFFFE000  }
0x9b: {  	_ =	swait.ge [sflag:s28], $0x2000  }
0x9c: {  	[sflag:s28] =	ssyncset.done $0x0  }
0x9d: {  	[sflag:s28] =	ssyncadd.s32 $0xFFFFE000  }
0x9e: {  	[spmem:s2] =	stream.indirect.scatter.add.f32 [tilespmem:s23], [sflag:$0x5], $0x40, s0, s17, $0xb8;
	[tilespmem:$0x1D880] =	vst v63  }
0x9f: {  	_ =	swait.ge [sflag:s15], $0x2000  }
0xa0: {  	[sflag:s15] =	ssyncset.done $0x0  }
0xa1: {  	s20 =	simm.s32 @!p0 $0x1;
	[sflag:s15] =	ssyncadd.s32 $0xFFFFE000  }
0xa2: {  	_ =	swait.ge @!p0 [sflag:s20], $0x2000  }
0xa3: {  	[sflag:s20] =	ssyncset.done @!p0 $0x0  }
0xa4: {  	[sflag:s20] =	ssyncadd.s32 @!p0 $0xFFFFE000;
	s20 =	simm.s32 @!p0 $0x9C80  }
0xa5: {  	[spmem:s2] =	stream.indirect.scatter.add.f32 @!p0 [tilespmem:s22], [sflag:$0x5], $0x40, s20, s1, $0xb8;
	[tilespmem:$0x1D880] =	vst v63  }
0xa6: {  	s1 =	simm.s32 @!p0 $0x5  }
0xa7: {  	s29 =	sshrl.u32 s4, $0x3;
	_ =	swait.ge @!p0 [sflag:s1], $0x2000  }
0xa8: {  	s16 =	sadd.s32 $0x1, s16;
	s22 =	stileid.u32;
	[sflag:s1] =	ssyncset.done @!p0 $0x0  }
0xa9: {  	p1 =	sne.s32 s16, s13;
	[sflag:s1] =	ssyncadd.s32 @!p0 $0xFFFFE000;
	s1 =	sshll.u32 s22, $0x6  }
.Ltmp2:
0xaa: {  	[bflag:$0x0] =	sbarrier.arrive $0xFFFF;
	s1 =	sor.u32 $0x1C05, s1;
	(pc) =	sbr.rel @p1 .LBB2_1-.Ltmp2, $4  }
0xab: {  	[hbm:s12], [sflag:s1] =	dma.local [spmem:s29], $0x1388  }
0xac: {  	_ =	swait.ge [sflag:s15], $0x1388  }
0xad: {  	[sflag:s15] =	ssyncset.done $0x0  }
0xae: {  	[sflag:s15] =	ssyncadd.s32 $0xFFFFEC78  }
0xaf: {  	_ =	sfence.sel $0x180000  }
0xb0: {  	[bflag:$0x0] =	sbarrier.arrive $0xFFFF  }
0xb1: {  	_ =	strace $0x9000004A  }
0xb2: {  	s0 =	stileid.u32;
	[bflag:$0x2] =	sbarrier.arrive $0xFFFF  }
0xb3: {  	p0 =	sne.s32 s0, $0x0;
	s0 =	rddreg [dreg:$0x3]  }
0xb4: {  	s0 =	sadd.s32 @!p0 $0x100000, s0  }
0xb5: {  	[sflag:s0] =	ssyncadd.tile.s32 @!p0 $0x1;
	_ =	shalt  }
.Lfunc_end2:
_tile_overlayer_lowered:
.L_overlay_start_2:
0xb6: {  	(tag) =	ssettag $0x2  }
0xb7: {  	s0 =	rddreg [dreg:$0x0];
	s2 =	stileid.u32  }
0xb8: {  	s1 =	rddreg [dreg:$0x1];
	p0 =	sne.s32 s2, $0x0  }
0xb9: {  	s3 =	rddreg [dreg:$0x2];
	[bflag:$0x3] =	sbarrier.arrive $0xFFFF;
	s2 =	simm.s32 @!p0 $0x1C05  }
0xba: {  	[timem:s3], [sflag:s2] =	dma.local @!p0 [hbm:s0], s1  }
0xbb: {  	s0 =	simm.s32 @!p0 $0x5  }
0xbc: {  	_ =	swait.ge @!p0 [sflag:s0], s1  }
0xbd: {  	s1 =	ssub.s32 @!p0 $0x0, s1;
	[sflag:s0] =	ssyncset.done @!p0 $0x0  }
0xbe: {  	[sflag:s0] =	ssyncadd.s32 @!p0 s1  }
0xbf: {  	[bflag:$0x3] =	sbarrier.arrive $0xFFFF  }
0xc0: {  	_ =	shalt  }

// kernel: kernel.14.cloned.1.call-start
scs
__scs_entry_jumppad:
0x0: {  	(pc) =	sbr.rel $0x88, $3  }
0x1: {  	(tag) =	ssettag $0x0;
	lr =	simm.s32 $0x1  }
0x2: {  	[smem:$0x3F9D] =	sst lr;
	_ =	strace $0xD0000000  }
0x3: {  	_ = 	snop  }
0x4: {  	_ = 	snop  }
0x5: {  	_ = 	snop  }
0x6: {  	_ = 	snop  }
0x7: {  	_ = 	snop  }
__scs_overlays_trampoline_lowered:
0x8: {  	[smem:$0x3FAC] =	sst s0  }
0x9: {  	[smem:$0x3FAD] =	sst s1  }
0xa: {  	[smem:$0x3FAE] =	sst s2  }
0xb: {  	[smem:$0x3FAF] =	sst s3  }
0xc: {  	[smem:$0x3FB0] =	sst s4  }
0xd: {  	[smem:$0x3FB1] =	sst s5  }
0xe: {  	[smem:$0x3FB2] =	sst s6  }
0xf: {  	[smem:$0x3FB3] =	sst s7  }
0x10: {  	[smem:$0x3FB4] =	sst s8  }
0x11: {  	[smem:$0x3FB5] =	sst s9;
	s0 =	simm.s32 @!p0 $0x0  }
0x12: {  	s1 =	sld [smem:$0x3F9B];
	s0 =	simm.s32 @p0 $0x1  }
0x13: {  	[smem:$0x3FB6] =	sst s0;
	s0 =	simm.s32 @!p1 $0x0  }
0x14: {  	s2 =	sld [smem:$0x3F9A];
	s0 =	simm.s32 @p1 $0x1  }
0x15: {  	[smem:$0x3FB7] =	sst s0;
	s0 =	simm.s32 @!p2 $0x0  }
0x16: {  	s3 =	sld [smem:$0x3FDB];
	s0 =	simm.s32 @p2 $0x1  }
0x17: {  	s4 =	simm.s32 $0x1BF5;
	[smem:$0x3FB9] =	sst s0  }
0x18: {  	s0 =	sld [smem:$0x3F9C];
	_ =	swait.ge [sflag:s4], $0x0  }
0x19: {  	s7 =	sld [smem:$0x3F9D]  }
0x1a: {  	s8 =	sadd.s32 $0xFFFFE003, lr  }
0x1b: {  	s9 =	sadd.s32 $0xFFFFFEF7, lr;
	s5 =	simm.s32 $0xFFFFFFFF;
	p2 =	slt.u32 s8, $0xFFFFF086  }
0x1c: {  	p1 =	slt.u32 s9, $0xF7A;
	s5 =	simm.s32 @!p2 $0x0  }
0x1d: {  	s5 =	simm.s32 @p1 $0x1;
	p0 =	seq.s32 s7, s2  }
0x1e: {  	s7 =	smul.u32 @!p0 $0xF7A, s2;
	p2 =	seq.s32 @!p0 s5, $0x0  }
0x1f: {  	s9 =	smul.u32 $0xF7A, s1;
	s8 =	simm.s32 @!p0 $0x1BF5;
	p2 =	por !p2, p0  }
0x20: {  	[sflag:s8] =	ssyncset.s32 @!p0 $0xFFFFF086;
	s6 =	sadd.s32 @!p0 s3, s7;
	s7 =	simm.s32 @!p0 $0x108  }
0x21: {  	s3 =	sadd.s32 s3, s9;
	s6 =	sadd.s32 @!p0 $0x88, s6;
	s7 =	simm.s32 @p2 $0x1082  }
0x22: {  	[simem:s7], [sflag:s8] =	dma.local @!p0 [hbm:s6], $0xF7A  }
0x23: {  	s9 =	sor.u32 $0xD0000000, s2;
	s6 =	simm.s32 $0x108;
	_ =	swait.ge @!p0 [sflag:s8], $0x0  }
0x24: {  	s3 =	sadd.s32 $0x88, s3;
	s6 =	simm.s32 @!p1 $0x1082;
	[sflag:s4] =	ssyncset.s32 $0xFFFFF086  }
0x25: {  	[simem:s6], [sflag:s4] =	dma.local [hbm:s3], $0xF7A  }
0x26: {  	[smem:$0x3F9D] =	sst s1;
	(tag) =	ssettag s2;
	_ =	strace s9  }
0x27: {  	s1 =	sld [smem:$0x3FAD]  }
0x28: {  	s2 =	sld [smem:$0x3FAE]  }
0x29: {  	s4 =	sld [smem:$0x3FB0]  }
0x2a: {  	p0 =	seq.s32 s5, $0x0;
	s5 =	sld [smem:$0x3FB1]  }
0x2b: {  	s6 =	sld [smem:$0x3FB2]  }
0x2c: {  	s7 =	sld [smem:$0x3FB3]  }
0x2d: {  	s3 =	simm.s32 $0x108;
	s8 =	sld [smem:$0x3FB4]  }
0x2e: {  	s3 =	simm.s32 @!p0 $0x1082;
	s9 =	sld [smem:$0x3FB5]  }
0x2f: {  	lr =	sadd.s32 s0, s3;
	s0 =	sld [smem:$0x3FAC]  }
0x30: {  	s3 =	sld [smem:$0x3FAF]  }
0x31: {  	[smem:$0x3FB8] =	sst s10  }
0x32: {  	s10 =	sld [smem:$0x3FB6];
	_ =	sdelay $0x3  }
0x33: {  	p0 =	seq.s32 s10, $0x1;
	s10 =	sld [smem:$0x3FB8];
	_ =	sdelay $0x3  }
0x34: {  	[smem:$0x3FB8] =	sst s10  }
0x35: {  	s10 =	sld [smem:$0x3FB7];
	_ =	sdelay $0x3  }
0x36: {  	p1 =	seq.s32 s10, $0x1;
	s10 =	sld [smem:$0x3FB8];
	_ =	sdelay $0x3  }
0x37: {  	[smem:$0x3FB8] =	sst s10  }
0x38: {  	s10 =	sld [smem:$0x3FB9]  }
0x39: {  	_ = 	snop;
	(pc) =	sbr.ind lr, $3  }
0x3a: {  	_ = 	snop  }
0x3b: {  	_ = 	snop  }
0x3c: {  	p2 =	seq.s32 s10, $0x1;
	s10 =	sld [smem:$0x3FB8]  }
0x3d: {  	_ =	shalt  }
0x3e: {  	_ =	shalt  }
0x3f: {  	_ =	shalt  }
0x40: {  	_ =	shalt  }
0x41: {  	_ =	shalt  }
0x42: {  	_ =	shalt  }
0x43: {  	_ =	shalt  }
0x44: {  	_ =	shalt  }
0x45: {  	_ =	shalt  }
0x46: {  	_ =	shalt  }
0x47: {  	_ =	shalt  }
0x48: {  	_ =	shalt  }
0x49: {  	_ =	shalt  }
0x4a: {  	_ =	shalt  }
0x4b: {  	_ =	shalt  }
0x4c: {  	_ =	shalt  }
0x4d: {  	_ =	shalt  }
0x4e: {  	_ =	shalt  }
0x4f: {  	_ =	shalt  }
0x50: {  	_ =	shalt  }
0x51: {  	_ =	shalt  }
0x52: {  	_ =	shalt  }
0x53: {  	_ =	shalt  }
0x54: {  	_ =	shalt  }
0x55: {  	_ =	shalt  }
0x56: {  	_ =	shalt  }
0x57: {  	_ =	shalt  }
0x58: {  	_ =	shalt  }
0x59: {  	_ =	shalt  }
0x5a: {  	_ =	shalt  }
0x5b: {  	_ =	shalt  }
0x5c: {  	_ =	shalt  }
0x5d: {  	_ =	shalt  }
0x5e: {  	_ =	shalt  }
0x5f: {  	_ =	shalt  }
0x60: {  	_ =	shalt  }
0x61: {  	_ =	shalt  }
0x62: {  	_ =	shalt  }
0x63: {  	_ =	shalt  }
0x64: {  	_ =	shalt  }
0x65: {  	_ =	shalt  }
0x66: {  	_ =	shalt  }
0x67: {  	_ =	shalt  }
0x68: {  	_ =	shalt  }
0x69: {  	_ =	shalt  }
0x6a: {  	_ =	shalt  }
0x6b: {  	_ =	shalt  }
0x6c: {  	_ =	shalt  }
0x6d: {  	_ =	shalt  }
0x6e: {  	_ =	shalt  }
0x6f: {  	_ =	shalt  }
0x70: {  	_ =	shalt  }
0x71: {  	_ =	shalt  }
0x72: {  	_ =	shalt  }
0x73: {  	_ =	shalt  }
0x74: {  	_ =	shalt  }
0x75: {  	_ =	shalt  }
0x76: {  	_ =	shalt  }
0x77: {  	_ =	shalt  }
0x78: {  	_ =	shalt  }
0x79: {  	_ =	shalt  }
0x7a: {  	_ =	shalt  }
0x7b: {  	_ =	shalt  }
0x7c: {  	_ =	shalt  }
0x7d: {  	_ =	shalt  }
0x7e: {  	_ =	shalt  }
0x7f: {  	_ =	shalt  }
0x80: {  	_ =	shalt  }
0x81: {  	_ =	shalt  }
0x82: {  	_ =	shalt  }
0x83: {  	_ =	shalt  }
0x84: {  	_ =	shalt  }
0x85: {  	_ =	shalt  }
0x86: {  	_ =	shalt  }
0x87: {  	_ =	shalt  }
.Lfunc_end0:
.L_simem_size_0:
called_computation.2_lowered:
.L_overlay_start_0:
0x88: {  	s2 =	sld [smem:$0x3FD9]  }
0x89: {  	s3 =	sld [smem:$0x3FFE];
	_ =	sdelay $0x1  }
0x8a: {  	s1 =	srdreg.scid  }
0x8b: {  	s0 =	sand.u32 $0x1, s1  }
0x8c: {  	s17 =	sshll.u32 s0, $0xA;
	s2 =	sadd.s32 s3, s2  }
0x8d: {  	s2 =	sadd.s32 s2, s17  }
0x8e: {  	[smem:$0x3FC4] =	sst s2  }
0x8f: {  	_ = 	snop  }
0x90: {  	s2 =	sld [smem:$0x3FD0];
	(tm) =	ssettm $0x1  }
0x91: {  	s18 =	sld [smem:$0x3FFB];
	_ =	sdelay $0x3  }
0x92: {  	_ =	strace s18  }
0x93: {  	s3 =	sld [smem:$0x3FFC];
	_ =	sdelay $0x3  }
0x94: {  	_ =	strace s3  }
0x95: {  	s3 =	sld [smem:$0x3FFD];
	_ =	sdelay $0x3  }
0x96: {  	_ =	strace s3  }
0x97: {  	_ =	strace $0x8FFFFFFF  }
0x98: {  	s19 =	sld [smem:$0x3FDB];
	_ =	sdelay $0x1  }
0x99: {  	s4 =	simm.s32 $_scs_section_size  }
0x9a: {  	s5 =	simm.s32 $_size__tile_overlayer_lowered;
	s6 =	simm.s32 $_tile_overlayer_lowered  }
0x9b: {  	s22 =	simm.s32 $0x1BFF;
	s21 =	sshll.u32 s6, $0x1;
	s3 =	sadd.s32 s4, s19  }
0x9c: {  	s7 =	simm.s32 $0x0;
	s20 =	sshll.u32 s5, $0x1;
	s5 =	sadd.s32 s21, s3  }
0x9d: {  	[timem:s7], [sflag:s22] =	dma.local [hbm:s5], s20  }
0x9e: {  	_ =	swait.ge [sflag:s22], s20  }
0x9f: {  	s4 =	ssub.s32 $0x0, s20;
	[sflag:s22] =	ssyncset.done $0x0  }
0xa0: {  	[sflag:s22] =	ssyncadd.s32 s4;
	_ =	sdelay $0x1  }
0xa1: {  	s23 =	simm.s32 $0x1B8B  }
0xa2: {  	_ =	swait.ge [sflag:s23], $0x1  }
0xa3: {  	[sflag:s23] =	ssyncset.done $0x0  }
0xa4: {  	s25 =	simm.s32 $0x1B8E;
	s24 =	sld [smem:$0x3FFE];
	[sflag:s23] =	ssyncadd.s32 $0xFFFFFFFF  }
0xa5: {  	s26 =	simm.s32 $execute0_lowered;
	[smem:$0x3FD2] =	sst s25  }
0xa6: {  	s5 =	sshll.u32 s26, $0x1;
	_ =	strace $0x8000004C;
	[dreg:$0x1] =	wrdreg $0xFFFFFFFF  }
0xa7: {  	s28 =	simm.s32 $_size_execute0_lowered;
	s3 =	sadd.s32 s3, s5;
	[dreg:$0x0] =	wrdreg $0x0  }
0xa8: {  	s5 =	sshll.u32 s28, $0x1;
	[dreg:$0x2] =	wrdreg s3  }
0xa9: {  	[dreg:$0x3] =	wrdreg s5  }
0xaa: {  	[dreg:$0x4] =	wrdreg $0xC0  }
0xab: {  	_ =	task [dreg:s7], $0x5FFFF  }
0xac: {  	[dreg:$0x1] =	wrdreg $0xFFFFFFFF  }
0xad: {  	[dreg:$0x0] =	wrdreg $0x60  }
0xae: {  	[dreg:$0x2] =	wrdreg s24  }
0xaf: {  	[dreg:$0x3] =	wrdreg s2  }
0xb0: {  	[dreg:$0x4] =	wrdreg $0xECA00  }
0xb1: {  	[dreg:$0x5] =	wrdreg $0x9  }
0xb2: {  	_ =	task.clear_ibuf [dreg:s7], $0x6FFFF;
	_ =	strace $0x9000004C  }
0xb3: {  	s29 =	simm.s32 $0x9;
	_ =	strace $0x8000004E  }
0xb4: {  	_ =	swait.ge [sflag:s29], $0x1  }
0xb5: {  	[sflag:s29] =	ssyncadd.s32 $0xFFFFFFFF  }
0xb6: {  	_ =	strace $0x9000004E  }
0xb7: {  	_ =	sfence  }
0xb8: {  	s30 =	sld [smem:$0x0];
	_ =	sdelay $0x2  }
0xb9: {  	s31 =	sshll.u32 s1, $0xD;
	s1 =	sshrl.u32 s1, $0x2  }
0xba: {  	s3 =	sand.u32 $0x4000, s31;
	s1 =	sadd.s32 s1, s30  }
0xbb: {  	s0 =	sor.u32 s3, s0;
	s1 =	sshll.u32 s1, $0x11  }
0xbc: {  	s0 =	sor.u32 s1, s0  }
0xbd: {  	s0 =	sadd.s32 $0x8F2B, s0  }
0xbe: {  	[sflag:s0] =	ssyncadd.remote.s32 $0x1  }
0xbf: {  	_ =	sfence.sel $0xFFFF  }
0xc0: {  	[dreg:$0x0] =	wrdreg $0xFFFFFFFF;
	(pc) =	sbr.abs _section_cstart, $3  }
0xc1: {  	[dreg:$0x1] =	wrdreg $0xFFFFFFFF  }
0xc2: {  	_ =	task.clear_ibuf [dreg:s7], $0x2FFFF;
	_ =	strace $0x9FFFFFFF  }
0xc3: {  	(tm) =	ssettm $0x7FFFFFFF  }
tec
execute0_lowered:
.L_overlay_start_1:
0x0: {  	(tag) =	ssettag $0x1  }
0x1: {  	s0 =	rddreg [dreg:$0x0]  }
0x2: {  	s1 =	rddreg [dreg:$0x1]  }
0x3: {  	s2 =	rddreg [dreg:$0x2]  }
0x4: {  	s16 =	stileid.u32;
	s4 =	srdreg.scid  }
0x5: {  	s3 =	simm.s32 $0x0;
	s14 =	simm.s32 $0xDD00;
	s15 =	simm.s32 $0x5  }
0x6: {  	s17 =	simm.s32 $0x80;
	s18 =	simm.s32 $0x9D00;
	s19 =	simm.s32 $0xAD00  }
0x7: {  	s21 =	simm.s32 $0xBD00;
	s28 =	simm.s32 $0x4;
	s30 =	simm.s32 $0x9B00  }
0x8: {  	s31 =	simm.s32 $0x9B80;
	s5 =	smul.u32 $0x9C, s16;
	s4 =	sand.u32 $0x1, s4  }
0x9: {  	s6 =	smax.u32 s16, $0xC;
	[smem:$0x7FF] =	sst s3;
	s23 =	smul.u32 $0x4E20, s16  }
0xa: {  	s24 =	smul.u32 $0x13880, s16;
	p0 =	slt.u32 s16, $0xC;
	s16 =	simm.s32 $0x0  }
0xb: {  	s7 =	smul.u32 $0x4E200, s4;
	_ =	strace $0x8000004D;
	s25 =	ssub.s32 $0x2, s4  }
0xc: {  	s5 =	sadd.s32 s5, s6;
	s26 =	sshrl.u32 s24, $0x2;
	s29 =	sshrl.u32 s25, $0x1  }
0xd: {  	s24 =	simm.s32 $0x1;
	s5 =	sshll.u32 s5, $0x4;
	s8 =	sshrl.u32 s7, $0x3  }
0xe: {  	s6 =	sadd.s32 s23, s7;
	s4 =	sadd.s32 s26, s2;
	s13 =	ssub.s32 s25, s29  }
0xf: {  	s23 =	simm.s32 $0xCD00;
	s25 =	simm.s32 $0x2;
	s26 =	simm.s32 $0x3  }
0x10: {  	s9 =	sadd.s32 $0xFFFFFF40, s5;
	s11 =	sadd.s32 s8, s0;
	s6 =	sshrl.u32 s6, $0x3  }
0x11: {  	s5 =	sadd.s32 $0xFA0, s4;
	s7 =	sadd.s32 $0x2EE0, s4;
	s8 =	sadd.s32 $0x3E80, s4  }
0x12: {  	s13 =	smax.u32 s13, $0x1;
	s10 =	sadd.s32 s9, s0;
	s0 =	sadd.s32 s6, s0  }
0x13: {  	s6 =	sadd.s32 $0x1F40, s4;
	s9 =	sadd.s32 s1, s9;
	s11 =	sadd.s32 $0x81200, s11  }
0x14: {  	v0 =	vimm.f32 $0.0e+00;
	s10 =	sadd.s32 $0x2000, s10;
	s12 =	sadd.s32 $0x94C00, s0;
	s0 =	simm.s32 $0x9C00  }
.LBB2_1:
0x15: {  	s1 =	sand.u32 $0x3F80, s3  }
0x16: {  	s22 =	sand.u32 $0x10, s3;
	s1 =	sshrl.u32 s1, $0x2  }
0x17: {  	s20 =	simm.s32 $0x40;
	s1 =	sor.u32 s22, s1;
	s22 =	simm.s32 $0x0  }
.LBB2_2:
0x18: {  	p1 =	sne.s32 s20, $0x3E40  }
0x19: {  	[tilespmem:s1+$0xDD00] =	vst v0;
	s22 =	sadd.s32 $0x10, s22;
	s1 =	smov.u32 s20;
	s20 =	sadd.s32 $0x40, s20  }
.Ltmp0:
0x1a: {  	(pc) =	sbr.rel @p1 .LBB2_2-.Ltmp0, $4  }
0x1b: {  	_ = 	snop  }
0x1c: {  	s1 =	sand.u32 $0x3F80, s1  }
0x1d: {  	s29 =	sand.u32 $0x10, s22;
	s1 =	sshrl.u32 s1, $0x2  }
0x1e: {  	s1 =	sor.u32 s29, s1  }
0x1f: {  	[tilespmem:s1+$0xDD00] =	vst v0  }
0x20: {  	[spmem:s4] =	stream.linear.scatter [tilespmem:s14], [sflag:$0x5], $0xFA0, $0x38;
	[tilespmem:$0x13AC0] =	vst v63  }
0x21: {  	_ =	swait.ge [sflag:s15], $0xFA0  }
0x22: {  	[sflag:s15] =	ssyncset.done $0x0  }
0x23: {  	[sflag:s15] =	ssyncadd.s32 $0xFFFFF060  }
0x24: {  	[spmem:s5] =	stream.linear.scatter [tilespmem:s14], [sflag:$0x5], $0xFA0, $0x38;
	[tilespmem:$0x13AC0] =	vst v63  }
0x25: {  	_ =	swait.ge [sflag:s15], $0xFA0  }
0x26: {  	[sflag:s15] =	ssyncset.done $0x0  }
0x27: {  	[sflag:s15] =	ssyncadd.s32 $0xFFFFF060  }
0x28: {  	[spmem:s6] =	stream.linear.scatter [tilespmem:s14], [sflag:$0x5], $0xFA0, $0x38;
	[tilespmem:$0x13AC0] =	vst v63  }
0x29: {  	_ =	swait.ge [sflag:s15], $0xFA0  }
0x2a: {  	[sflag:s15] =	ssyncset.done $0x0  }
0x2b: {  	[sflag:s15] =	ssyncadd.s32 $0xFFFFF060  }
0x2c: {  	[spmem:s7] =	stream.linear.scatter [tilespmem:s14], [sflag:$0x5], $0xFA0, $0x38;
	[tilespmem:$0x13AC0] =	vst v63  }
0x2d: {  	_ =	swait.ge [sflag:s15], $0xFA0  }
0x2e: {  	[sflag:s15] =	ssyncset.done $0x0  }
0x2f: {  	[sflag:s15] =	ssyncadd.s32 $0xFFFFF060  }
0x30: {  	[spmem:s8] =	stream.linear.scatter [tilespmem:s14], [sflag:$0x5], $0xFA0, $0x38;
	[tilespmem:$0x13AC0] =	vst v63  }
0x31: {  	_ =	swait.ge [sflag:s15], $0xFA0  }
0x32: {  	[sflag:s15] =	ssyncset.done $0x0  }
0x33: {  	s29 =	simm.s32 $0x0;
	[sflag:s15] =	ssyncadd.s32 $0xFFFFF060  }
0x34: {  	[tilespmem:s29], [sflag:$0x5] =	stream.linear.gather [hbm4b:s9+s29], $0x4E80, $0x38;
	[tilespmem:$0x13AC0] =	vst v63  }
0x35: {  	_ =	swait.ge [sflag:s15], $0x4E80  }
0x36: {  	[sflag:s15] =	ssyncset.done $0x0  }
0x37: {  	s20 =	simm.s32 $0x4E80;
	[sflag:s15] =	ssyncadd.s32 $0xFFFFB180  }
0x38: {  	[tilespmem:s20], [sflag:$0x5] =	stream.linear.gather [hbm4b:s10+s29], $0x4E80, $0x38;
	[tilespmem:$0x13AC0] =	vst v63  }
0x39: {  	_ =	swait.ge [sflag:s15], $0x4E80  }
0x3a: {  	[sflag:s15] =	ssyncset.done $0x0  }
0x3b: {  	[sflag:s15] =	ssyncadd.s32 $0xFFFFB180  }
0x3c: {  	[bflag:$0x0] =	sbarrier.arrive $0xFFFF  }
0x3d: {  	[tilespmem:s18], [sflag:$0x1] =	stream.indirect.gather [hbm4b:s11+s17], $0x20, s29, s17, $0xb8;
	[tilespmem:$0x13AC0] =	vst v63  }
0x3e: {  	_ = 	snop  }
0x3f: {  	[tilespmem:s19], [sflag:$0x2] =	stream.indirect.gather [hbm4b:s11+s17], $0x20, s17, s17, $0xb8;
	[tilespmem:$0x13AC0] =	vst v63  }
0x40: {  	s20 =	simm.s32 $0x100  }
0x41: {  	[tilespmem:s21], [sflag:$0x3] =	stream.indirect.gather [hbm4b:s11+s17], $0x20, s20, s17, $0xb8;
	[tilespmem:$0x13AC0] =	vst v63  }
0x42: {  	s22 =	simm.s32 $0x180  }
0x43: {  	[tilespmem:s23], [sflag:$0x4] =	stream.indirect.gather [hbm4b:s11+s17], $0x20, s22, s17, $0xb8;
	[tilespmem:$0x13AC0] =	vst v63  }
0x44: {  	_ =	swait.ge [sflag:s24], $0x1000  }
0x45: {  	[sflag:s24] =	ssyncset.done $0x0  }
0x46: {  	s29 =	simm.s32 $0x4E80;
	[sflag:s24] =	ssyncadd.s32 $0xFFFFF000  }
0x47: {  	[spmem:s2] =	stream.indirect.scatter.add.f32 [tilespmem:s18], [sflag:$0x5], $0x20, s29, s17, $0xb8;
	[tilespmem:$0x13AC0] =	vst v63  }
0x48: {  	_ =	swait.ge [sflag:s15], $0x1000  }
0x49: {  	[sflag:s15] =	ssyncset.done $0x0  }
0x4a: {  	s20 =	simm.s32 $0x200;
	[sflag:s15] =	ssyncadd.s32 $0xFFFFF000  }
0x4b: {  	[tilespmem:s18], [sflag:$0x1] =	stream.indirect.gather [hbm4b:s11+s17], $0x20, s20, s17, $0xb8;
	[tilespmem:$0x13AC0] =	vst v63  }
0x4c: {  	_ =	swait.ge [sflag:s25], $0x1000  }
0x4d: {  	[sflag:s25] =	ssyncset.done $0x0  }
0x4e: {  	s22 =	simm.s32 $0x4F00;
	[sflag:s25] =	ssyncadd.s32 $0xFFFFF000  }
0x4f: {  	[spmem:s2] =	stream.indirect.scatter.add.f32 [tilespmem:s19], [sflag:$0x5], $0x20, s22, s17, $0xb8;
	[tilespmem:$0x13AC0] =	vst v63  }
0x50: {  	_ =	swait.ge [sflag:s15], $0x1000  }
0x51: {  	[sflag:s15] =	ssyncset.done $0x0  }
0x52: {  	s29 =	simm.s32 $0x280;
	[sflag:s15] =	ssyncadd.s32 $0xFFFFF000  }
0x53: {  	[tilespmem:s19], [sflag:$0x2] =	stream.indirect.gather [hbm4b:s11+s17], $0x20, s29, s17, $0xb8;
	[tilespmem:$0x13AC0] =	vst v63  }
0x54: {  	_ =	swait.ge [sflag:s26], $0x1000  }
0x55: {  	[sflag:s26] =	ssyncset.done $0x0  }
0x56: {  	s20 =	simm.s32 $0x4F80;
	[sflag:s26] =	ssyncadd.s32 $0xFFFFF000  }
0x57: {  	[spmem:s2] =	stream.indirect.scatter.add.f32 [tilespmem:s21], [sflag:$0x5], $0x20, s20, s17, $0xb8;
	[tilespmem:$0x13AC0] =	vst v63  }
0x58: {  	_ =	swait.ge [sflag:s15], $0x1000  }
0x59: {  	[sflag:s15] =	ssyncset.done $0x0  }
0x5a: {  	s22 =	simm.s32 $0x300;
	[sflag:s15] =	ssyncadd.s32 $0xFFFFF000  }
0x5b: {  	[tilespmem:s21], [sflag:$0x3] =	stream.indirect.gather [hbm4b:s11+s17], $0x20, s22, s17, $0xb8;
	[tilespmem:$0x13AC0] =	vst v63  }
0x5c: {  	_ =	swait.ge [sflag:s28], $0x1000  }
0x5d: {  	[sflag:s28] =	ssyncset.done $0x0  }
0x5e: {  	s29 =	simm.s32 $0x5000;
	[sflag:s28] =	ssyncadd.s32 $0xFFFFF000  }
0x5f: {  	[spmem:s2] =	stream.indirect.scatter.add.f32 [tilespmem:s23], [sflag:$0x5], $0x20, s29, s17, $0xb8;
	[tilespmem:$0x13AC0] =	vst v63  }
0x60: {  	_ =	swait.ge [sflag:s15], $0x1000  }
0x61: {  	[sflag:s15] =	ssyncset.done $0x0  }
0x62: {  	s1 =	simm.s32 $0x380;
	s20 =	simm.s32 $0x800;
	[sflag:s15] =	ssyncadd.s32 $0xFFFFF000  }
.LBB2_4:
0x63: {  	[tilespmem:s23], [sflag:$0x4] =	stream.indirect.gather [hbm4b:s11+s17], $0x20, s1, s17, $0xb8;
	[tilespmem:$0x13AC0] =	vst v63  }
0x64: {  	s1 =	smov.u32 s20  }
0x65: {  	p1 =	sne.s32 s20, $0x12800;
	s20 =	sadd.s32 $0x800, s20;
	_ =	swait.ge [sflag:s24], $0x1000  }
0x66: {  	s22 =	sshra.s32 s1, $0x2;
	[sflag:s24] =	ssyncset.done $0x0  }
0x67: {  	s1 =	sadd.s32 $0x4E80, s22;
	[sflag:s24] =	ssyncadd.s32 $0xFFFFF000  }
0x68: {  	[spmem:s2] =	stream.indirect.scatter.add.f32 [tilespmem:s18], [sflag:$0x5], $0x20, s1, s17, $0xb8;
	[tilespmem:$0x13AC0] =	vst v63  }
0x69: {  	_ =	swait.ge [sflag:s15], $0x1000  }
0x6a: {  	[sflag:s15] =	ssyncset.done $0x0  }
0x6b: {  	s1 =	sadd.s32 $0x200, s22;
	[sflag:s15] =	ssyncadd.s32 $0xFFFFF000  }
0x6c: {  	[tilespmem:s18], [sflag:$0x1] =	stream.indirect.gather [hbm4b:s11+s17], $0x20, s1, s17, $0xb8;
	[tilespmem:$0x13AC0] =	vst v63  }
0x6d: {  	_ =	swait.ge [sflag:s25], $0x1000  }
0x6e: {  	[sflag:s25] =	ssyncset.done $0x0  }
0x6f: {  	s1 =	sadd.s32 $0x4F00, s22;
	[sflag:s25] =	ssyncadd.s32 $0xFFFFF000  }
0x70: {  	[spmem:s2] =	stream.indirect.scatter.add.f32 [tilespmem:s19], [sflag:$0x5], $0x20, s1, s17, $0xb8;
	[tilespmem:$0x13AC0] =	vst v63  }
0x71: {  	_ =	swait.ge [sflag:s15], $0x1000  }
0x72: {  	[sflag:s15] =	ssyncset.done $0x0  }
0x73: {  	s1 =	sadd.s32 $0x280, s22;
	[sflag:s15] =	ssyncadd.s32 $0xFFFFF000  }
0x74: {  	[tilespmem:s19], [sflag:$0x2] =	stream.indirect.gather [hbm4b:s11+s17], $0x20, s1, s17, $0xb8;
	[tilespmem:$0x13AC0] =	vst v63  }
0x75: {  	_ =	swait.ge [sflag:s26], $0x1000  }
0x76: {  	[sflag:s26] =	ssyncset.done $0x0  }
0x77: {  	s1 =	sadd.s32 $0x4F80, s22;
	[sflag:s26] =	ssyncadd.s32 $0xFFFFF000  }
0x78: {  	[spmem:s2] =	stream.indirect.scatter.add.f32 [tilespmem:s21], [sflag:$0x5], $0x20, s1, s17, $0xb8;
	[tilespmem:$0x13AC0] =	vst v63  }
0x79: {  	_ =	swait.ge [sflag:s15], $0x1000  }
0x7a: {  	[sflag:s15] =	ssyncset.done $0x0  }
0x7b: {  	s1 =	sadd.s32 $0x300, s22;
	[sflag:s15] =	ssyncadd.s32 $0xFFFFF000  }
0x7c: {  	[tilespmem:s21], [sflag:$0x3] =	stream.indirect.gather [hbm4b:s11+s17], $0x20, s1, s17, $0xb8;
	[tilespmem:$0x13AC0] =	vst v63  }
0x7d: {  	_ =	swait.ge [sflag:s28], $0x1000  }
0x7e: {  	[sflag:s28] =	ssyncset.done $0x0  }
.Ltmp1:
0x7f: {  	s1 =	sadd.s32 $0x5000, s22;
	[sflag:s28] =	ssyncadd.s32 $0xFFFFF000;
	(pc) =	sbr.rel @p1 .LBB2_4-.Ltmp1, $4  }
0x80: {  	[spmem:s2] =	stream.indirect.scatter.add.f32 [tilespmem:s23], [sflag:$0x5], $0x20, s1, s17, $0xb8;
	[tilespmem:$0x13AC0] =	vst v63  }
0x81: {  	_ =	swait.ge [sflag:s15], $0x1000  }
0x82: {  	[sflag:s15] =	ssyncset.done $0x0  }
0x83: {  	s1 =	sadd.s32 $0x380, s22;
	[sflag:s15] =	ssyncadd.s32 $0xFFFFF000  }
0x84: {  	[tilespmem:s23], [sflag:$0x4] =	stream.indirect.gather [hbm4b:s11+s17], $0x20, s1, s17, $0xb8;
	[tilespmem:$0x13AC0] =	vst v63  }
0x85: {  	_ =	swait.ge [sflag:s24], $0x1000  }
0x86: {  	[sflag:s24] =	ssyncset.done $0x0  }
0x87: {  	s20 =	simm.s32 $0x9A80;
	[sflag:s24] =	ssyncadd.s32 $0xFFFFF000  }
0x88: {  	[spmem:s2] =	stream.indirect.scatter.add.f32 [tilespmem:s18], [sflag:$0x5], $0x20, s20, s17, $0xb8;
	[tilespmem:$0x13AC0] =	vst v63  }
0x89: {  	_ =	swait.ge [sflag:s15], $0x1000  }
0x8a: {  	s1 =	simm.s32 @!p0 $0x80;
	[sflag:s15] =	ssyncset.done $0x0  }
0x8b: {  	s22 =	simm.s32 @!p0 $0x9D00;
	s20 =	simm.s32 @!p0 $0x4E00;
	[sflag:s15] =	ssyncadd.s32 $0xFFFFF000  }
0x8c: {  	[tilespmem:s22], [sflag:$0x1] =	stream.indirect.gather @!p0 [hbm4b:s11+s1], $0x20, s20, s1, $0xb8;
	[tilespmem:$0x13AC0] =	vst v63  }
0x8d: {  	_ =	swait.ge [sflag:s25], $0x1000  }
0x8e: {  	[sflag:s25] =	ssyncset.done $0x0  }
0x8f: {  	[sflag:s25] =	ssyncadd.s32 $0xFFFFF000  }
0x90: {  	[spmem:s2] =	stream.indirect.scatter.add.f32 [tilespmem:s19], [sflag:$0x5], $0x20, s30, s17, $0xb8;
	[tilespmem:$0x13AC0] =	vst v63  }
0x91: {  	_ =	swait.ge [sflag:s15], $0x1000  }
0x92: {  	[sflag:s15] =	ssyncset.done $0x0  }
0x93: {  	[sflag:s15] =	ssyncadd.s32 $0xFFFFF000  }
0x94: {  	_ =	swait.ge [sflag:s26], $0x1000  }
0x95: {  	[sflag:s26] =	ssyncset.done $0x0  }
0x96: {  	[sflag:s26] =	ssyncadd.s32 $0xFFFFF000  }
0x97: {  	[spmem:s2] =	stream.indirect.scatter.add.f32 [tilespmem:s21], [sflag:$0x5], $0x20, s31, s17, $0xb8;
	[tilespmem:$0x13AC0] =	vst v63  }
0x98: {  	_ =	swait.ge [sflag:s15], $0x1000  }
0x99: {  	[sflag:s15] =	ssyncset.done $0x0  }
0x9a: {  	[sflag:s15] =	ssyncadd.s32 $0xFFFFF000  }
0x9b: {  	_ =	swait.ge [sflag:s28], $0x1000  }
0x9c: {  	[sflag:s28] =	ssyncset.done $0x0  }
0x9d: {  	[sflag:s28] =	ssyncadd.s32 $0xFFFFF000  }
0x9e: {  	[spmem:s2] =	stream.indirect.scatter.add.f32 [tilespmem:s23], [sflag:$0x5], $0x20, s0, s17, $0xb8;
	[tilespmem:$0x13AC0] =	vst v63  }
0x9f: {  	_ =	swait.ge [sflag:s15], $0x1000  }
0xa0: {  	[sflag:s15] =	ssyncset.done $0x0  }
0xa1: {  	s20 =	simm.s32 @!p0 $0x1;
	[sflag:s15] =	ssyncadd.s32 $0xFFFFF000  }
0xa2: {  	_ =	swait.ge @!p0 [sflag:s20], $0x1000  }
0xa3: {  	[sflag:s20] =	ssyncset.done @!p0 $0x0  }
0xa4: {  	[sflag:s20] =	ssyncadd.s32 @!p0 $0xFFFFF000;
	s20 =	simm.s32 @!p0 $0x9C80  }
0xa5: {  	[spmem:s2] =	stream.indirect.scatter.add.f32 @!p0 [tilespmem:s22], [sflag:$0x5], $0x20, s20, s1, $0xb8;
	[tilespmem:$0x13AC0] =	vst v63  }
0xa6: {  	s1 =	simm.s32 @!p0 $0x5  }
0xa7: {  	s29 =	sshrl.u32 s4, $0x3;
	_ =	swait.ge @!p0 [sflag:s1], $0x1000  }
0xa8: {  	s16 =	sadd.s32 $0x1, s16;
	s22 =	stileid.u32;
	[sflag:s1] =	ssyncset.done @!p0 $0x0  }
0xa9: {  	p1 =	sne.s32 s16, s13;
	[sflag:s1] =	ssyncadd.s32 @!p0 $0xFFFFF000;
	s1 =	sshll.u32 s22, $0x6  }
.Ltmp2:
0xaa: {  	[bflag:$0x0] =	sbarrier.arrive $0xFFFF;
	s1 =	sor.u32 $0x1C05, s1;
	(pc) =	sbr.rel @p1 .LBB2_1-.Ltmp2, $4  }
0xab: {  	[hbm:s12], [sflag:s1] =	dma.local [spmem:s29], $0x9C4  }
0xac: {  	_ =	swait.ge [sflag:s15], $0x9C4  }
0xad: {  	[sflag:s15] =	ssyncset.done $0x0  }
0xae: {  	[sflag:s15] =	ssyncadd.s32 $0xFFFFF63C  }
0xaf: {  	_ =	sfence.sel $0x180000  }
0xb0: {  	[bflag:$0x0] =	sbarrier.arrive $0xFFFF  }
0xb1: {  	_ =	strace $0x9000004D  }
0xb2: {  	s0 =	stileid.u32;
	[bflag:$0x2] =	sbarrier.arrive $0xFFFF  }
0xb3: {  	p0 =	sne.s32 s0, $0x0;
	s0 =	rddreg [dreg:$0x3]  }
0xb4: {  	s0 =	sadd.s32 @!p0 $0x100000, s0  }
0xb5: {  	[sflag:s0] =	ssyncadd.tile.s32 @!p0 $0x1;
	_ =	shalt  }
.Lfunc_end2:
_tile_overlayer_lowered:
.L_overlay_start_2:
0xb6: {  	(tag) =	ssettag $0x2  }
0xb7: {  	s0 =	rddreg [dreg:$0x0];
	s2 =	stileid.u32  }
0xb8: {  	s1 =	rddreg [dreg:$0x1];
	p0 =	sne.s32 s2, $0x0  }
0xb9: {  	s3 =	rddreg [dreg:$0x2];
	[bflag:$0x3] =	sbarrier.arrive $0xFFFF;
	s2 =	simm.s32 @!p0 $0x1C05  }
0xba: {  	[timem:s3], [sflag:s2] =	dma.local @!p0 [hbm:s0], s1  }
0xbb: {  	s0 =	simm.s32 @!p0 $0x5  }
0xbc: {  	_ =	swait.ge @!p0 [sflag:s0], s1  }
0xbd: {  	s1 =	ssub.s32 @!p0 $0x0, s1;
	[sflag:s0] =	ssyncset.done @!p0 $0x0  }
0xbe: {  	[sflag:s0] =	ssyncadd.s32 @!p0 s1  }
0xbf: {  	[bflag:$0x3] =	sbarrier.arrive $0xFFFF  }
0xc0: {  	_ =	shalt  }

// kernel: kernel.8.cloned.1.call-start
scs
__scs_entry_jumppad:
0x0: {  	(pc) =	sbr.rel $0x88, $3  }
0x1: {  	(tag) =	ssettag $0x0;
	lr =	simm.s32 $0x1  }
0x2: {  	[smem:$0x3F9D] =	sst lr;
	_ =	strace $0xD0000000  }
0x3: {  	_ = 	snop  }
0x4: {  	_ = 	snop  }
0x5: {  	_ = 	snop  }
0x6: {  	_ = 	snop  }
0x7: {  	_ = 	snop  }
__scs_overlays_trampoline_lowered:
0x8: {  	[smem:$0x3FAC] =	sst s0  }
0x9: {  	[smem:$0x3FAD] =	sst s1  }
0xa: {  	[smem:$0x3FAE] =	sst s2  }
0xb: {  	[smem:$0x3FAF] =	sst s3  }
0xc: {  	[smem:$0x3FB0] =	sst s4  }
0xd: {  	[smem:$0x3FB1] =	sst s5  }
0xe: {  	[smem:$0x3FB2] =	sst s6  }
0xf: {  	[smem:$0x3FB3] =	sst s7  }
0x10: {  	[smem:$0x3FB4] =	sst s8  }
0x11: {  	[smem:$0x3FB5] =	sst s9;
	s0 =	simm.s32 @!p0 $0x0  }
0x12: {  	s1 =	sld [smem:$0x3F9B];
	s0 =	simm.s32 @p0 $0x1  }
0x13: {  	[smem:$0x3FB6] =	sst s0;
	s0 =	simm.s32 @!p1 $0x0  }
0x14: {  	s2 =	sld [smem:$0x3F9A];
	s0 =	simm.s32 @p1 $0x1  }
0x15: {  	[smem:$0x3FB7] =	sst s0;
	s0 =	simm.s32 @!p2 $0x0  }
0x16: {  	s3 =	sld [smem:$0x3FDB];
	s0 =	simm.s32 @p2 $0x1  }
0x17: {  	s4 =	simm.s32 $0x1BF5;
	[smem:$0x3FB9] =	sst s0  }
0x18: {  	s0 =	sld [smem:$0x3F9C];
	_ =	swait.ge [sflag:s4], $0x0  }
0x19: {  	s7 =	sld [smem:$0x3F9D]  }
0x1a: {  	s8 =	sadd.s32 $0xFFFFE003, lr  }
0x1b: {  	s9 =	sadd.s32 $0xFFFFFEF7, lr;
	s5 =	simm.s32 $0xFFFFFFFF;
	p2 =	slt.u32 s8, $0xFFFFF086  }
0x1c: {  	p1 =	slt.u32 s9, $0xF7A;
	s5 =	simm.s32 @!p2 $0x0  }
0x1d: {  	s5 =	simm.s32 @p1 $0x1;
	p0 =	seq.s32 s7, s2  }
0x1e: {  	s7 =	smul.u32 @!p0 $0xF7A, s2;
	p2 =	seq.s32 @!p0 s5, $0x0  }
0x1f: {  	s9 =	smul.u32 $0xF7A, s1;
	s8 =	simm.s32 @!p0 $0x1BF5;
	p2 =	por !p2, p0  }
0x20: {  	[sflag:s8] =	ssyncset.s32 @!p0 $0xFFFFF086;
	s6 =	sadd.s32 @!p0 s3, s7;
	s7 =	simm.s32 @!p0 $0x108  }
0x21: {  	s3 =	sadd.s32 s3, s9;
	s6 =	sadd.s32 @!p0 $0x88, s6;
	s7 =	simm.s32 @p2 $0x1082  }
0x22: {  	[simem:s7], [sflag:s8] =	dma.local @!p0 [hbm:s6], $0xF7A  }
0x23: {  	s9 =	sor.u32 $0xD0000000, s2;
	s6 =	simm.s32 $0x108;
	_ =	swait.ge @!p0 [sflag:s8], $0x0  }
0x24: {  	s3 =	sadd.s32 $0x88, s3;
	s6 =	simm.s32 @!p1 $0x1082;
	[sflag:s4] =	ssyncset.s32 $0xFFFFF086  }
0x25: {  	[simem:s6], [sflag:s4] =	dma.local [hbm:s3], $0xF7A  }
0x26: {  	[smem:$0x3F9D] =	sst s1;
	(tag) =	ssettag s2;
	_ =	strace s9  }
0x27: {  	s1 =	sld [smem:$0x3FAD]  }
0x28: {  	s2 =	sld [smem:$0x3FAE]  }
0x29: {  	s4 =	sld [smem:$0x3FB0]  }
0x2a: {  	p0 =	seq.s32 s5, $0x0;
	s5 =	sld [smem:$0x3FB1]  }
0x2b: {  	s6 =	sld [smem:$0x3FB2]  }
0x2c: {  	s7 =	sld [smem:$0x3FB3]  }
0x2d: {  	s3 =	simm.s32 $0x108;
	s8 =	sld [smem:$0x3FB4]  }
0x2e: {  	s3 =	simm.s32 @!p0 $0x1082;
	s9 =	sld [smem:$0x3FB5]  }
0x2f: {  	lr =	sadd.s32 s0, s3;
	s0 =	sld [smem:$0x3FAC]  }
0x30: {  	s3 =	sld [smem:$0x3FAF]  }
0x31: {  	[smem:$0x3FB8] =	sst s10  }
0x32: {  	s10 =	sld [smem:$0x3FB6];
	_ =	sdelay $0x3  }
0x33: {  	p0 =	seq.s32 s10, $0x1;
	s10 =	sld [smem:$0x3FB8];
	_ =	sdelay $0x3  }
0x34: {  	[smem:$0x3FB8] =	sst s10  }
0x35: {  	s10 =	sld [smem:$0x3FB7];
	_ =	sdelay $0x3  }
0x36: {  	p1 =	seq.s32 s10, $0x1;
	s10 =	sld [smem:$0x3FB8];
	_ =	sdelay $0x3  }
0x37: {  	[smem:$0x3FB8] =	sst s10  }
0x38: {  	s10 =	sld [smem:$0x3FB9]  }
0x39: {  	_ = 	snop;
	(pc) =	sbr.ind lr, $3  }
0x3a: {  	_ = 	snop  }
0x3b: {  	_ = 	snop  }
0x3c: {  	p2 =	seq.s32 s10, $0x1;
	s10 =	sld [smem:$0x3FB8]  }
0x3d: {  	_ =	shalt  }
0x3e: {  	_ =	shalt  }
0x3f: {  	_ =	shalt  }
0x40: {  	_ =	shalt  }
0x41: {  	_ =	shalt  }
0x42: {  	_ =	shalt  }
0x43: {  	_ =	shalt  }
0x44: {  	_ =	shalt  }
0x45: {  	_ =	shalt  }
0x46: {  	_ =	shalt  }
0x47: {  	_ =	shalt  }
0x48: {  	_ =	shalt  }
0x49: {  	_ =	shalt  }
0x4a: {  	_ =	shalt  }
0x4b: {  	_ =	shalt  }
0x4c: {  	_ =	shalt  }
0x4d: {  	_ =	shalt  }
0x4e: {  	_ =	shalt  }
0x4f: {  	_ =	shalt  }
0x50: {  	_ =	shalt  }
0x51: {  	_ =	shalt  }
0x52: {  	_ =	shalt  }
0x53: {  	_ =	shalt  }
0x54: {  	_ =	shalt  }
0x55: {  	_ =	shalt  }
0x56: {  	_ =	shalt  }
0x57: {  	_ =	shalt  }
0x58: {  	_ =	shalt  }
0x59: {  	_ =	shalt  }
0x5a: {  	_ =	shalt  }
0x5b: {  	_ =	shalt  }
0x5c: {  	_ =	shalt  }
0x5d: {  	_ =	shalt  }
0x5e: {  	_ =	shalt  }
0x5f: {  	_ =	shalt  }
0x60: {  	_ =	shalt  }
0x61: {  	_ =	shalt  }
0x62: {  	_ =	shalt  }
0x63: {  	_ =	shalt  }
0x64: {  	_ =	shalt  }
0x65: {  	_ =	shalt  }
0x66: {  	_ =	shalt  }
0x67: {  	_ =	shalt  }
0x68: {  	_ =	shalt  }
0x69: {  	_ =	shalt  }
0x6a: {  	_ =	shalt  }
0x6b: {  	_ =	shalt  }
0x6c: {  	_ =	shalt  }
0x6d: {  	_ =	shalt  }
0x6e: {  	_ =	shalt  }
0x6f: {  	_ =	shalt  }
0x70: {  	_ =	shalt  }
0x71: {  	_ =	shalt  }
0x72: {  	_ =	shalt  }
0x73: {  	_ =	shalt  }
0x74: {  	_ =	shalt  }
0x75: {  	_ =	shalt  }
0x76: {  	_ =	shalt  }
0x77: {  	_ =	shalt  }
0x78: {  	_ =	shalt  }
0x79: {  	_ =	shalt  }
0x7a: {  	_ =	shalt  }
0x7b: {  	_ =	shalt  }
0x7c: {  	_ =	shalt  }
0x7d: {  	_ =	shalt  }
0x7e: {  	_ =	shalt  }
0x7f: {  	_ =	shalt  }
0x80: {  	_ =	shalt  }
0x81: {  	_ =	shalt  }
0x82: {  	_ =	shalt  }
0x83: {  	_ =	shalt  }
0x84: {  	_ =	shalt  }
0x85: {  	_ =	shalt  }
0x86: {  	_ =	shalt  }
0x87: {  	_ =	shalt  }
.Lfunc_end0:
.L_simem_size_0:
called_computation_lowered:
.L_overlay_start_0:
0x88: {  	s2 =	sld [smem:$0x3FD9]  }
0x89: {  	s3 =	sld [smem:$0x3FFE];
	_ =	sdelay $0x1  }
0x8a: {  	s1 =	srdreg.scid  }
0x8b: {  	s0 =	sand.u32 $0x1, s1  }
0x8c: {  	s16 =	sshll.u32 s0, $0xA;
	s2 =	sadd.s32 s3, s2  }
0x8d: {  	s2 =	sadd.s32 s2, s16  }
0x8e: {  	[smem:$0x3FC4] =	sst s2  }
0x8f: {  	_ = 	snop  }
0x90: {  	(tm) =	ssettm $0x1  }
0x91: {  	s17 =	sld [smem:$0x3FFB];
	_ =	sdelay $0x3  }
0x92: {  	_ =	strace s17  }
0x93: {  	s2 =	sld [smem:$0x3FFC];
	_ =	sdelay $0x3  }
0x94: {  	_ =	strace s2  }
0x95: {  	s2 =	sld [smem:$0x3FFD];
	_ =	sdelay $0x3  }
0x96: {  	_ =	strace s2  }
0x97: {  	_ =	strace $0x8FFFFFFF  }
0x98: {  	s18 =	sld [smem:$0x3FDB];
	_ =	sdelay $0x1  }
0x99: {  	s19 =	simm.s32 $_scs_section_size  }
0x9a: {  	s4 =	simm.s32 $_size__tile_overlayer_lowered;
	s5 =	simm.s32 $_tile_overlayer_lowered  }
0x9b: {  	s22 =	simm.s32 $0x1BFF;
	s21 =	sshll.u32 s5, $0x1;
	s2 =	sadd.s32 s19, s18  }
0x9c: {  	s6 =	simm.s32 $0x0;
	s20 =	sshll.u32 s4, $0x1;
	s4 =	sadd.s32 s21, s2  }
0x9d: {  	[timem:s6], [sflag:s22] =	dma.local [hbm:s4], s20  }
0x9e: {  	_ =	swait.ge [sflag:s22], s20  }
0x9f: {  	s3 =	ssub.s32 $0x0, s20;
	[sflag:s22] =	ssyncset.done $0x0  }
0xa0: {  	[sflag:s22] =	ssyncadd.s32 s3;
	_ =	sdelay $0x1  }
0xa1: {  	s23 =	simm.s32 $0x1B8B  }
0xa2: {  	_ =	swait.ge [sflag:s23], $0x1  }
0xa3: {  	[sflag:s23] =	ssyncset.done $0x0  }
0xa4: {  	s25 =	simm.s32 $0x1B8E;
	s24 =	sld [smem:$0x3FFE];
	[sflag:s23] =	ssyncadd.s32 $0xFFFFFFFF  }
0xa5: {  	s26 =	simm.s32 $execute0_lowered;
	[smem:$0x3FD2] =	sst s25  }
0xa6: {  	s4 =	sshll.u32 s26, $0x1;
	_ =	strace $0x80000046;
	[dreg:$0x1] =	wrdreg $0xFFFFFFFF  }
0xa7: {  	s28 =	simm.s32 $_size_execute0_lowered;
	s2 =	sadd.s32 s2, s4;
	[dreg:$0x0] =	wrdreg $0x0  }
0xa8: {  	s4 =	sshll.u32 s28, $0x1;
	[dreg:$0x2] =	wrdreg s2  }
0xa9: {  	[dreg:$0x3] =	wrdreg s4  }
0xaa: {  	[dreg:$0x4] =	wrdreg $0xC0  }
0xab: {  	_ =	task [dreg:s6], $0x5FFFF  }
0xac: {  	[dreg:$0x1] =	wrdreg $0xFFFFFFFF  }
0xad: {  	[dreg:$0x0] =	wrdreg $0x60  }
0xae: {  	[dreg:$0x2] =	wrdreg s24  }
0xaf: {  	[dreg:$0x3] =	wrdreg $0x33E00  }
0xb0: {  	[dreg:$0x4] =	wrdreg $0x9  }
0xb1: {  	_ =	task.clear_ibuf [dreg:s6], $0x5FFFF;
	_ =	strace $0x90000046  }
0xb2: {  	s29 =	simm.s32 $0x9;
	_ =	strace $0x80000048  }
0xb3: {  	_ =	swait.ge [sflag:s29], $0x1  }
0xb4: {  	[sflag:s29] =	ssyncadd.s32 $0xFFFFFFFF  }
0xb5: {  	_ =	strace $0x90000048  }
0xb6: {  	_ =	sfence  }
0xb7: {  	s30 =	sld [smem:$0x0];
	_ =	sdelay $0x2  }
0xb8: {  	s31 =	sshll.u32 s1, $0xD;
	s1 =	sshrl.u32 s1, $0x2  }
0xb9: {  	s3 =	sand.u32 $0x4000, s31;
	s1 =	sadd.s32 s1, s30  }
0xba: {  	s0 =	sor.u32 s3, s0;
	s1 =	sshll.u32 s1, $0x11  }
0xbb: {  	s0 =	sor.u32 s1, s0  }
0xbc: {  	s0 =	sadd.s32 $0x8F2B, s0  }
0xbd: {  	[sflag:s0] =	ssyncadd.remote.s32 $0x1  }
0xbe: {  	_ =	sfence.sel $0xFFFF  }
0xbf: {  	[dreg:$0x0] =	wrdreg $0xFFFFFFFF;
	(pc) =	sbr.abs _section_cstart, $3  }
0xc0: {  	[dreg:$0x1] =	wrdreg $0xFFFFFFFF  }
0xc1: {  	_ =	task.clear_ibuf [dreg:s6], $0x2FFFF;
	_ =	strace $0x9FFFFFFF  }
0xc2: {  	(tm) =	ssettm $0x7FFFFFFF  }
0xc3: {  	_ =	shalt  }
tec
execute0_lowered:
.L_overlay_start_1:
0x0: {  	(tag) =	ssettag $0x1  }
0x1: {  	s5 =	rddreg [dreg:$0x0]  }
0x2: {  	s0 =	srdreg.scid;
	s2 =	rddreg [dreg:$0x1]  }
0x3: {  	s3 =	simm.s32 $0x0;
	s13 =	simm.s32 $0x2;
	s4 =	sand.u32 $0x1, s0  }
0x4: {  	s14 =	simm.s32 $0x50;
	s0 =	stileid.u32;
	s7 =	smul.u32 $0x27100, s4  }
0x5: {  	s15 =	simm.s32 $0x2710;
	s16 =	simm.s32 $0x1;
	s8 =	smul.u32 $0x2710, s0  }
0x6: {  	[smem:$0x7FF] =	sst s3;
	s1 =	sshll.u32 s4, $0x4;
	s9 =	smul.u32 $0x9C40, s0  }
0x7: {  	s4 =	ssub.s32 $0x2, s4;
	s17 =	sshll.u32 s0, $0x6;
	s1 =	sor.u32 s0, s1  }
0x8: {  	s30 =	sshrl.u32 s4, $0x1;
	s17 =	sor.u32 $0x1C02, s17;
	s6 =	smul.u32 $0x4E2, s1  }
0x9: {  	s1 =	rddreg [dreg:$0x2];
	_ =	strace $0x80000047;
	s31 =	sshrl.u32 s9, $0x2  }
0xa: {  	s29 =	sadd.s32 s8, s7;
	s12 =	ssub.s32 s4, s30;
	s4 =	sadd.s32 s31, s2  }
0xb: {  	s10 =	sadd.s32 s6, s5;
	s6 =	sshrl.u32 s29, $0x3;
	s7 =	sadd.s32 $0x1770, s4  }
0xc: {  	s8 =	sadd.s32 $0x1F40, s4;
	s18 =	sshrl.u32 s4, $0x3;
	s11 =	sadd.s32 s6, s5  }
0xd: {  	s5 =	sadd.s32 $0x7D0, s4;
	s6 =	sadd.s32 $0xFA0, s4;
	s9 =	sadd.s32 $0x2000, s10  }
0xe: {  	v0 =	vimm.f32 $0.0e+00;
	v1 =	vimm.f32 $1.000000000e+00;
	s10 =	sadd.s32 $0xBE00, s11;
	s11 =	smax.u32 s12, $0x1;
	s12 =	simm.s32 $0x2C10  }
.LBB2_1:
0xf: {  	s19 =	simm.s32 $0x0  }
.LBB2_2:
0x10: {  	p0 =	sne.s32 s19, $0x1F00  }
.Ltmp0:
0x11: {  	_ = 	snop;
	(pc) =	sbr.rel @p0 .LBB2_2-.Ltmp0, $3  }
0x12: {  	_ =	sdelay $0x1  }
0x13: {  	s20 =	sshra.s32 s19, $0x2  }
0x14: {  	s19 =	sadd.s32 $0x40, s19;
	[tilespmem:s20+$0x2C10] =	vst v0  }
0x15: {  	s19 =	simm.s32 $0x40;
	s20 =	simm.s32 $0x0  }
.LBB2_4:
0x16: {  	p0 =	sne.s32 s19, $0x13C0;
	[tilespmem:s20+$0x2710] =	vst v1;
	s20 =	smov.u32 s19;
	s19 =	sadd.s32 $0x40, s19  }
.Ltmp1:
0x17: {  	(pc) =	sbr.rel @p0 .LBB2_4-.Ltmp1, $2  }
0x18: {  	_ =	sdelay $0x2  }
0x19: {  	s20 =	sshra.s32 s20, $0x2  }
0x1a: {  	[tilespmem:s20+$0x2710] =	vst v1  }
0x1b: {  	[spmem:s4] =	stream.linear.scatter [tilespmem:s12], [sflag:$0x2], $0x7D0, $0x38;
	[tilespmem:$0x5AF0] =	vst v63  }
0x1c: {  	_ =	swait.ge [sflag:s13], $0x7D0  }
0x1d: {  	[sflag:s13] =	ssyncset.done $0x0  }
0x1e: {  	[sflag:s13] =	ssyncadd.s32 $0xFFFFF830  }
0x1f: {  	[spmem:s5] =	stream.linear.scatter [tilespmem:s12], [sflag:$0x2], $0x7D0, $0x38;
	[tilespmem:$0x5AF0] =	vst v63  }
0x20: {  	_ =	swait.ge [sflag:s13], $0x7D0  }
0x21: {  	[sflag:s13] =	ssyncset.done $0x0  }
0x22: {  	[sflag:s13] =	ssyncadd.s32 $0xFFFFF830  }
0x23: {  	[spmem:s6] =	stream.linear.scatter [tilespmem:s12], [sflag:$0x2], $0x7D0, $0x38;
	[tilespmem:$0x5AF0] =	vst v63  }
0x24: {  	_ =	swait.ge [sflag:s13], $0x7D0  }
0x25: {  	[sflag:s13] =	ssyncset.done $0x0  }
0x26: {  	[sflag:s13] =	ssyncadd.s32 $0xFFFFF830  }
0x27: {  	[spmem:s7] =	stream.linear.scatter [tilespmem:s12], [sflag:$0x2], $0x7D0, $0x38;
	[tilespmem:$0x5AF0] =	vst v63  }
0x28: {  	_ =	swait.ge [sflag:s13], $0x7D0  }
0x29: {  	[sflag:s13] =	ssyncset.done $0x0  }
0x2a: {  	[sflag:s13] =	ssyncadd.s32 $0xFFFFF830  }
0x2b: {  	[spmem:s8] =	stream.linear.scatter [tilespmem:s12], [sflag:$0x2], $0x7D0, $0x38;
	[tilespmem:$0x5AF0] =	vst v63  }
0x2c: {  	_ =	swait.ge [sflag:s13], $0x7D0  }
0x2d: {  	[sflag:s13] =	ssyncset.done $0x0  }
0x2e: {  	s19 =	simm.s32 $0x0;
	[sflag:s13] =	ssyncadd.s32 $0xFFFFF830  }
0x2f: {  	[tilespmem:s19], [sflag:$0x2] =	stream.linear.gather [hbm4b:s9+s19], $0x2710, $0x38;
	[tilespmem:$0x5AF0] =	vst v63  }
0x30: {  	_ =	swait.ge [sflag:s13], $0x2710  }
0x31: {  	[sflag:s13] =	ssyncset.done $0x0  }
0x32: {  	[sflag:s13] =	ssyncadd.s32 $0xFFFFD8F0  }
0x33: {  	s29 =	simm.s32 $0x0;
	[bflag:$0x0] =	sbarrier.arrive $0xFFFF  }
0x34: {  	[spmem:s2] =	stream.indirect.scatter.add.f32 [tilespmem:s15], [sflag:$0x1], $0x10, s29, s14, $0xb8;
	[tilespmem:$0x5AF0] =	vst v63  }
0x35: {  	s30 =	simm.s32 $0x50  }
0x36: {  	[spmem:s2] =	stream.indirect.scatter.add.f32 [tilespmem:s15], [sflag:$0x1], $0x10, s30, s14, $0xb8;
	[tilespmem:$0x5AF0] =	vst v63  }
0x37: {  	s31 =	simm.s32 $0xA0  }
0x38: {  	[spmem:s2] =	stream.indirect.scatter.add.f32 [tilespmem:s15], [sflag:$0x1], $0x10, s31, s14, $0xb8;
	[tilespmem:$0x5AF0] =	vst v63  }
0x39: {  	s20 =	simm.s32 $0xF0  }
0x3a: {  	[spmem:s2] =	stream.indirect.scatter.add.f32 [tilespmem:s15], [sflag:$0x1], $0x10, s20, s14, $0xb8;
	[tilespmem:$0x5AF0] =	vst v63  }
0x3b: {  	s21 =	simm.s32 $0x140  }
0x3c: {  	[spmem:s2] =	stream.indirect.scatter.add.f32 [tilespmem:s15], [sflag:$0x1], $0x10, s21, s14, $0xb8;
	[tilespmem:$0x5AF0] =	vst v63  }
0x3d: {  	s22 =	simm.s32 $0x190  }
0x3e: {  	[spmem:s2] =	stream.indirect.scatter.add.f32 [tilespmem:s15], [sflag:$0x1], $0x10, s22, s14, $0xb8;
	[tilespmem:$0x5AF0] =	vst v63  }
0x3f: {  	s23 =	simm.s32 $0x1E0  }
0x40: {  	[spmem:s2] =	stream.indirect.scatter.add.f32 [tilespmem:s15], [sflag:$0x1], $0x10, s23, s14, $0xb8;
	[tilespmem:$0x5AF0] =	vst v63  }
0x41: {  	s24 =	simm.s32 $0x230  }
0x42: {  	[spmem:s2] =	stream.indirect.scatter.add.f32 [tilespmem:s15], [sflag:$0x1], $0x10, s24, s14, $0xb8;
	[tilespmem:$0x5AF0] =	vst v63  }
0x43: {  	s25 =	simm.s32 $0x280  }
0x44: {  	[spmem:s2] =	stream.indirect.scatter.add.f32 [tilespmem:s15], [sflag:$0x1], $0x10, s25, s14, $0xb8;
	[tilespmem:$0x5AF0] =	vst v63  }
0x45: {  	s26 =	simm.s32 $0x2D0  }
0x46: {  	[spmem:s2] =	stream.indirect.scatter.add.f32 [tilespmem:s15], [sflag:$0x1], $0x10, s26, s14, $0xb8;
	[tilespmem:$0x5AF0] =	vst v63  }
0x47: {  	s28 =	simm.s32 $0x320  }
0x48: {  	[spmem:s2] =	stream.indirect.scatter.add.f32 [tilespmem:s15], [sflag:$0x1], $0x10, s28, s14, $0xb8;
	[tilespmem:$0x5AF0] =	vst v63  }
0x49: {  	s29 =	simm.s32 $0x370  }
0x4a: {  	[spmem:s2] =	stream.indirect.scatter.add.f32 [tilespmem:s15], [sflag:$0x1], $0x10, s29, s14, $0xb8;
	[tilespmem:$0x5AF0] =	vst v63  }
0x4b: {  	s30 =	simm.s32 $0x3C0  }
0x4c: {  	[spmem:s2] =	stream.indirect.scatter.add.f32 [tilespmem:s15], [sflag:$0x1], $0x10, s30, s14, $0xb8;
	[tilespmem:$0x5AF0] =	vst v63  }
0x4d: {  	s31 =	simm.s32 $0x410  }
0x4e: {  	[spmem:s2] =	stream.indirect.scatter.add.f32 [tilespmem:s15], [sflag:$0x1], $0x10, s31, s14, $0xb8;
	[tilespmem:$0x5AF0] =	vst v63  }
0x4f: {  	s20 =	simm.s32 $0x460  }
0x50: {  	[spmem:s2] =	stream.indirect.scatter.add.f32 [tilespmem:s15], [sflag:$0x1], $0x10, s20, s14, $0xb8;
	[tilespmem:$0x5AF0] =	vst v63  }
0x51: {  	s21 =	simm.s32 $0x4B0  }
0x52: {  	[spmem:s2] =	stream.indirect.scatter.add.f32 [tilespmem:s15], [sflag:$0x1], $0x10, s21, s14, $0xb8;
	[tilespmem:$0x5AF0] =	vst v63  }
0x53: {  	s22 =	simm.s32 $0x500  }
0x54: {  	[spmem:s2] =	stream.indirect.scatter.add.f32 [tilespmem:s15], [sflag:$0x1], $0x10, s22, s14, $0xb8;
	[tilespmem:$0x5AF0] =	vst v63  }
0x55: {  	s23 =	simm.s32 $0x550  }
0x56: {  	[spmem:s2] =	stream.indirect.scatter.add.f32 [tilespmem:s15], [sflag:$0x1], $0x10, s23, s14, $0xb8;
	[tilespmem:$0x5AF0] =	vst v63  }
0x57: {  	s24 =	simm.s32 $0x5A0  }
0x58: {  	[spmem:s2] =	stream.indirect.scatter.add.f32 [tilespmem:s15], [sflag:$0x1], $0x10, s24, s14, $0xb8;
	[tilespmem:$0x5AF0] =	vst v63  }
0x59: {  	s25 =	simm.s32 $0x5F0  }
0x5a: {  	[spmem:s2] =	stream.indirect.scatter.add.f32 [tilespmem:s15], [sflag:$0x1], $0x10, s25, s14, $0xb8;
	[tilespmem:$0x5AF0] =	vst v63  }
0x5b: {  	s26 =	simm.s32 $0x640  }
0x5c: {  	[spmem:s2] =	stream.indirect.scatter.add.f32 [tilespmem:s15], [sflag:$0x1], $0x10, s26, s14, $0xb8;
	[tilespmem:$0x5AF0] =	vst v63  }
0x5d: {  	s28 =	simm.s32 $0x690  }
0x5e: {  	[spmem:s2] =	stream.indirect.scatter.add.f32 [tilespmem:s15], [sflag:$0x1], $0x10, s28, s14, $0xb8;
	[tilespmem:$0x5AF0] =	vst v63  }
0x5f: {  	s29 =	simm.s32 $0x6E0  }
0x60: {  	[spmem:s2] =	stream.indirect.scatter.add.f32 [tilespmem:s15], [sflag:$0x1], $0x10, s29, s14, $0xb8;
	[tilespmem:$0x5AF0] =	vst v63  }
0x61: {  	s30 =	simm.s32 $0x730  }
0x62: {  	[spmem:s2] =	stream.indirect.scatter.add.f32 [tilespmem:s15], [sflag:$0x1], $0x10, s30, s14, $0xb8;
	[tilespmem:$0x5AF0] =	vst v63  }
0x63: {  	s31 =	simm.s32 $0x780  }
0x64: {  	[spmem:s2] =	stream.indirect.scatter.add.f32 [tilespmem:s15], [sflag:$0x1], $0x10, s31, s14, $0xb8;
	[tilespmem:$0x5AF0] =	vst v63  }
0x65: {  	_ =	swait.ge [sflag:s16], $0x500  }
0x66: {  	[sflag:s16] =	ssyncset.done $0x0  }
0x67: {  	[sflag:s16] =	ssyncadd.s32 $0xFFFFFB00  }
0x68: {  	_ =	swait.ge [sflag:s16], $0x500  }
0x69: {  	[sflag:s16] =	ssyncset.done $0x0  }
0x6a: {  	[sflag:s16] =	ssyncadd.s32 $0xFFFFFB00  }
0x6b: {  	_ =	swait.ge [sflag:s16], $0x500  }
0x6c: {  	[sflag:s16] =	ssyncset.done $0x0  }
0x6d: {  	[sflag:s16] =	ssyncadd.s32 $0xFFFFFB00  }
0x6e: {  	_ =	swait.ge [sflag:s16], $0x500  }
0x6f: {  	[sflag:s16] =	ssyncset.done $0x0  }
0x70: {  	[sflag:s16] =	ssyncadd.s32 $0xFFFFFB00  }
0x71: {  	_ =	swait.ge [sflag:s16], $0x500  }
0x72: {  	[sflag:s16] =	ssyncset.done $0x0  }
0x73: {  	[sflag:s16] =	ssyncadd.s32 $0xFFFFFB00  }
0x74: {  	_ =	swait.ge [sflag:s16], $0x500  }
0x75: {  	[sflag:s16] =	ssyncset.done $0x0  }
0x76: {  	[sflag:s16] =	ssyncadd.s32 $0xFFFFFB00  }
0x77: {  	_ =	swait.ge [sflag:s16], $0x500  }
0x78: {  	[sflag:s16] =	ssyncset.done $0x0  }
0x79: {  	[sflag:s16] =	ssyncadd.s32 $0xFFFFFB00  }
0x7a: {  	_ =	swait.ge [sflag:s16], $0x500  }
0x7b: {  	[sflag:s16] =	ssyncset.done $0x0  }
0x7c: {  	[sflag:s16] =	ssyncadd.s32 $0xFFFFFB00  }
0x7d: {  	_ =	swait.ge [sflag:s16], $0x500  }
0x7e: {  	[sflag:s16] =	ssyncset.done $0x0  }
0x7f: {  	[sflag:s16] =	ssyncadd.s32 $0xFFFFFB00  }
0x80: {  	_ =	swait.ge [sflag:s16], $0x500  }
0x81: {  	[sflag:s16] =	ssyncset.done $0x0  }
0x82: {  	[sflag:s16] =	ssyncadd.s32 $0xFFFFFB00  }
0x83: {  	_ =	swait.ge [sflag:s16], $0x500  }
0x84: {  	[sflag:s16] =	ssyncset.done $0x0  }
0x85: {  	[sflag:s16] =	ssyncadd.s32 $0xFFFFFB00  }
0x86: {  	_ =	swait.ge [sflag:s16], $0x500  }
0x87: {  	[sflag:s16] =	ssyncset.done $0x0  }
0x88: {  	[sflag:s16] =	ssyncadd.s32 $0xFFFFFB00  }
0x89: {  	_ =	swait.ge [sflag:s16], $0x500  }
0x8a: {  	[sflag:s16] =	ssyncset.done $0x0  }
0x8b: {  	[sflag:s16] =	ssyncadd.s32 $0xFFFFFB00  }
0x8c: {  	_ =	swait.ge [sflag:s16], $0x500  }
0x8d: {  	[sflag:s16] =	ssyncset.done $0x0  }
0x8e: {  	[sflag:s16] =	ssyncadd.s32 $0xFFFFFB00  }
0x8f: {  	_ =	swait.ge [sflag:s16], $0x500  }
0x90: {  	[sflag:s16] =	ssyncset.done $0x0  }
0x91: {  	[sflag:s16] =	ssyncadd.s32 $0xFFFFFB00  }
0x92: {  	_ =	swait.ge [sflag:s16], $0x500  }
0x93: {  	[sflag:s16] =	ssyncset.done $0x0  }
0x94: {  	[sflag:s16] =	ssyncadd.s32 $0xFFFFFB00  }
0x95: {  	_ =	swait.ge [sflag:s16], $0x500  }
0x96: {  	[sflag:s16] =	ssyncset.done $0x0  }
0x97: {  	[sflag:s16] =	ssyncadd.s32 $0xFFFFFB00  }
0x98: {  	_ =	swait.ge [sflag:s16], $0x500  }
0x99: {  	[sflag:s16] =	ssyncset.done $0x0  }
0x9a: {  	[sflag:s16] =	ssyncadd.s32 $0xFFFFFB00  }
0x9b: {  	_ =	swait.ge [sflag:s16], $0x500  }
0x9c: {  	[sflag:s16] =	ssyncset.done $0x0  }
0x9d: {  	[sflag:s16] =	ssyncadd.s32 $0xFFFFFB00  }
0x9e: {  	_ =	swait.ge [sflag:s16], $0x500  }
0x9f: {  	[sflag:s16] =	ssyncset.done $0x0  }
0xa0: {  	[sflag:s16] =	ssyncadd.s32 $0xFFFFFB00  }
0xa1: {  	_ =	swait.ge [sflag:s16], $0x500  }
0xa2: {  	[sflag:s16] =	ssyncset.done $0x0  }
0xa3: {  	[sflag:s16] =	ssyncadd.s32 $0xFFFFFB00  }
0xa4: {  	_ =	swait.ge [sflag:s16], $0x500  }
0xa5: {  	[sflag:s16] =	ssyncset.done $0x0  }
0xa6: {  	[sflag:s16] =	ssyncadd.s32 $0xFFFFFB00  }
0xa7: {  	_ =	swait.ge [sflag:s16], $0x500  }
0xa8: {  	[sflag:s16] =	ssyncset.done $0x0  }
0xa9: {  	[sflag:s16] =	ssyncadd.s32 $0xFFFFFB00  }
0xaa: {  	_ =	swait.ge [sflag:s16], $0x500  }
0xab: {  	[sflag:s16] =	ssyncset.done $0x0  }
0xac: {  	[sflag:s16] =	ssyncadd.s32 $0xFFFFFB00  }
0xad: {  	_ =	swait.ge [sflag:s16], $0x500  }
0xae: {  	s19 =	simm.s32 $0x1F40;
	s22 =	simm.s32 $0x3E80;
	[sflag:s16] =	ssyncset.done $0x0  }
.LBB2_6:
0xaf: {  	s21 =	sshra.s32 s19, $0x2  }
0xb0: {  	[sflag:s16] =	ssyncadd.s32 $0xFFFFFB00;
	s19 =	smov.u32 s22;
	s20 =	sadd.s32 $0x1F40, s22  }
0xb1: {  	[spmem:s2] =	stream.indirect.scatter.add.f32 [tilespmem:s15], [sflag:$0x1], $0x10, s21, s14, $0xb8;
	[tilespmem:$0x5AF0] =	vst v63  }
0xb2: {  	p0 =	sne.s32 s22, $0x7D00;
	s22 =	sadd.s32 $0x50, s21  }
0xb3: {  	[spmem:s2] =	stream.indirect.scatter.add.f32 [tilespmem:s15], [sflag:$0x1], $0x10, s22, s14, $0xb8;
	[tilespmem:$0x5AF0] =	vst v63  }
0xb4: {  	s22 =	sadd.s32 $0xA0, s21  }
0xb5: {  	[spmem:s2] =	stream.indirect.scatter.add.f32 [tilespmem:s15], [sflag:$0x1], $0x10, s22, s14, $0xb8;
	[tilespmem:$0x5AF0] =	vst v63  }
0xb6: {  	s22 =	sadd.s32 $0xF0, s21  }
0xb7: {  	[spmem:s2] =	stream.indirect.scatter.add.f32 [tilespmem:s15], [sflag:$0x1], $0x10, s22, s14, $0xb8;
	[tilespmem:$0x5AF0] =	vst v63  }
0xb8: {  	s22 =	sadd.s32 $0x140, s21  }
0xb9: {  	[spmem:s2] =	stream.indirect.scatter.add.f32 [tilespmem:s15], [sflag:$0x1], $0x10, s22, s14, $0xb8;
	[tilespmem:$0x5AF0] =	vst v63  }
0xba: {  	s22 =	sadd.s32 $0x190, s21  }
0xbb: {  	[spmem:s2] =	stream.indirect.scatter.add.f32 [tilespmem:s15], [sflag:$0x1], $0x10, s22, s14, $0xb8;
	[tilespmem:$0x5AF0] =	vst v63  }
0xbc: {  	s22 =	sadd.s32 $0x1E0, s21  }
0xbd: {  	[spmem:s2] =	stream.indirect.scatter.add.f32 [tilespmem:s15], [sflag:$0x1], $0x10, s22, s14, $0xb8;
	[tilespmem:$0x5AF0] =	vst v63  }
0xbe: {  	s22 =	sadd.s32 $0x230, s21  }
0xbf: {  	[spmem:s2] =	stream.indirect.scatter.add.f32 [tilespmem:s15], [sflag:$0x1], $0x10, s22, s14, $0xb8;
	[tilespmem:$0x5AF0] =	vst v63  }
0xc0: {  	s22 =	sadd.s32 $0x280, s21  }
0xc1: {  	[spmem:s2] =	stream.indirect.scatter.add.f32 [tilespmem:s15], [sflag:$0x1], $0x10, s22, s14, $0xb8;
	[tilespmem:$0x5AF0] =	vst v63  }
0xc2: {  	s22 =	sadd.s32 $0x2D0, s21  }
0xc3: {  	[spmem:s2] =	stream.indirect.scatter.add.f32 [tilespmem:s15], [sflag:$0x1], $0x10, s22, s14, $0xb8;
	[tilespmem:$0x5AF0] =	vst v63  }
0xc4: {  	s22 =	sadd.s32 $0x320, s21  }
0xc5: {  	[spmem:s2] =	stream.indirect.scatter.add.f32 [tilespmem:s15], [sflag:$0x1], $0x10, s22, s14, $0xb8;
	[tilespmem:$0x5AF0] =	vst v63  }
0xc6: {  	s22 =	sadd.s32 $0x370, s21  }
0xc7: {  	[spmem:s2] =	stream.indirect.scatter.add.f32 [tilespmem:s15], [sflag:$0x1], $0x10, s22, s14, $0xb8;
	[tilespmem:$0x5AF0] =	vst v63  }
0xc8: {  	s22 =	sadd.s32 $0x3C0, s21  }
0xc9: {  	[spmem:s2] =	stream.indirect.scatter.add.f32 [tilespmem:s15], [sflag:$0x1], $0x10, s22, s14, $0xb8;
	[tilespmem:$0x5AF0] =	vst v63  }
0xca: {  	s22 =	sadd.s32 $0x410, s21  }
0xcb: {  	[spmem:s2] =	stream.indirect.scatter.add.f32 [tilespmem:s15], [sflag:$0x1], $0x10, s22, s14, $0xb8;
	[tilespmem:$0x5AF0] =	vst v63  }
0xcc: {  	s22 =	sadd.s32 $0x460, s21  }
0xcd: {  	[spmem:s2] =	stream.indirect.scatter.add.f32 [tilespmem:s15], [sflag:$0x1], $0x10, s22, s14, $0xb8;
	[tilespmem:$0x5AF0] =	vst v63  }
0xce: {  	s22 =	sadd.s32 $0x4B0, s21  }
0xcf: {  	[spmem:s2] =	stream.indirect.scatter.add.f32 [tilespmem:s15], [sflag:$0x1], $0x10, s22, s14, $0xb8;
	[tilespmem:$0x5AF0] =	vst v63  }
0xd0: {  	s22 =	sadd.s32 $0x500, s21  }
0xd1: {  	[spmem:s2] =	stream.indirect.scatter.add.f32 [tilespmem:s15], [sflag:$0x1], $0x10, s22, s14, $0xb8;
	[tilespmem:$0x5AF0] =	vst v63  }
0xd2: {  	s22 =	sadd.s32 $0x550, s21  }
0xd3: {  	[spmem:s2] =	stream.indirect.scatter.add.f32 [tilespmem:s15], [sflag:$0x1], $0x10, s22, s14, $0xb8;
	[tilespmem:$0x5AF0] =	vst v63  }
0xd4: {  	s22 =	sadd.s32 $0x5A0, s21  }
0xd5: {  	[spmem:s2] =	stream.indirect.scatter.add.f32 [tilespmem:s15], [sflag:$0x1], $0x10, s22, s14, $0xb8;
	[tilespmem:$0x5AF0] =	vst v63  }
0xd6: {  	s22 =	sadd.s32 $0x5F0, s21  }
0xd7: {  	[spmem:s2] =	stream.indirect.scatter.add.f32 [tilespmem:s15], [sflag:$0x1], $0x10, s22, s14, $0xb8;
	[tilespmem:$0x5AF0] =	vst v63  }
0xd8: {  	s22 =	sadd.s32 $0x640, s21  }
0xd9: {  	[spmem:s2] =	stream.indirect.scatter.add.f32 [tilespmem:s15], [sflag:$0x1], $0x10, s22, s14, $0xb8;
	[tilespmem:$0x5AF0] =	vst v63  }
0xda: {  	s22 =	sadd.s32 $0x690, s21  }
0xdb: {  	[spmem:s2] =	stream.indirect.scatter.add.f32 [tilespmem:s15], [sflag:$0x1], $0x10, s22, s14, $0xb8;
	[tilespmem:$0x5AF0] =	vst v63  }
0xdc: {  	s22 =	sadd.s32 $0x6E0, s21  }
0xdd: {  	[spmem:s2] =	stream.indirect.scatter.add.f32 [tilespmem:s15], [sflag:$0x1], $0x10, s22, s14, $0xb8;
	[tilespmem:$0x5AF0] =	vst v63  }
0xde: {  	s22 =	sadd.s32 $0x730, s21  }
0xdf: {  	[spmem:s2] =	stream.indirect.scatter.add.f32 [tilespmem:s15], [sflag:$0x1], $0x10, s22, s14, $0xb8;
	[tilespmem:$0x5AF0] =	vst v63  }
0xe0: {  	s21 =	sadd.s32 $0x780, s21  }
0xe1: {  	[spmem:s2] =	stream.indirect.scatter.add.f32 [tilespmem:s15], [sflag:$0x1], $0x10, s21, s14, $0xb8;
	[tilespmem:$0x5AF0] =	vst v63  }
0xe2: {  	_ =	swait.ge [sflag:s16], $0x500  }
0xe3: {  	[sflag:s16] =	ssyncset.done $0x0  }
0xe4: {  	[sflag:s16] =	ssyncadd.s32 $0xFFFFFB00  }
0xe5: {  	_ =	swait.ge [sflag:s16], $0x500  }
0xe6: {  	[sflag:s16] =	ssyncset.done $0x0  }
0xe7: {  	[sflag:s16] =	ssyncadd.s32 $0xFFFFFB00  }
0xe8: {  	_ =	swait.ge [sflag:s16], $0x500  }
0xe9: {  	[sflag:s16] =	ssyncset.done $0x0  }
0xea: {  	[sflag:s16] =	ssyncadd.s32 $0xFFFFFB00  }
0xeb: {  	_ =	swait.ge [sflag:s16], $0x500  }
0xec: {  	[sflag:s16] =	ssyncset.done $0x0  }
0xed: {  	[sflag:s16] =	ssyncadd.s32 $0xFFFFFB00  }
0xee: {  	_ =	swait.ge [sflag:s16], $0x500  }
0xef: {  	[sflag:s16] =	ssyncset.done $0x0  }
0xf0: {  	[sflag:s16] =	ssyncadd.s32 $0xFFFFFB00  }
0xf1: {  	_ =	swait.ge [sflag:s16], $0x500  }
0xf2: {  	[sflag:s16] =	ssyncset.done $0x0  }
0xf3: {  	[sflag:s16] =	ssyncadd.s32 $0xFFFFFB00  }
0xf4: {  	_ =	swait.ge [sflag:s16], $0x500  }
0xf5: {  	[sflag:s16] =	ssyncset.done $0x0  }
0xf6: {  	[sflag:s16] =	ssyncadd.s32 $0xFFFFFB00  }
0xf7: {  	_ =	swait.ge [sflag:s16], $0x500  }
0xf8: {  	[sflag:s16] =	ssyncset.done $0x0  }
0xf9: {  	[sflag:s16] =	ssyncadd.s32 $0xFFFFFB00  }
0xfa: {  	_ =	swait.ge [sflag:s16], $0x500  }
0xfb: {  	[sflag:s16] =	ssyncset.done $0x0  }
0xfc: {  	[sflag:s16] =	ssyncadd.s32 $0xFFFFFB00  }
0xfd: {  	_ =	swait.ge [sflag:s16], $0x500  }
0xfe: {  	[sflag:s16] =	ssyncset.done $0x0  }
0xff: {  	[sflag:s16] =	ssyncadd.s32 $0xFFFFFB00  }
0x100: {  	_ =	swait.ge [sflag:s16], $0x500  }
0x101: {  	[sflag:s16] =	ssyncset.done $0x0  }
0x102: {  	[sflag:s16] =	ssyncadd.s32 $0xFFFFFB00  }
0x103: {  	_ =	swait.ge [sflag:s16], $0x500  }
0x104: {  	[sflag:s16] =	ssyncset.done $0x0  }
0x105: {  	[sflag:s16] =	ssyncadd.s32 $0xFFFFFB00  }
0x106: {  	_ =	swait.ge [sflag:s16], $0x500  }
0x107: {  	[sflag:s16] =	ssyncset.done $0x0  }
0x108: {  	[sflag:s16] =	ssyncadd.s32 $0xFFFFFB00  }
0x109: {  	_ =	swait.ge [sflag:s16], $0x500  }
0x10a: {  	[sflag:s16] =	ssyncset.done $0x0  }
0x10b: {  	[sflag:s16] =	ssyncadd.s32 $0xFFFFFB00  }
0x10c: {  	_ =	swait.ge [sflag:s16], $0x500  }
0x10d: {  	[sflag:s16] =	ssyncset.done $0x0  }
0x10e: {  	[sflag:s16] =	ssyncadd.s32 $0xFFFFFB00  }
0x10f: {  	_ =	swait.ge [sflag:s16], $0x500  }
0x110: {  	[sflag:s16] =	ssyncset.done $0x0  }
0x111: {  	[sflag:s16] =	ssyncadd.s32 $0xFFFFFB00  }
0x112: {  	_ =	swait.ge [sflag:s16], $0x500  }
0x113: {  	[sflag:s16] =	ssyncset.done $0x0  }
0x114: {  	[sflag:s16] =	ssyncadd.s32 $0xFFFFFB00  }
0x115: {  	_ =	swait.ge [sflag:s16], $0x500  }
0x116: {  	[sflag:s16] =	ssyncset.done $0x0  }
0x117: {  	[sflag:s16] =	ssyncadd.s32 $0xFFFFFB00  }
0x118: {  	_ =	swait.ge [sflag:s16], $0x500  }
0x119: {  	[sflag:s16] =	ssyncset.done $0x0  }
0x11a: {  	[sflag:s16] =	ssyncadd.s32 $0xFFFFFB00  }
0x11b: {  	_ =	swait.ge [sflag:s16], $0x500  }
0x11c: {  	[sflag:s16] =	ssyncset.done $0x0  }
0x11d: {  	[sflag:s16] =	ssyncadd.s32 $0xFFFFFB00  }
0x11e: {  	_ =	swait.ge [sflag:s16], $0x500  }
0x11f: {  	[sflag:s16] =	ssyncset.done $0x0  }
0x120: {  	[sflag:s16] =	ssyncadd.s32 $0xFFFFFB00  }
0x121: {  	_ =	swait.ge [sflag:s16], $0x500  }
0x122: {  	[sflag:s16] =	ssyncset.done $0x0  }
0x123: {  	[sflag:s16] =	ssyncadd.s32 $0xFFFFFB00  }
0x124: {  	_ =	swait.ge [sflag:s16], $0x500  }
0x125: {  	[sflag:s16] =	ssyncset.done $0x0  }
0x126: {  	[sflag:s16] =	ssyncadd.s32 $0xFFFFFB00  }
.Ltmp2:
0x127: {  	_ =	swait.ge [sflag:s16], $0x500;
	(pc) =	sbr.rel @p0 .LBB2_6-.Ltmp2, $4  }
0x128: {  	[sflag:s16] =	ssyncset.done $0x0  }
0x129: {  	[sflag:s16] =	ssyncadd.s32 $0xFFFFFB00  }
0x12a: {  	_ =	swait.ge [sflag:s16], $0x500  }
0x12b: {  	s22 =	smov.u32 s20;
	[sflag:s16] =	ssyncset.done $0x0  }
0x12c: {  	s19 =	sshra.s32 s19, $0x2;
	[sflag:s16] =	ssyncadd.s32 $0xFFFFFB00  }
0x12d: {  	[spmem:s2] =	stream.indirect.scatter.add.f32 [tilespmem:s15], [sflag:$0x1], $0x10, s19, s14, $0xb8;
	[tilespmem:$0x5AF0] =	vst v63  }
0x12e: {  	s20 =	sadd.s32 $0x50, s19  }
0x12f: {  	[spmem:s2] =	stream.indirect.scatter.add.f32 [tilespmem:s15], [sflag:$0x1], $0x10, s20, s14, $0xb8;
	[tilespmem:$0x5AF0] =	vst v63  }
0x130: {  	s30 =	sadd.s32 $0xA0, s19  }
0x131: {  	[spmem:s2] =	stream.indirect.scatter.add.f32 [tilespmem:s15], [sflag:$0x1], $0x10, s30, s14, $0xb8;
	[tilespmem:$0x5AF0] =	vst v63  }
0x132: {  	s31 =	sadd.s32 $0xF0, s19  }
0x133: {  	[spmem:s2] =	stream.indirect.scatter.add.f32 [tilespmem:s15], [sflag:$0x1], $0x10, s31, s14, $0xb8;
	[tilespmem:$0x5AF0] =	vst v63  }
0x134: {  	s21 =	sadd.s32 $0x140, s19  }
0x135: {  	[spmem:s2] =	stream.indirect.scatter.add.f32 [tilespmem:s15], [sflag:$0x1], $0x10, s21, s14, $0xb8;
	[tilespmem:$0x5AF0] =	vst v63  }
0x136: {  	s22 =	sadd.s32 $0x190, s19  }
0x137: {  	[spmem:s2] =	stream.indirect.scatter.add.f32 [tilespmem:s15], [sflag:$0x1], $0x10, s22, s14, $0xb8;
	[tilespmem:$0x5AF0] =	vst v63  }
0x138: {  	s23 =	sadd.s32 $0x1E0, s19  }
0x139: {  	[spmem:s2] =	stream.indirect.scatter.add.f32 [tilespmem:s15], [sflag:$0x1], $0x10, s23, s14, $0xb8;
	[tilespmem:$0x5AF0] =	vst v63  }
0x13a: {  	s24 =	sadd.s32 $0x230, s19  }
0x13b: {  	[spmem:s2] =	stream.indirect.scatter.add.f32 [tilespmem:s15], [sflag:$0x1], $0x10, s24, s14, $0xb8;
	[tilespmem:$0x5AF0] =	vst v63  }
0x13c: {  	s25 =	sadd.s32 $0x280, s19  }
0x13d: {  	[spmem:s2] =	stream.indirect.scatter.add.f32 [tilespmem:s15], [sflag:$0x1], $0x10, s25, s14, $0xb8;
	[tilespmem:$0x5AF0] =	vst v63  }
0x13e: {  	s26 =	sadd.s32 $0x2D0, s19  }
0x13f: {  	[spmem:s2] =	stream.indirect.scatter.add.f32 [tilespmem:s15], [sflag:$0x1], $0x10, s26, s14, $0xb8;
	[tilespmem:$0x5AF0] =	vst v63  }
0x140: {  	s28 =	sadd.s32 $0x320, s19  }
0x141: {  	[spmem:s2] =	stream.indirect.scatter.add.f32 [tilespmem:s15], [sflag:$0x1], $0x10, s28, s14, $0xb8;
	[tilespmem:$0x5AF0] =	vst v63  }
0x142: {  	s29 =	sadd.s32 $0x370, s19  }
0x143: {  	[spmem:s2] =	stream.indirect.scatter.add.f32 [tilespmem:s15], [sflag:$0x1], $0x10, s29, s14, $0xb8;
	[tilespmem:$0x5AF0] =	vst v63  }
0x144: {  	s30 =	sadd.s32 $0x3C0, s19  }
0x145: {  	[spmem:s2] =	stream.indirect.scatter.add.f32 [tilespmem:s15], [sflag:$0x1], $0x10, s30, s14, $0xb8;
	[tilespmem:$0x5AF0] =	vst v63  }
0x146: {  	s31 =	sadd.s32 $0x410, s19  }
0x147: {  	[spmem:s2] =	stream.indirect.scatter.add.f32 [tilespmem:s15], [sflag:$0x1], $0x10, s31, s14, $0xb8;
	[tilespmem:$0x5AF0] =	vst v63  }
0x148: {  	s21 =	sadd.s32 $0x460, s19  }
0x149: {  	[spmem:s2] =	stream.indirect.scatter.add.f32 [tilespmem:s15], [sflag:$0x1], $0x10, s21, s14, $0xb8;
	[tilespmem:$0x5AF0] =	vst v63  }
0x14a: {  	s22 =	sadd.s32 $0x4B0, s19  }
0x14b: {  	[spmem:s2] =	stream.indirect.scatter.add.f32 [tilespmem:s15], [sflag:$0x1], $0x10, s22, s14, $0xb8;
	[tilespmem:$0x5AF0] =	vst v63  }
0x14c: {  	s23 =	sadd.s32 $0x500, s19  }
0x14d: {  	[spmem:s2] =	stream.indirect.scatter.add.f32 [tilespmem:s15], [sflag:$0x1], $0x10, s23, s14, $0xb8;
	[tilespmem:$0x5AF0] =	vst v63  }
0x14e: {  	s24 =	sadd.s32 $0x550, s19  }
0x14f: {  	[spmem:s2] =	stream.indirect.scatter.add.f32 [tilespmem:s15], [sflag:$0x1], $0x10, s24, s14, $0xb8;
	[tilespmem:$0x5AF0] =	vst v63  }
0x150: {  	s25 =	sadd.s32 $0x5A0, s19  }
0x151: {  	[spmem:s2] =	stream.indirect.scatter.add.f32 [tilespmem:s15], [sflag:$0x1], $0x10, s25, s14, $0xb8;
	[tilespmem:$0x5AF0] =	vst v63  }
0x152: {  	s26 =	sadd.s32 $0x5F0, s19  }
0x153: {  	[spmem:s2] =	stream.indirect.scatter.add.f32 [tilespmem:s15], [sflag:$0x1], $0x10, s26, s14, $0xb8;
	[tilespmem:$0x5AF0] =	vst v63  }
0x154: {  	s28 =	sadd.s32 $0x640, s19  }
0x155: {  	[spmem:s2] =	stream.indirect.scatter.add.f32 [tilespmem:s15], [sflag:$0x1], $0x10, s28, s14, $0xb8;
	[tilespmem:$0x5AF0] =	vst v63  }
0x156: {  	s29 =	sadd.s32 $0x690, s19  }
0x157: {  	[spmem:s2] =	stream.indirect.scatter.add.f32 [tilespmem:s15], [sflag:$0x1], $0x10, s29, s14, $0xb8;
	[tilespmem:$0x5AF0] =	vst v63  }
0x158: {  	s30 =	sadd.s32 $0x6E0, s19  }
0x159: {  	[spmem:s2] =	stream.indirect.scatter.add.f32 [tilespmem:s15], [sflag:$0x1], $0x10, s30, s14, $0xb8;
	[tilespmem:$0x5AF0] =	vst v63  }
0x15a: {  	s31 =	sadd.s32 $0x730, s19  }
0x15b: {  	[spmem:s2] =	stream.indirect.scatter.add.f32 [tilespmem:s15], [sflag:$0x1], $0x10, s31, s14, $0xb8;
	[tilespmem:$0x5AF0] =	vst v63  }
0x15c: {  	s19 =	sadd.s32 $0x780, s19  }
0x15d: {  	[spmem:s2] =	stream.indirect.scatter.add.f32 [tilespmem:s15], [sflag:$0x1], $0x10, s19, s14, $0xb8;
	[tilespmem:$0x5AF0] =	vst v63  }
0x15e: {  	_ =	swait.ge [sflag:s16], $0x500  }
0x15f: {  	[sflag:s16] =	ssyncset.done $0x0  }
0x160: {  	[sflag:s16] =	ssyncadd.s32 $0xFFFFFB00  }
0x161: {  	_ =	swait.ge [sflag:s16], $0x500  }
0x162: {  	[sflag:s16] =	ssyncset.done $0x0  }
0x163: {  	[sflag:s16] =	ssyncadd.s32 $0xFFFFFB00  }
0x164: {  	_ =	swait.ge [sflag:s16], $0x500  }
0x165: {  	[sflag:s16] =	ssyncset.done $0x0  }
0x166: {  	[sflag:s16] =	ssyncadd.s32 $0xFFFFFB00  }
0x167: {  	_ =	swait.ge [sflag:s16], $0x500  }
0x168: {  	[sflag:s16] =	ssyncset.done $0x0  }
0x169: {  	[sflag:s16] =	ssyncadd.s32 $0xFFFFFB00  }
0x16a: {  	_ =	swait.ge [sflag:s16], $0x500  }
0x16b: {  	[sflag:s16] =	ssyncset.done $0x0  }
0x16c: {  	[sflag:s16] =	ssyncadd.s32 $0xFFFFFB00  }
0x16d: {  	_ =	swait.ge [sflag:s16], $0x500  }
0x16e: {  	[sflag:s16] =	ssyncset.done $0x0  }
0x16f: {  	[sflag:s16] =	ssyncadd.s32 $0xFFFFFB00  }
0x170: {  	_ =	swait.ge [sflag:s16], $0x500  }
0x171: {  	[sflag:s16] =	ssyncset.done $0x0  }
0x172: {  	[sflag:s16] =	ssyncadd.s32 $0xFFFFFB00  }
0x173: {  	_ =	swait.ge [sflag:s16], $0x500  }
0x174: {  	[sflag:s16] =	ssyncset.done $0x0  }
0x175: {  	[sflag:s16] =	ssyncadd.s32 $0xFFFFFB00  }
0x176: {  	_ =	swait.ge [sflag:s16], $0x500  }
0x177: {  	[sflag:s16] =	ssyncset.done $0x0  }
0x178: {  	[sflag:s16] =	ssyncadd.s32 $0xFFFFFB00  }
0x179: {  	_ =	swait.ge [sflag:s16], $0x500  }
0x17a: {  	[sflag:s16] =	ssyncset.done $0x0  }
0x17b: {  	[sflag:s16] =	ssyncadd.s32 $0xFFFFFB00  }
0x17c: {  	_ =	swait.ge [sflag:s16], $0x500  }
0x17d: {  	[sflag:s16] =	ssyncset.done $0x0  }
0x17e: {  	[sflag:s16] =	ssyncadd.s32 $0xFFFFFB00  }
0x17f: {  	_ =	swait.ge [sflag:s16], $0x500  }
0x180: {  	[sflag:s16] =	ssyncset.done $0x0  }
0x181: {  	[sflag:s16] =	ssyncadd.s32 $0xFFFFFB00  }
0x182: {  	_ =	swait.ge [sflag:s16], $0x500  }
0x183: {  	[sflag:s16] =	ssyncset.done $0x0  }
0x184: {  	[sflag:s16] =	ssyncadd.s32 $0xFFFFFB00  }
0x185: {  	_ =	swait.ge [sflag:s16], $0x500  }
0x186: {  	[sflag:s16] =	ssyncset.done $0x0  }
0x187: {  	[sflag:s16] =	ssyncadd.s32 $0xFFFFFB00  }
0x188: {  	_ =	swait.ge [sflag:s16], $0x500  }
0x189: {  	[sflag:s16] =	ssyncset.done $0x0  }
0x18a: {  	[sflag:s16] =	ssyncadd.s32 $0xFFFFFB00  }
0x18b: {  	_ =	swait.ge [sflag:s16], $0x500  }
0x18c: {  	[sflag:s16] =	ssyncset.done $0x0  }
0x18d: {  	[sflag:s16] =	ssyncadd.s32 $0xFFFFFB00  }
0x18e: {  	_ =	swait.ge [sflag:s16], $0x500  }
0x18f: {  	[sflag:s16] =	ssyncset.done $0x0  }
0x190: {  	[sflag:s16] =	ssyncadd.s32 $0xFFFFFB00  }
0x191: {  	_ =	swait.ge [sflag:s16], $0x500  }
0x192: {  	[sflag:s16] =	ssyncset.done $0x0  }
0x193: {  	[sflag:s16] =	ssyncadd.s32 $0xFFFFFB00  }
0x194: {  	_ =	swait.ge [sflag:s16], $0x500  }
0x195: {  	[sflag:s16] =	ssyncset.done $0x0  }
0x196: {  	[sflag:s16] =	ssyncadd.s32 $0xFFFFFB00  }
0x197: {  	_ =	swait.ge [sflag:s16], $0x500  }
0x198: {  	[sflag:s16] =	ssyncset.done $0x0  }
0x199: {  	[sflag:s16] =	ssyncadd.s32 $0xFFFFFB00  }
0x19a: {  	_ =	swait.ge [sflag:s16], $0x500  }
0x19b: {  	[sflag:s16] =	ssyncset.done $0x0  }
0x19c: {  	[sflag:s16] =	ssyncadd.s32 $0xFFFFFB00  }
0x19d: {  	_ =	swait.ge [sflag:s16], $0x500  }
0x19e: {  	[sflag:s16] =	ssyncset.done $0x0  }
0x19f: {  	[sflag:s16] =	ssyncadd.s32 $0xFFFFFB00  }
0x1a0: {  	_ =	swait.ge [sflag:s16], $0x500  }
0x1a1: {  	[sflag:s16] =	ssyncset.done $0x0  }
0x1a2: {  	[sflag:s16] =	ssyncadd.s32 $0xFFFFFB00  }
0x1a3: {  	_ =	swait.ge [sflag:s16], $0x500  }
0x1a4: {  	[sflag:s16] =	ssyncset.done $0x0  }
0x1a5: {  	[sflag:s16] =	ssyncadd.s32 $0xFFFFFB00  }
0x1a6: {  	_ =	swait.ge [sflag:s16], $0x500  }
0x1a7: {  	s3 =	sadd.s32 $0x1, s3;
	[sflag:s16] =	ssyncset.done $0x0  }
0x1a8: {  	p0 =	sne.s32 s3, s11;
	[sflag:s16] =	ssyncadd.s32 $0xFFFFFB00  }
.Ltmp3:
0x1a9: {  	[bflag:$0x0] =	sbarrier.arrive $0xFFFF;
	(pc) =	sbr.rel @p0 .LBB2_1-.Ltmp3, $4  }
0x1aa: {  	[hbm:s10], [sflag:s17] =	dma.local [spmem:s18], $0x4E2  }
0x1ab: {  	_ =	swait.ge [sflag:s13], $0x4E2  }
0x1ac: {  	[sflag:s13] =	ssyncset.done $0x0  }
0x1ad: {  	[sflag:s13] =	ssyncadd.s32 $0xFFFFFB1E  }
0x1ae: {  	_ =	sfence.sel $0x180000  }
0x1af: {  	[bflag:$0x0] =	sbarrier.arrive $0xFFFF  }
0x1b0: {  	p0 =	sne.s32 s0, $0x0;
	_ =	strace $0x90000047  }
0x1b1: {  	s0 =	sadd.s32 @!p0 $0x100000, s1;
	[bflag:$0x2] =	sbarrier.arrive $0xFFFF  }
0x1b2: {  	[sflag:s0] =	ssyncadd.tile.s32 @!p0 $0x1;
	_ =	shalt  }
.Lfunc_end2:
_tile_overlayer_lowered:
.L_overlay_start_2:
0x1b3: {  	(tag) =	ssettag $0x2  }
0x1b4: {  	s0 =	rddreg [dreg:$0x0];
	s2 =	stileid.u32  }
0x1b5: {  	s1 =	rddreg [dreg:$0x1];
	p0 =	sne.s32 s2, $0x0  }
0x1b6: {  	s3 =	rddreg [dreg:$0x2];
	[bflag:$0x3] =	sbarrier.arrive $0xFFFF;
	s2 =	simm.s32 @!p0 $0x1C02  }
0x1b7: {  	[timem:s3], [sflag:s2] =	dma.local @!p0 [hbm:s0], s1  }
0x1b8: {  	s0 =	simm.s32 @!p0 $0x2  }
0x1b9: {  	_ =	swait.ge @!p0 [sflag:s0], s1  }
0x1ba: {  	s1 =	ssub.s32 @!p0 $0x0, s1;
	[sflag:s0] =	ssyncset.done @!p0 $0x0  }
0x1bb: {  	[sflag:s0] =	ssyncadd.s32 @!p0 s1  }
0x1bc: {  	[bflag:$0x3] =	sbarrier.arrive $0xFFFF  }
0x1bd: {  	_ =	shalt  }

</sc_bundles>
